<compile_context>
chip_gen: v7x
topology: tpu7x:2x2x1
jax: 0.10.2.dev20260603
libtpu: 0.0.44.dev20260713+nightly
codegen_flags: <defaults>
</compile_context>

<pallas_src>
import jax
import jax.numpy as jnp
from jax import lax
from jax.experimental import pallas as pl
from jax.experimental.pallas import tpu as pltpu
from jax.experimental.pallas import tpu_sc as plsc

N_NODES = 10000
IN_DIM = 128
H = 64

NC = 2
NS = 16
NW = NC * NS
CHUNK = 128
N_PAD = 10112
ROWS_PER_TILE = N_PAD // NS
CNT_W = 16

NBUF = 6
LEAD = 3

GRID = 5
BLK = N_NODES // GRID


def _make_sc_scatter(tchunks, with_count):
  base = tchunks // NW
  extra = tchunks % NW
  n_seq = base % NBUF
  n_pipe = base - n_seq
  out_type = [jax.ShapeDtypeStruct((N_PAD, NC * H), jnp.float32)]
  if with_count:
    out_type.append(jax.ShapeDtypeStruct((N_PAD, 128), jnp.float32))

  scratch = [
      pltpu.VMEM((base + 1, CHUNK), jnp.int32),
      pltpu.VMEM((base + 1, CHUNK), jnp.int32),
      pltpu.VMEM_SHARED((N_PAD, H), jnp.float32),
  ]
  scratch += [pltpu.VMEM((CHUNK, H), jnp.float32)] * NBUF
  scratch += [pltpu.SemaphoreType.DMA] * NBUF
  scratch += [pltpu.SemaphoreType.DMA] * NBUF
  if with_count:
    scratch += [
        pltpu.VMEM((CHUNK, CNT_W), jnp.float32),
        pltpu.VMEM_SHARED((N_PAD, CNT_W), jnp.float32),
    ]
    scratch += [pltpu.SemaphoreType.DMA] * NBUF

  def body(p_hbm, ei_hbm, zeros64, *rest):
    if with_count:
      ones_hbm, acc_out, cnt_out = rest[:3]
      rest = rest[3:]
    else:
      acc_out = rest[0]
      rest = rest[1:]
    sidx, didx, acc_sh = rest[:3]
    gbufs = rest[3:3 + NBUF]
    semg = rest[3 + NBUF:3 + 2 * NBUF]
    sems = rest[3 + 2 * NBUF:3 + 3 * NBUF]
    if with_count:
      ones_v, cnt_sh = rest[3 + 3 * NBUF:3 + 3 * NBUF + 2]
      semc = rest[3 + 3 * NBUF + 2:]
    cid = lax.axis_index("c")
    sid = lax.axis_index("s")
    w = cid * NS + sid
    row0 = sid * ROWS_PER_TILE
    start_w = w * base + lax.min(w, extra)
    has_extra = w < extra

    pltpu.sync_copy(zeros64.at[pl.ds(row0, ROWS_PER_TILE)],
                    acc_sh.at[pl.ds(row0, ROWS_PER_TILE)])
    if with_count:
      pltpu.sync_copy(zeros64.at[pl.ds(row0, ROWS_PER_TILE), pl.ds(0, CNT_W)],
                      cnt_sh.at[pl.ds(row0, ROWS_PER_TILE)])
      pltpu.sync_copy(ones_hbm, ones_v)
    pltpu.sync_copy(ei_hbm.at[pl.ds(start_w, base)],
                    sidx.at[pl.ds(0, base)])
    pltpu.sync_copy(ei_hbm.at[pl.ds(tchunks + start_w, base)],
                    didx.at[pl.ds(0, base)])
    @pl.when(has_extra)
    def _():
      pltpu.sync_copy(ei_hbm.at[pl.ds(start_w + base, 1)],
                      sidx.at[pl.ds(base, 1)])
      pltpu.sync_copy(ei_hbm.at[pl.ds(tchunks + start_w + base, 1)],
                      didx.at[pl.ds(base, 1)])
    plsc.subcore_barrier()

    def wait_scatter(slot):
      pltpu.make_async_copy(gbufs[slot], acc_sh.at[didx.at[0]],
                            sems[slot]).wait()
      if with_count:
        pltpu.make_async_copy(ones_v, cnt_sh.at[didx.at[0]],
                              semc[slot]).wait()

    for b in range(LEAD):
      pltpu.async_copy(p_hbm.at[sidx.at[b]], gbufs[b], semg[b])

    def group_body(g, carry):
      j0 = g * NBUF
      for b in range(NBUF):
        jj = j0 + b
        bw = (b + LEAD) % NBUF
        if b < LEAD:
          @pl.when(g > 0)
          def _():
            wait_scatter(bw)
        else:
          wait_scatter(bw)
        @pl.when(jj + LEAD < n_pipe)
        def _():
          pltpu.async_copy(p_hbm.at[sidx.at[jj + LEAD]], gbufs[bw], semg[bw])
        pltpu.make_async_copy(p_hbm.at[sidx.at[0]], gbufs[b], semg[b]).wait()
        pltpu.async_copy(gbufs[b], acc_sh.at[didx.at[jj]], sems[b], add=True)
        if with_count:
          pltpu.async_copy(ones_v, cnt_sh.at[didx.at[jj]], semc[b], add=True)
      return carry

    lax.fori_loop(0, n_pipe // NBUF, group_body, 0)
    for b in range(LEAD, NBUF):
      wait_scatter(b)

    def run_chunk(j):
      pltpu.async_copy(p_hbm.at[sidx.at[j]], gbufs[0], semg[0]).wait()
      pltpu.sync_copy(gbufs[0], acc_sh.at[didx.at[j]], add=True)
      if with_count:
        pltpu.sync_copy(ones_v, cnt_sh.at[didx.at[j]], add=True)

    for j in range(n_pipe, base):
      run_chunk(j)
    @pl.when(has_extra)
    def _():
      run_chunk(base)
    plsc.subcore_barrier()

    pltpu.sync_copy(acc_sh.at[pl.ds(row0, ROWS_PER_TILE)],
                    acc_out.at[pl.ds(row0, ROWS_PER_TILE), pl.ds(cid * H, H)])
    if with_count:
      pltpu.sync_copy(
          cnt_sh.at[pl.ds(row0, ROWS_PER_TILE)],
          cnt_out.at[pl.ds(row0, ROWS_PER_TILE), pl.ds(cid * CNT_W, CNT_W)])

  mesh = plsc.VectorSubcoreMesh(core_axis_name="c", subcore_axis_name="s",
                                num_cores=NC, num_subcores=NS)
  return pl.kernel(body, out_type=out_type, mesh=mesh,
                   scratch_types=scratch,
                   compiler_params=pltpu.CompilerParams(
                       use_tc_tiling_on_sc=False))


def _tc_matmul(x_ref, w_ref, o_ref):
  o_ref[...] = jnp.dot(x_ref[...], w_ref[...],
                       preferred_element_type=jnp.float32)


def _tc_mid(acc_ref, cnt_ref, r1_ref, b1_ref, wl_ref,
            p2_ref, z_ref, inv_ref):
  cnt = cnt_ref[:, :CNT_W] + cnt_ref[:, CNT_W:2 * CNT_W]
  inv = 1.0 / jnp.maximum(cnt, 1.0)
  inv_ref[...] = inv
  agg = acc_ref[:, :H] + acc_ref[:, H:]
  z = jnp.maximum(agg * inv[:, :1] + b1_ref[...] + r1_ref[...], 0.0)
  z_ref[...] = z
  p2_ref[...] = jnp.dot(z, wl_ref[...], preferred_element_type=jnp.float32)


def _tc_final(acc_ref, inv_ref, r2_ref, b2_ref, out_ref):
  agg = acc_ref[:, :H] + acc_ref[:, H:]
  out_ref[...] = agg * inv_ref[:, :1] + b2_ref[...] + r2_ref[...]


def _rows(i):
  return (i, 0)


def _rep(i):
  return (0, 0)


@jax.jit
def kernel(x, edge_index, W1l, b1l, W1r, W2l, b2l, W2r):
  n_edges = edge_index.shape[1]
  tchunks = n_edges // CHUNK
  ei32 = edge_index.astype(jnp.int32)
  ei = jnp.concatenate([ei32[0].reshape(tchunks, CHUNK),
                        ei32[1].reshape(tchunks, CHUNK)], axis=0)

  zeros64 = jnp.zeros((N_PAD, H), jnp.float32)
  ones = jnp.ones((CHUNK, CNT_W), jnp.float32)
  out64 = jax.ShapeDtypeStruct((N_NODES, H), jnp.float32)

  mm = pl.pallas_call(
      _tc_matmul,
      grid=(GRID,),
      in_specs=[pl.BlockSpec((BLK, IN_DIM), _rows),
                pl.BlockSpec((IN_DIM, H), _rep)],
      out_specs=pl.BlockSpec((BLK, H), _rows),
      out_shape=out64,
  )
  p1 = mm(x, W1l.T)
  r1 = mm(x, W1r.T)

  sc1 = _make_sc_scatter(tchunks, with_count=True)
  acc1, cnt = sc1(p1, ei, zeros64, ones)

  p2, z, inv = pl.pallas_call(
      _tc_mid,
      grid=(GRID,),
      in_specs=[pl.BlockSpec((BLK, NC * H), _rows),
                pl.BlockSpec((BLK, 128), _rows),
                pl.BlockSpec((BLK, H), _rows),
                pl.BlockSpec((1, H), _rep),
                pl.BlockSpec((H, H), _rep)],
      out_specs=[pl.BlockSpec((BLK, H), _rows),
                 pl.BlockSpec((BLK, H), _rows),
                 pl.BlockSpec((BLK, CNT_W), _rows)],
      out_shape=[out64, out64,
                 jax.ShapeDtypeStruct((N_NODES, CNT_W), jnp.float32)],
  )(acc1, cnt, r1, b1l.reshape(1, H), W2l.T)

  sc2 = _make_sc_scatter(tchunks, with_count=False)
  (acc2,) = sc2(p2, ei, zeros64)
  r2 = pl.pallas_call(
      _tc_matmul,
      grid=(GRID,),
      in_specs=[pl.BlockSpec((BLK, H), _rows),
                pl.BlockSpec((H, H), _rep)],
      out_specs=pl.BlockSpec((BLK, H), _rows),
      out_shape=out64,
  )(z, W2r.T)

  out = pl.pallas_call(
      _tc_final,
      grid=(GRID,),
      in_specs=[pl.BlockSpec((BLK, NC * H), _rows),
                pl.BlockSpec((BLK, CNT_W), _rows),
                pl.BlockSpec((BLK, H), _rows),
                pl.BlockSpec((1, H), _rep)],
      out_specs=pl.BlockSpec((BLK, H), _rows),
      out_shape=out64,
  )(acc2, inv, r2, b2l.reshape(1, H))

  return out

# --- scband reference (transcript-rebuilt; emitter-appended) ---
"""Pipeline reference for scband-graph-sage-26431228739933 (READ-ONLY COPY).

The authoritative reference and input builder live on the scoring server;
editing this copy changes nothing except your own understanding.
"""

import jax, jax.numpy as jnp
import numpy as np

N_NODES = 10000
N_EDGES = 320000
IN_DIM = 128
H = 64


def setup_inputs(seed: int = 0) -> dict:
    key = jax.random.key(seed)
    ks = jax.random.split(key, 8)
    x = jax.random.normal(ks[0], (N_NODES, IN_DIM), dtype=jnp.float32)
    edge_index = jax.random.randint(ks[1], (2, N_EDGES), 0, N_NODES, dtype=jnp.int64)
    # SAGEConv params: lin_l (bias=True) applied to aggregated neighbors, lin_r (bias=False) applied to root
    s1 = 1.0 / np.sqrt(IN_DIM)
    s2 = 1.0 / np.sqrt(H)
    W1l = jax.random.uniform(ks[2], (H, IN_DIM), minval=-s1, maxval=s1, dtype=jnp.float32)
    b1l = jnp.zeros((H,), dtype=jnp.float32)
    W1r = jax.random.uniform(ks[3], (H, IN_DIM), minval=-s1, maxval=s1, dtype=jnp.float32)
    W2l = jax.random.uniform(ks[4], (H, H), minval=-s2, maxval=s2, dtype=jnp.float32)
    b2l = jnp.zeros((H,), dtype=jnp.float32)
    W2r = jax.random.uniform(ks[5], (H, H), minval=-s2, maxval=s2, dtype=jnp.float32)
    return {"x": x, "edge_index": edge_index, "W1l": W1l, "b1l": b1l, "W1r": W1r, "W2l": W2l, "b2l": b2l, "W2r": W2r}


def _sage_conv(x, src, dst, Wl, bl, Wr, num_nodes):
    # mean aggregation of source features at destination nodes
    msg = x[src]  # gather [E, d]
    agg = jax.ops.segment_sum(msg, dst, num_segments=num_nodes)
    cnt = jax.ops.segment_sum(jnp.ones((src.shape[0],), dtype=x.dtype), dst, num_segments=num_nodes)
    mean = agg / jnp.clip(cnt, 1.0, None)[:, None]
    return mean @ Wl.T + bl + x @ Wr.T


def reference(x, edge_index, W1l, b1l, W1r, W2l, b2l, W2r):
    src = edge_index[0]
    dst = edge_index[1]
    n = x.shape[0]
    z = jax.nn.relu(_sage_conv(x, src, dst, W1l, b1l, W1r, n))
    z = _sage_conv(z, src, dst, W2l, b2l, W2r, n)
    return z

if __name__ == "__main__":
    import jax
    _d = setup_inputs()
    print(jax.jit(kernel)(*tuple(_d.values())))

</pallas_src>

<mosaic_0001>
#map = affine_map<(d0, d1) -> (0, 0)>
module attributes {stable_mosaic.version = 14 : i64} {
  func.func @body(%arg0: i32, %arg1: i32, %arg2: memref<10000x64xf32, #tpu.memory_space<hbm>>, %arg3: memref<5000x128xi32, #tpu.memory_space<hbm>>, %arg4: memref<10112x64xf32, #tpu.memory_space<hbm>>, %arg5: memref<10112x128xf32, #tpu.memory_space<hbm>>, %arg6: memref<79x128xi32, #tpu.memory_space<vmem>>, %arg7: memref<79x128xi32, #tpu.memory_space<vmem>>, %arg8: memref<10112x64xf32, #tpu.memory_space<vmem_shared>>, %arg9: memref<128x64xf32, #tpu.memory_space<vmem>>, %arg10: memref<128x64xf32, #tpu.memory_space<vmem>>, %arg11: memref<128x64xf32, #tpu.memory_space<vmem>>, %arg12: memref<128x64xf32, #tpu.memory_space<vmem>>, %arg13: memref<128x64xf32, #tpu.memory_space<vmem>>, %arg14: memref<128x64xf32, #tpu.memory_space<vmem>>, %arg15: memref<!tpu.dma_semaphore, #tpu.memory_space<semaphore_mem>>, %arg16: memref<!tpu.dma_semaphore, #tpu.memory_space<semaphore_mem>>, %arg17: memref<!tpu.dma_semaphore, #tpu.memory_space<semaphore_mem>>, %arg18: memref<!tpu.dma_semaphore, #tpu.memory_space<semaphore_mem>>, %arg19: memref<!tpu.dma_semaphore, #tpu.memory_space<semaphore_mem>>, %arg20: memref<!tpu.dma_semaphore, #tpu.memory_space<semaphore_mem>>, %arg21: memref<!tpu.dma_semaphore, #tpu.memory_space<semaphore_mem>>, %arg22: memref<!tpu.dma_semaphore, #tpu.memory_space<semaphore_mem>>, %arg23: memref<!tpu.dma_semaphore, #tpu.memory_space<semaphore_mem>>, %arg24: memref<!tpu.dma_semaphore, #tpu.memory_space<semaphore_mem>>, %arg25: memref<!tpu.dma_semaphore, #tpu.memory_space<semaphore_mem>>, %arg26: memref<!tpu.dma_semaphore, #tpu.memory_space<semaphore_mem>>) attributes {dimension_semantics = [#tpu.dimension_semantics<core_parallel>, #tpu.dimension_semantics<subcore_parallel>], iteration_bounds = array<i64: 2, 16>, scalar_prefetch = 0 : i64, scratch_operands = 21 : i64, tpu.core_type = #tpu.core_type<sc_vector_subcore>, window_params = [{transform_indices = #map}, {transform_indices = #map}, {transform_indices = #map}, {transform_indices = #map}]} {
    %mul3A = arith.constant 16 : i32
    %mul3A_0 = arith.muli %arg0, %mul3A : i32
    %add3A = arith.addi %mul3A_0, %arg1 : i32
    %mul3A_1 = arith.constant 632 : i32
    %mul3A_2 = arith.muli %arg1, %mul3A_1 : i32
    %mul3A_3 = arith.constant 78 : i32
    %mul3A_4 = arith.muli %add3A, %mul3A_3 : i32
    %min3A = arith.constant 4 : i32
    %min3A_5 = arith.minsi %add3A, %min3A : i32
    %add3A_6 = arith.addi %mul3A_4, %min3A_5 : i32
    %lt3A = arith.constant 4 : i32
    %lt3A_7 = arith.cmpi slt, %add3A, %lt3A : i32
    "tpu.region"() ({
      %run_scoped3A = tpu.sem_alloc : memref<!tpu.dma_semaphore, #tpu.memory_space<semaphore_mem>>
      %dma_start3A_62 = arith.constant 0 : i32
      %dma_start3A_63 = tpu.memref_slice %arg8[%mul3A_2, %dma_start3A_62] : memref<10112x64xf32, #tpu.memory_space<vmem_shared>> -> memref<632x64xf32, #tpu.memory_space<vmem_shared>>
      %dma_start3A_64 = arith.constant 0 : i32
      %dma_start3A_65 = tpu.memref_slice %arg4[%mul3A_2, %dma_start3A_64] : memref<10112x64xf32, #tpu.memory_space<hbm>> -> memref<632x64xf32, #tpu.memory_space<hbm>>
      tpu.enqueue_dma source(%dma_start3A_65 : memref<632x64xf32, #tpu.memory_space<hbm>>) target(%dma_start3A_63 : memref<632x64xf32, #tpu.memory_space<vmem_shared>>) target_semaphore(%run_scoped3A : memref<!tpu.dma_semaphore, #tpu.memory_space<semaphore_mem>>)
      %dma_wait3A_66 = arith.constant 0 : i32
      %dma_wait3A_67 = tpu.memref_slice %arg8[%mul3A_2, %dma_wait3A_66] : memref<10112x64xf32, #tpu.memory_space<vmem_shared>> -> memref<632x64xf32, #tpu.memory_space<vmem_shared>>
      %dma_wait3A_68 = arith.constant 0 : i32
      %dma_wait3A_69 = tpu.memref_slice %arg4[%mul3A_2, %dma_wait3A_68] : memref<10112x64xf32, #tpu.memory_space<hbm>> -> memref<632x64xf32, #tpu.memory_space<hbm>>
      tpu.wait_dma2 semaphore(%run_scoped3A : memref<!tpu.dma_semaphore, #tpu.memory_space<semaphore_mem>>) src(%dma_wait3A_69 : memref<632x64xf32, #tpu.memory_space<hbm>>) dst(%dma_wait3A_67 : memref<632x64xf32, #tpu.memory_space<vmem_shared>>)
      tpu.yield
    }) : () -> ()
    "tpu.region"() ({
      %run_scoped3A = tpu.sem_alloc : memref<!tpu.dma_semaphore, #tpu.memory_space<semaphore_mem>>
      %dma_start3A_62 = arith.constant 0 : i32
      %dma_start3A_63 = arith.constant 0 : i32
      %dma_start3A_64 = tpu.memref_slice %arg6[%dma_start3A_62, %dma_start3A_63] : memref<79x128xi32, #tpu.memory_space<vmem>> -> memref<78x128xi32, #tpu.memory_space<vmem>>
      %dma_start3A_65 = arith.constant 0 : i32
      %dma_start3A_66 = tpu.memref_slice %arg3[%add3A_6, %dma_start3A_65] : memref<5000x128xi32, #tpu.memory_space<hbm>> -> memref<78x128xi32, #tpu.memory_space<hbm>>
      %dma_start3A_67 = arith.constant 0 : i32
      %dma_start3A_68 = arith.constant 0 : i32
      %dma_start3A_69 = tpu.memref_slice %arg6[%dma_start3A_67, %dma_start3A_68] : memref<79x128xi32, #tpu.memory_space<vmem>> -> memref<78x128xi32, #tpu.memory_space<vmem>>
      %dma_start3A_70 = arith.constant 0 : i32
      %dma_start3A_71 = tpu.memref_slice %arg3[%add3A_6, %dma_start3A_70] : memref<5000x128xi32, #tpu.memory_space<hbm>> -> memref<78x128xi32, #tpu.memory_space<hbm>>
      tpu.enqueue_dma source(%dma_start3A_71 : memref<78x128xi32, #tpu.memory_space<hbm>>) target(%dma_start3A_69 : memref<78x128xi32, #tpu.memory_space<vmem>>) target_semaphore(%run_scoped3A : memref<!tpu.dma_semaphore, #tpu.memory_space<semaphore_mem>>)
      %dma_wait3A_72 = arith.constant 0 : i32
      %dma_wait3A_73 = arith.constant 0 : i32
      %dma_wait3A_74 = tpu.memref_slice %arg6[%dma_wait3A_72, %dma_wait3A_73] : memref<79x128xi32, #tpu.memory_space<vmem>> -> memref<78x128xi32, #tpu.memory_space<vmem>>
      %dma_wait3A_75 = arith.constant 0 : i32
      %dma_wait3A_76 = tpu.memref_slice %arg3[%add3A_6, %dma_wait3A_75] : memref<5000x128xi32, #tpu.memory_space<hbm>> -> memref<78x128xi32, #tpu.memory_space<hbm>>
      %dma_wait3A_77 = arith.constant 0 : i32
      %dma_wait3A_78 = arith.constant 0 : i32
      %dma_wait3A_79 = tpu.memref_slice %arg6[%dma_wait3A_77, %dma_wait3A_78] : memref<79x128xi32, #tpu.memory_space<vmem>> -> memref<78x128xi32, #tpu.memory_space<vmem>>
      %dma_wait3A_80 = arith.constant 0 : i32
      %dma_wait3A_81 = tpu.memref_slice %arg3[%add3A_6, %dma_wait3A_80] : memref<5000x128xi32, #tpu.memory_space<hbm>> -> memref<78x128xi32, #tpu.memory_space<hbm>>
      tpu.wait_dma2 semaphore(%run_scoped3A : memref<!tpu.dma_semaphore, #tpu.memory_space<semaphore_mem>>) src(%dma_wait3A_81 : memref<78x128xi32, #tpu.memory_space<hbm>>) dst(%dma_wait3A_79 : memref<78x128xi32, #tpu.memory_space<vmem>>)
      tpu.yield
    }) : () -> ()
    %add3A_8 = arith.constant 2500 : i32
    %add3A_9 = arith.addi %add3A_8, %add3A_6 : i32
    "tpu.region"() ({
      %run_scoped3A = tpu.sem_alloc : memref<!tpu.dma_semaphore, #tpu.memory_space<semaphore_mem>>
      %dma_start3A_62 = arith.constant 0 : i32
      %dma_start3A_63 = arith.constant 0 : i32
      %dma_start3A_64 = tpu.memref_slice %arg7[%dma_start3A_62, %dma_start3A_63] : memref<79x128xi32, #tpu.memory_space<vmem>> -> memref<78x128xi32, #tpu.memory_space<vmem>>
      %dma_start3A_65 = arith.constant 0 : i32
      %dma_start3A_66 = tpu.memref_slice %arg3[%add3A_9, %dma_start3A_65] : memref<5000x128xi32, #tpu.memory_space<hbm>> -> memref<78x128xi32, #tpu.memory_space<hbm>>
      %dma_start3A_67 = arith.constant 0 : i32
      %dma_start3A_68 = arith.constant 0 : i32
      %dma_start3A_69 = tpu.memref_slice %arg7[%dma_start3A_67, %dma_start3A_68] : memref<79x128xi32, #tpu.memory_space<vmem>> -> memref<78x128xi32, #tpu.memory_space<vmem>>
      %dma_start3A_70 = arith.constant 0 : i32
      %dma_start3A_71 = tpu.memref_slice %arg3[%add3A_9, %dma_start3A_70] : memref<5000x128xi32, #tpu.memory_space<hbm>> -> memref<78x128xi32, #tpu.memory_space<hbm>>
      tpu.enqueue_dma source(%dma_start3A_71 : memref<78x128xi32, #tpu.memory_space<hbm>>) target(%dma_start3A_69 : memref<78x128xi32, #tpu.memory_space<vmem>>) target_semaphore(%run_scoped3A : memref<!tpu.dma_semaphore, #tpu.memory_space<semaphore_mem>>)
      %dma_wait3A_72 = arith.constant 0 : i32
      %dma_wait3A_73 = arith.constant 0 : i32
      %dma_wait3A_74 = tpu.memref_slice %arg7[%dma_wait3A_72, %dma_wait3A_73] : memref<79x128xi32, #tpu.memory_space<vmem>> -> memref<78x128xi32, #tpu.memory_space<vmem>>
      %dma_wait3A_75 = arith.constant 0 : i32
      %dma_wait3A_76 = tpu.memref_slice %arg3[%add3A_9, %dma_wait3A_75] : memref<5000x128xi32, #tpu.memory_space<hbm>> -> memref<78x128xi32, #tpu.memory_space<hbm>>
      %dma_wait3A_77 = arith.constant 0 : i32
      %dma_wait3A_78 = arith.constant 0 : i32
      %dma_wait3A_79 = tpu.memref_slice %arg7[%dma_wait3A_77, %dma_wait3A_78] : memref<79x128xi32, #tpu.memory_space<vmem>> -> memref<78x128xi32, #tpu.memory_space<vmem>>
      %dma_wait3A_80 = arith.constant 0 : i32
      %dma_wait3A_81 = tpu.memref_slice %arg3[%add3A_9, %dma_wait3A_80] : memref<5000x128xi32, #tpu.memory_space<hbm>> -> memref<78x128xi32, #tpu.memory_space<hbm>>
      tpu.wait_dma2 semaphore(%run_scoped3A : memref<!tpu.dma_semaphore, #tpu.memory_space<semaphore_mem>>) src(%dma_wait3A_81 : memref<78x128xi32, #tpu.memory_space<hbm>>) dst(%dma_wait3A_79 : memref<78x128xi32, #tpu.memory_space<vmem>>)
      tpu.yield
    }) : () -> ()
    %convert_element_type3A = arith.extui %lt3A_7 : i1 to i32
    %cond3A = arith.constant 0 : i32
    %cond3A_10 = arith.cmpi ne, %convert_element_type3A, %cond3A : i32
    scf.if %cond3A_10 {
      %add3A_62 = arith.constant 78 : i32
      %add3A_63 = arith.addi %add3A_6, %add3A_62 : i32
      "tpu.region"() ({
        %run_scoped3A = tpu.sem_alloc : memref<!tpu.dma_semaphore, #tpu.memory_space<semaphore_mem>>
        %dma_start3A_68 = arith.constant 78 : i32
        %dma_start3A_69 = arith.constant 0 : i32
        %dma_start3A_70 = tpu.memref_slice %arg6[%dma_start3A_68, %dma_start3A_69] : memref<79x128xi32, #tpu.memory_space<vmem>> -> memref<1x128xi32, #tpu.memory_space<vmem>>
        %dma_start3A_71 = arith.constant 0 : i32
        %dma_start3A_72 = tpu.memref_slice %arg3[%add3A_63, %dma_start3A_71] : memref<5000x128xi32, #tpu.memory_space<hbm>> -> memref<1x128xi32, #tpu.memory_space<hbm>>
        %dma_start3A_73 = arith.constant 78 : i32
        %dma_start3A_74 = arith.constant 0 : i32
        %dma_start3A_75 = tpu.memref_slice %arg6[%dma_start3A_73, %dma_start3A_74] : memref<79x128xi32, #tpu.memory_space<vmem>> -> memref<1x128xi32, #tpu.memory_space<vmem>>
        %dma_start3A_76 = arith.constant 0 : i32
        %dma_start3A_77 = tpu.memref_slice %arg3[%add3A_63, %dma_start3A_76] : memref<5000x128xi32, #tpu.memory_space<hbm>> -> memref<1x128xi32, #tpu.memory_space<hbm>>
        tpu.enqueue_dma source(%dma_start3A_77 : memref<1x128xi32, #tpu.memory_space<hbm>>) target(%dma_start3A_75 : memref<1x128xi32, #tpu.memory_space<vmem>>) target_semaphore(%run_scoped3A : memref<!tpu.dma_semaphore, #tpu.memory_space<semaphore_mem>>)
        %dma_wait3A_78 = arith.constant 78 : i32
        %dma_wait3A_79 = arith.constant 0 : i32
        %dma_wait3A_80 = tpu.memref_slice %arg6[%dma_wait3A_78, %dma_wait3A_79] : memref<79x128xi32, #tpu.memory_space<vmem>> -> memref<1x128xi32, #tpu.memory_space<vmem>>
        %dma_wait3A_81 = arith.constant 0 : i32
        %dma_wait3A_82 = tpu.memref_slice %arg3[%add3A_63, %dma_wait3A_81] : memref<5000x128xi32, #tpu.memory_space<hbm>> -> memref<1x128xi32, #tpu.memory_space<hbm>>
        %dma_wait3A_83 = arith.constant 78 : i32
        %dma_wait3A_84 = arith.constant 0 : i32
        %dma_wait3A_85 = tpu.memref_slice %arg6[%dma_wait3A_83, %dma_wait3A_84] : memref<79x128xi32, #tpu.memory_space<vmem>> -> memref<1x128xi32, #tpu.memory_space<vmem>>
        %dma_wait3A_86 = arith.constant 0 : i32
        %dma_wait3A_87 = tpu.memref_slice %arg3[%add3A_63, %dma_wait3A_86] : memref<5000x128xi32, #tpu.memory_space<hbm>> -> memref<1x128xi32, #tpu.memory_space<hbm>>
        tpu.wait_dma2 semaphore(%run_scoped3A : memref<!tpu.dma_semaphore, #tpu.memory_space<semaphore_mem>>) src(%dma_wait3A_87 : memref<1x128xi32, #tpu.memory_space<hbm>>) dst(%dma_wait3A_85 : memref<1x128xi32, #tpu.memory_space<vmem>>)
        tpu.yield
      }) : () -> ()
      %add3A_64 = arith.constant 2500 : i32
      %add3A_65 = arith.addi %add3A_64, %add3A_6 : i32
      %add3A_66 = arith.constant 78 : i32
      %add3A_67 = arith.addi %add3A_65, %add3A_66 : i32
      "tpu.region"() ({
        %run_scoped3A = tpu.sem_alloc : memref<!tpu.dma_semaphore, #tpu.memory_space<semaphore_mem>>
        %dma_start3A_68 = arith.constant 78 : i32
        %dma_start3A_69 = arith.constant 0 : i32
        %dma_start3A_70 = tpu.memref_slice %arg7[%dma_start3A_68, %dma_start3A_69] : memref<79x128xi32, #tpu.memory_space<vmem>> -> memref<1x128xi32, #tpu.memory_space<vmem>>
        %dma_start3A_71 = arith.constant 0 : i32
        %dma_start3A_72 = tpu.memref_slice %arg3[%add3A_67, %dma_start3A_71] : memref<5000x128xi32, #tpu.memory_space<hbm>> -> memref<1x128xi32, #tpu.memory_space<hbm>>
        %dma_start3A_73 = arith.constant 78 : i32
        %dma_start3A_74 = arith.constant 0 : i32
        %dma_start3A_75 = tpu.memref_slice %arg7[%dma_start3A_73, %dma_start3A_74] : memref<79x128xi32, #tpu.memory_space<vmem>> -> memref<1x128xi32, #tpu.memory_space<vmem>>
        %dma_start3A_76 = arith.constant 0 : i32
        %dma_start3A_77 = tpu.memref_slice %arg3[%add3A_67, %dma_start3A_76] : memref<5000x128xi32, #tpu.memory_space<hbm>> -> memref<1x128xi32, #tpu.memory_space<hbm>>
        tpu.enqueue_dma source(%dma_start3A_77 : memref<1x128xi32, #tpu.memory_space<hbm>>) target(%dma_start3A_75 : memref<1x128xi32, #tpu.memory_space<vmem>>) target_semaphore(%run_scoped3A : memref<!tpu.dma_semaphore, #tpu.memory_space<semaphore_mem>>)
        %dma_wait3A_78 = arith.constant 78 : i32
        %dma_wait3A_79 = arith.constant 0 : i32
        %dma_wait3A_80 = tpu.memref_slice %arg7[%dma_wait3A_78, %dma_wait3A_79] : memref<79x128xi32, #tpu.memory_space<vmem>> -> memref<1x128xi32, #tpu.memory_space<vmem>>
        %dma_wait3A_81 = arith.constant 0 : i32
        %dma_wait3A_82 = tpu.memref_slice %arg3[%add3A_67, %dma_wait3A_81] : memref<5000x128xi32, #tpu.memory_space<hbm>> -> memref<1x128xi32, #tpu.memory_space<hbm>>
        %dma_wait3A_83 = arith.constant 78 : i32
        %dma_wait3A_84 = arith.constant 0 : i32
        %dma_wait3A_85 = tpu.memref_slice %arg7[%dma_wait3A_83, %dma_wait3A_84] : memref<79x128xi32, #tpu.memory_space<vmem>> -> memref<1x128xi32, #tpu.memory_space<vmem>>
        %dma_wait3A_86 = arith.constant 0 : i32
        %dma_wait3A_87 = tpu.memref_slice %arg3[%add3A_67, %dma_wait3A_86] : memref<5000x128xi32, #tpu.memory_space<hbm>> -> memref<1x128xi32, #tpu.memory_space<hbm>>
        tpu.wait_dma2 semaphore(%run_scoped3A : memref<!tpu.dma_semaphore, #tpu.memory_space<semaphore_mem>>) src(%dma_wait3A_87 : memref<1x128xi32, #tpu.memory_space<hbm>>) dst(%dma_wait3A_85 : memref<1x128xi32, #tpu.memory_space<vmem>>)
        tpu.yield
      }) : () -> ()
    } else {
    }
    %barrier3A = arith.constant 0 : index
    tpu.barrier barrier_id(%barrier3A)
    %dma_start3A = arith.constant 0 : i32
    %dma_start3A_11 = arith.constant 0 : i32
    %dma_start3A_12 = tpu.memref_slice %arg6[%dma_start3A, %dma_start3A_11] : memref<79x128xi32, #tpu.memory_space<vmem>> -> memref<1x128xi32, #tpu.memory_space<vmem>>
    %dma_start3A_13 = tpu.memref_squeeze %dma_start3A_12 : memref<1x128xi32, #tpu.memory_space<vmem>> -> memref<128xi32, #tpu.memory_space<vmem>>
    %dma_start3A_14 = arith.constant 0 : i32
    %dma_start3A_15 = arith.constant 0 : i32
    %dma_start3A_16 = tpu.memref_slice %arg2[%dma_start3A_14, %dma_start3A_15] : memref<10000x64xf32, #tpu.memory_space<hbm>> -> memref<10000x64xf32, #tpu.memory_space<hbm>>
    tpu.enqueue_indirect_dma source(%dma_start3A_16 : memref<10000x64xf32, #tpu.memory_space<hbm>>) target(%arg9 : memref<128x64xf32, #tpu.memory_space<vmem>>) offsets(%dma_start3A_13 : memref<128xi32, #tpu.memory_space<vmem>>) semaphore(%arg15 : memref<!tpu.dma_semaphore, #tpu.memory_space<semaphore_mem>>)
    %dma_start3A_17 = arith.constant 1 : i32
    %dma_start3A_18 = arith.constant 0 : i32
    %dma_start3A_19 = tpu.memref_slice %arg6[%dma_start3A_17, %dma_start3A_18] : memref<79x128xi32, #tpu.memory_space<vmem>> -> memref<1x128xi32, #tpu.memory_space<vmem>>
    %dma_start3A_20 = tpu.memref_squeeze %dma_start3A_19 : memref<1x128xi32, #tpu.memory_space<vmem>> -> memref<128xi32, #tpu.memory_space<vmem>>
    %dma_start3A_21 = arith.constant 0 : i32
    %dma_start3A_22 = arith.constant 0 : i32
    %dma_start3A_23 = tpu.memref_slice %arg2[%dma_start3A_21, %dma_start3A_22] : memref<10000x64xf32, #tpu.memory_space<hbm>> -> memref<10000x64xf32, #tpu.memory_space<hbm>>
    tpu.enqueue_indirect_dma source(%dma_start3A_23 : memref<10000x64xf32, #tpu.memory_space<hbm>>) target(%arg10 : memref<128x64xf32, #tpu.memory_space<vmem>>) offsets(%dma_start3A_20 : memref<128xi32, #tpu.memory_space<vmem>>) semaphore(%arg16 : memref<!tpu.dma_semaphore, #tpu.memory_space<semaphore_mem>>)
    %dma_start3A_24 = arith.constant 2 : i32
    %dma_start3A_25 = arith.constant 0 : i32
    %dma_start3A_26 = tpu.memref_slice %arg6[%dma_start3A_24, %dma_start3A_25] : memref<79x128xi32, #tpu.memory_space<vmem>> -> memref<1x128xi32, #tpu.memory_space<vmem>>
    %dma_start3A_27 = tpu.memref_squeeze %dma_start3A_26 : memref<1x128xi32, #tpu.memory_space<vmem>> -> memref<128xi32, #tpu.memory_space<vmem>>
    %dma_start3A_28 = arith.constant 0 : i32
    %dma_start3A_29 = arith.constant 0 : i32
    %dma_start3A_30 = tpu.memref_slice %arg2[%dma_start3A_28, %dma_start3A_29] : memref<10000x64xf32, #tpu.memory_space<hbm>> -> memref<10000x64xf32, #tpu.memory_space<hbm>>
    tpu.enqueue_indirect_dma source(%dma_start3A_30 : memref<10000x64xf32, #tpu.memory_space<hbm>>) target(%arg11 : memref<128x64xf32, #tpu.memory_space<vmem>>) offsets(%dma_start3A_27 : memref<128xi32, #tpu.memory_space<vmem>>) semaphore(%arg17 : memref<!tpu.dma_semaphore, #tpu.memory_space<semaphore_mem>>)
    %scan3A = arith.constant 0 : i32
    %scan3A_31 = arith.constant 0 : i32
    %scan3A_32 = arith.constant 13 : i32
    %scan3A_33 = arith.addi %scan3A_31, %scan3A_32 : i32
    %scan3A_34 = arith.constant 1 : i32
    scf.for %scan3A_62 = %scan3A_31 to %scan3A_33 step %scan3A_34  : i32 {
      %mul3A_63 = arith.constant 6 : i32
      %mul3A_64 = arith.muli %scan3A_62, %mul3A_63 : i32
      %add3A_65 = arith.constant 0 : i32
      %add3A_66 = arith.addi %mul3A_64, %add3A_65 : i32
      %gt3A = arith.constant 0 : i32
      %gt3A_67 = arith.cmpi sgt, %scan3A_62, %gt3A : i32
      %convert_element_type3A_68 = arith.extui %gt3A_67 : i1 to i32
      %cond3A_69 = arith.constant 0 : i32
      %cond3A_70 = arith.cmpi ne, %convert_element_type3A_68, %cond3A_69 : i32
      scf.if %cond3A_70 {
        %dma_wait3A_232 = arith.constant 0 : i32
        %dma_wait3A_233 = arith.constant 0 : i32
        %dma_wait3A_234 = tpu.memref_slice %arg7[%dma_wait3A_232, %dma_wait3A_233] : memref<79x128xi32, #tpu.memory_space<vmem>> -> memref<1x128xi32, #tpu.memory_space<vmem>>
        %dma_wait3A_235 = tpu.memref_squeeze %dma_wait3A_234 : memref<1x128xi32, #tpu.memory_space<vmem>> -> memref<128xi32, #tpu.memory_space<vmem>>
        %dma_wait3A_236 = arith.constant 0 : i32
        %dma_wait3A_237 = arith.constant 0 : i32
        %dma_wait3A_238 = tpu.memref_slice %arg8[%dma_wait3A_236, %dma_wait3A_237] : memref<10112x64xf32, #tpu.memory_space<vmem_shared>> -> memref<10112x64xf32, #tpu.memory_space<vmem_shared>>
        tpu.wait_indirect_dma semaphore(%arg24 : memref<!tpu.dma_semaphore, #tpu.memory_space<semaphore_mem>>) src(%arg12 : memref<128x64xf32, #tpu.memory_space<vmem>>) dst(%dma_wait3A_238 : memref<10112x64xf32, #tpu.memory_space<vmem_shared>>)
      } else {
      }
      %add3A_71 = arith.constant 3 : i32
      %add3A_72 = arith.addi %add3A_66, %add3A_71 : i32
      %lt3A_73 = arith.constant 78 : i32
      %lt3A_74 = arith.cmpi slt, %add3A_72, %lt3A_73 : i32
      %convert_element_type3A_75 = arith.extui %lt3A_74 : i1 to i32
      %cond3A_76 = arith.constant 0 : i32
      %cond3A_77 = arith.cmpi ne, %convert_element_type3A_75, %cond3A_76 : i32
      scf.if %cond3A_77 {
        %add3A_232 = arith.constant 3 : i32
        %add3A_233 = arith.addi %add3A_66, %add3A_232 : i32
        %dma_start3A_234 = arith.constant 0 : i32
        %dma_start3A_235 = tpu.memref_slice %arg6[%add3A_233, %dma_start3A_234] : memref<79x128xi32, #tpu.memory_space<vmem>> -> memref<1x128xi32, #tpu.memory_space<vmem>>
        %dma_start3A_236 = tpu.memref_squeeze %dma_start3A_235 : memref<1x128xi32, #tpu.memory_space<vmem>> -> memref<128xi32, #tpu.memory_space<vmem>>
        %dma_start3A_237 = arith.constant 0 : i32
        %dma_start3A_238 = arith.constant 0 : i32
        %dma_start3A_239 = tpu.memref_slice %arg2[%dma_start3A_237, %dma_start3A_238] : memref<10000x64xf32, #tpu.memory_space<hbm>> -> memref<10000x64xf32, #tpu.memory_space<hbm>>
        tpu.enqueue_indirect_dma source(%dma_start3A_239 : memref<10000x64xf32, #tpu.memory_space<hbm>>) target(%arg12 : memref<128x64xf32, #tpu.memory_space<vmem>>) offsets(%dma_start3A_236 : memref<128xi32, #tpu.memory_space<vmem>>) semaphore(%arg18 : memref<!tpu.dma_semaphore, #tpu.memory_space<semaphore_mem>>)
      } else {
      }
      %dma_wait3A_78 = arith.constant 0 : i32
      %dma_wait3A_79 = arith.constant 0 : i32
      %dma_wait3A_80 = tpu.memref_slice %arg6[%dma_wait3A_78, %dma_wait3A_79] : memref<79x128xi32, #tpu.memory_space<vmem>> -> memref<1x128xi32, #tpu.memory_space<vmem>>
      %dma_wait3A_81 = tpu.memref_squeeze %dma_wait3A_80 : memref<1x128xi32, #tpu.memory_space<vmem>> -> memref<128xi32, #tpu.memory_space<vmem>>
      %dma_wait3A_82 = arith.constant 0 : i32
      %dma_wait3A_83 = arith.constant 0 : i32
      %dma_wait3A_84 = tpu.memref_slice %arg2[%dma_wait3A_82, %dma_wait3A_83] : memref<10000x64xf32, #tpu.memory_space<hbm>> -> memref<10000x64xf32, #tpu.memory_space<hbm>>
      tpu.wait_indirect_dma semaphore(%arg15 : memref<!tpu.dma_semaphore, #tpu.memory_space<semaphore_mem>>) src(%dma_wait3A_84 : memref<10000x64xf32, #tpu.memory_space<hbm>>) dst(%arg9 : memref<128x64xf32, #tpu.memory_space<vmem>>)
      %dma_start3A_85 = arith.constant 0 : i32
      %dma_start3A_86 = tpu.memref_slice %arg7[%add3A_66, %dma_start3A_85] : memref<79x128xi32, #tpu.memory_space<vmem>> -> memref<1x128xi32, #tpu.memory_space<vmem>>
      %dma_start3A_87 = tpu.memref_squeeze %dma_start3A_86 : memref<1x128xi32, #tpu.memory_space<vmem>> -> memref<128xi32, #tpu.memory_space<vmem>>
      %dma_start3A_88 = arith.constant 0 : i32
      %dma_start3A_89 = arith.constant 0 : i32
      %dma_start3A_90 = tpu.memref_slice %arg8[%dma_start3A_88, %dma_start3A_89] : memref<10112x64xf32, #tpu.memory_space<vmem_shared>> -> memref<10112x64xf32, #tpu.memory_space<vmem_shared>>
      tpu.enqueue_indirect_dma source(%arg9 : memref<128x64xf32, #tpu.memory_space<vmem>>) target(%dma_start3A_90 : memref<10112x64xf32, #tpu.memory_space<vmem_shared>>) offsets(%dma_start3A_87 : memref<128xi32, #tpu.memory_space<vmem>>) semaphore(%arg21 : memref<!tpu.dma_semaphore, #tpu.memory_space<semaphore_mem>>) {add = true}
      %add3A_91 = arith.constant 1 : i32
      %add3A_92 = arith.addi %mul3A_64, %add3A_91 : i32
      %gt3A_93 = arith.constant 0 : i32
      %gt3A_94 = arith.cmpi sgt, %scan3A_62, %gt3A_93 : i32
      %convert_element_type3A_95 = arith.extui %gt3A_94 : i1 to i32
      %cond3A_96 = arith.constant 0 : i32
      %cond3A_97 = arith.cmpi ne, %convert_element_type3A_95, %cond3A_96 : i32
      scf.if %cond3A_97 {
        %dma_wait3A_232 = arith.constant 0 : i32
        %dma_wait3A_233 = arith.constant 0 : i32
        %dma_wait3A_234 = tpu.memref_slice %arg7[%dma_wait3A_232, %dma_wait3A_233] : memref<79x128xi32, #tpu.memory_space<vmem>> -> memref<1x128xi32, #tpu.memory_space<vmem>>
        %dma_wait3A_235 = tpu.memref_squeeze %dma_wait3A_234 : memref<1x128xi32, #tpu.memory_space<vmem>> -> memref<128xi32, #tpu.memory_space<vmem>>
        %dma_wait3A_236 = arith.constant 0 : i32
        %dma_wait3A_237 = arith.constant 0 : i32
        %dma_wait3A_238 = tpu.memref_slice %arg8[%dma_wait3A_236, %dma_wait3A_237] : memref<10112x64xf32, #tpu.memory_space<vmem_shared>> -> memref<10112x64xf32, #tpu.memory_space<vmem_shared>>
        tpu.wait_indirect_dma semaphore(%arg25 : memref<!tpu.dma_semaphore, #tpu.memory_space<semaphore_mem>>) src(%arg13 : memref<128x64xf32, #tpu.memory_space<vmem>>) dst(%dma_wait3A_238 : memref<10112x64xf32, #tpu.memory_space<vmem_shared>>)
      } else {
      }
      %add3A_98 = arith.constant 3 : i32
      %add3A_99 = arith.addi %add3A_92, %add3A_98 : i32
      %lt3A_100 = arith.constant 78 : i32
      %lt3A_101 = arith.cmpi slt, %add3A_99, %lt3A_100 : i32
      %convert_element_type3A_102 = arith.extui %lt3A_101 : i1 to i32
      %cond3A_103 = arith.constant 0 : i32
      %cond3A_104 = arith.cmpi ne, %convert_element_type3A_102, %cond3A_103 : i32
      scf.if %cond3A_104 {
        %add3A_232 = arith.constant 3 : i32
        %add3A_233 = arith.addi %add3A_92, %add3A_232 : i32
        %dma_start3A_234 = arith.constant 0 : i32
        %dma_start3A_235 = tpu.memref_slice %arg6[%add3A_233, %dma_start3A_234] : memref<79x128xi32, #tpu.memory_space<vmem>> -> memref<1x128xi32, #tpu.memory_space<vmem>>
        %dma_start3A_236 = tpu.memref_squeeze %dma_start3A_235 : memref<1x128xi32, #tpu.memory_space<vmem>> -> memref<128xi32, #tpu.memory_space<vmem>>
        %dma_start3A_237 = arith.constant 0 : i32
        %dma_start3A_238 = arith.constant 0 : i32
        %dma_start3A_239 = tpu.memref_slice %arg2[%dma_start3A_237, %dma_start3A_238] : memref<10000x64xf32, #tpu.memory_space<hbm>> -> memref<10000x64xf32, #tpu.memory_space<hbm>>
        tpu.enqueue_indirect_dma source(%dma_start3A_239 : memref<10000x64xf32, #tpu.memory_space<hbm>>) target(%arg13 : memref<128x64xf32, #tpu.memory_space<vmem>>) offsets(%dma_start3A_236 : memref<128xi32, #tpu.memory_space<vmem>>) semaphore(%arg19 : memref<!tpu.dma_semaphore, #tpu.memory_space<semaphore_mem>>)
      } else {
      }
      %dma_wait3A_105 = arith.constant 0 : i32
      %dma_wait3A_106 = arith.constant 0 : i32
      %dma_wait3A_107 = tpu.memref_slice %arg6[%dma_wait3A_105, %dma_wait3A_106] : memref<79x128xi32, #tpu.memory_space<vmem>> -> memref<1x128xi32, #tpu.memory_space<vmem>>
      %dma_wait3A_108 = tpu.memref_squeeze %dma_wait3A_107 : memref<1x128xi32, #tpu.memory_space<vmem>> -> memref<128xi32, #tpu.memory_space<vmem>>
      %dma_wait3A_109 = arith.constant 0 : i32
      %dma_wait3A_110 = arith.constant 0 : i32
      %dma_wait3A_111 = tpu.memref_slice %arg2[%dma_wait3A_109, %dma_wait3A_110] : memref<10000x64xf32, #tpu.memory_space<hbm>> -> memref<10000x64xf32, #tpu.memory_space<hbm>>
      tpu.wait_indirect_dma semaphore(%arg16 : memref<!tpu.dma_semaphore, #tpu.memory_space<semaphore_mem>>) src(%dma_wait3A_111 : memref<10000x64xf32, #tpu.memory_space<hbm>>) dst(%arg10 : memref<128x64xf32, #tpu.memory_space<vmem>>)
      %dma_start3A_112 = arith.constant 0 : i32
      %dma_start3A_113 = tpu.memref_slice %arg7[%add3A_92, %dma_start3A_112] : memref<79x128xi32, #tpu.memory_space<vmem>> -> memref<1x128xi32, #tpu.memory_space<vmem>>
      %dma_start3A_114 = tpu.memref_squeeze %dma_start3A_113 : memref<1x128xi32, #tpu.memory_space<vmem>> -> memref<128xi32, #tpu.memory_space<vmem>>
      %dma_start3A_115 = arith.constant 0 : i32
      %dma_start3A_116 = arith.constant 0 : i32
      %dma_start3A_117 = tpu.memref_slice %arg8[%dma_start3A_115, %dma_start3A_116] : memref<10112x64xf32, #tpu.memory_space<vmem_shared>> -> memref<10112x64xf32, #tpu.memory_space<vmem_shared>>
      tpu.enqueue_indirect_dma source(%arg10 : memref<128x64xf32, #tpu.memory_space<vmem>>) target(%dma_start3A_117 : memref<10112x64xf32, #tpu.memory_space<vmem_shared>>) offsets(%dma_start3A_114 : memref<128xi32, #tpu.memory_space<vmem>>) semaphore(%arg22 : memref<!tpu.dma_semaphore, #tpu.memory_space<semaphore_mem>>) {add = true}
      %add3A_118 = arith.constant 2 : i32
      %add3A_119 = arith.addi %mul3A_64, %add3A_118 : i32
      %gt3A_120 = arith.constant 0 : i32
      %gt3A_121 = arith.cmpi sgt, %scan3A_62, %gt3A_120 : i32
      %convert_element_type3A_122 = arith.extui %gt3A_121 : i1 to i32
      %cond3A_123 = arith.constant 0 : i32
      %cond3A_124 = arith.cmpi ne, %convert_element_type3A_122, %cond3A_123 : i32
      scf.if %cond3A_124 {
        %dma_wait3A_232 = arith.constant 0 : i32
        %dma_wait3A_233 = arith.constant 0 : i32
        %dma_wait3A_234 = tpu.memref_slice %arg7[%dma_wait3A_232, %dma_wait3A_233] : memref<79x128xi32, #tpu.memory_space<vmem>> -> memref<1x128xi32, #tpu.memory_space<vmem>>
        %dma_wait3A_235 = tpu.memref_squeeze %dma_wait3A_234 : memref<1x128xi32, #tpu.memory_space<vmem>> -> memref<128xi32, #tpu.memory_space<vmem>>
        %dma_wait3A_236 = arith.constant 0 : i32
        %dma_wait3A_237 = arith.constant 0 : i32
        %dma_wait3A_238 = tpu.memref_slice %arg8[%dma_wait3A_236, %dma_wait3A_237] : memref<10112x64xf32, #tpu.memory_space<vmem_shared>> -> memref<10112x64xf32, #tpu.memory_space<vmem_shared>>
        tpu.wait_indirect_dma semaphore(%arg26 : memref<!tpu.dma_semaphore, #tpu.memory_space<semaphore_mem>>) src(%arg14 : memref<128x64xf32, #tpu.memory_space<vmem>>) dst(%dma_wait3A_238 : memref<10112x64xf32, #tpu.memory_space<vmem_shared>>)
      } else {
      }
      %add3A_125 = arith.constant 3 : i32
      %add3A_126 = arith.addi %add3A_119, %add3A_125 : i32
      %lt3A_127 = arith.constant 78 : i32
      %lt3A_128 = arith.cmpi slt, %add3A_126, %lt3A_127 : i32
      %convert_element_type3A_129 = arith.extui %lt3A_128 : i1 to i32
      %cond3A_130 = arith.constant 0 : i32
      %cond3A_131 = arith.cmpi ne, %convert_element_type3A_129, %cond3A_130 : i32
      scf.if %cond3A_131 {
        %add3A_232 = arith.constant 3 : i32
        %add3A_233 = arith.addi %add3A_119, %add3A_232 : i32
        %dma_start3A_234 = arith.constant 0 : i32
        %dma_start3A_235 = tpu.memref_slice %arg6[%add3A_233, %dma_start3A_234] : memref<79x128xi32, #tpu.memory_space<vmem>> -> memref<1x128xi32, #tpu.memory_space<vmem>>
        %dma_start3A_236 = tpu.memref_squeeze %dma_start3A_235 : memref<1x128xi32, #tpu.memory_space<vmem>> -> memref<128xi32, #tpu.memory_space<vmem>>
        %dma_start3A_237 = arith.constant 0 : i32
        %dma_start3A_238 = arith.constant 0 : i32
        %dma_start3A_239 = tpu.memref_slice %arg2[%dma_start3A_237, %dma_start3A_238] : memref<10000x64xf32, #tpu.memory_space<hbm>> -> memref<10000x64xf32, #tpu.memory_space<hbm>>
        tpu.enqueue_indirect_dma source(%dma_start3A_239 : memref<10000x64xf32, #tpu.memory_space<hbm>>) target(%arg14 : memref<128x64xf32, #tpu.memory_space<vmem>>) offsets(%dma_start3A_236 : memref<128xi32, #tpu.memory_space<vmem>>) semaphore(%arg20 : memref<!tpu.dma_semaphore, #tpu.memory_space<semaphore_mem>>)
      } else {
      }
      %dma_wait3A_132 = arith.constant 0 : i32
      %dma_wait3A_133 = arith.constant 0 : i32
      %dma_wait3A_134 = tpu.memref_slice %arg6[%dma_wait3A_132, %dma_wait3A_133] : memref<79x128xi32, #tpu.memory_space<vmem>> -> memref<1x128xi32, #tpu.memory_space<vmem>>
      %dma_wait3A_135 = tpu.memref_squeeze %dma_wait3A_134 : memref<1x128xi32, #tpu.memory_space<vmem>> -> memref<128xi32, #tpu.memory_space<vmem>>
      %dma_wait3A_136 = arith.constant 0 : i32
      %dma_wait3A_137 = arith.constant 0 : i32
      %dma_wait3A_138 = tpu.memref_slice %arg2[%dma_wait3A_136, %dma_wait3A_137] : memref<10000x64xf32, #tpu.memory_space<hbm>> -> memref<10000x64xf32, #tpu.memory_space<hbm>>
      tpu.wait_indirect_dma semaphore(%arg17 : memref<!tpu.dma_semaphore, #tpu.memory_space<semaphore_mem>>) src(%dma_wait3A_138 : memref<10000x64xf32, #tpu.memory_space<hbm>>) dst(%arg11 : memref<128x64xf32, #tpu.memory_space<vmem>>)
      %dma_start3A_139 = arith.constant 0 : i32
      %dma_start3A_140 = tpu.memref_slice %arg7[%add3A_119, %dma_start3A_139] : memref<79x128xi32, #tpu.memory_space<vmem>> -> memref<1x128xi32, #tpu.memory_space<vmem>>
      %dma_start3A_141 = tpu.memref_squeeze %dma_start3A_140 : memref<1x128xi32, #tpu.memory_space<vmem>> -> memref<128xi32, #tpu.memory_space<vmem>>
      %dma_start3A_142 = arith.constant 0 : i32
      %dma_start3A_143 = arith.constant 0 : i32
      %dma_start3A_144 = tpu.memref_slice %arg8[%dma_start3A_142, %dma_start3A_143] : memref<10112x64xf32, #tpu.memory_space<vmem_shared>> -> memref<10112x64xf32, #tpu.memory_space<vmem_shared>>
      tpu.enqueue_indirect_dma source(%arg11 : memref<128x64xf32, #tpu.memory_space<vmem>>) target(%dma_start3A_144 : memref<10112x64xf32, #tpu.memory_space<vmem_shared>>) offsets(%dma_start3A_141 : memref<128xi32, #tpu.memory_space<vmem>>) semaphore(%arg23 : memref<!tpu.dma_semaphore, #tpu.memory_space<semaphore_mem>>) {add = true}
      %add3A_145 = arith.constant 3 : i32
      %add3A_146 = arith.addi %mul3A_64, %add3A_145 : i32
      %dma_wait3A_147 = arith.constant 0 : i32
      %dma_wait3A_148 = arith.constant 0 : i32
      %dma_wait3A_149 = tpu.memref_slice %arg7[%dma_wait3A_147, %dma_wait3A_148] : memref<79x128xi32, #tpu.memory_space<vmem>> -> memref<1x128xi32, #tpu.memory_space<vmem>>
      %dma_wait3A_150 = tpu.memref_squeeze %dma_wait3A_149 : memref<1x128xi32, #tpu.memory_space<vmem>> -> memref<128xi32, #tpu.memory_space<vmem>>
      %dma_wait3A_151 = arith.constant 0 : i32
      %dma_wait3A_152 = arith.constant 0 : i32
      %dma_wait3A_153 = tpu.memref_slice %arg8[%dma_wait3A_151, %dma_wait3A_152] : memref<10112x64xf32, #tpu.memory_space<vmem_shared>> -> memref<10112x64xf32, #tpu.memory_space<vmem_shared>>
      tpu.wait_indirect_dma semaphore(%arg21 : memref<!tpu.dma_semaphore, #tpu.memory_space<semaphore_mem>>) src(%arg9 : memref<128x64xf32, #tpu.memory_space<vmem>>) dst(%dma_wait3A_153 : memref<10112x64xf32, #tpu.memory_space<vmem_shared>>)
      %add3A_154 = arith.constant 3 : i32
      %add3A_155 = arith.addi %add3A_146, %add3A_154 : i32
      %lt3A_156 = arith.constant 78 : i32
      %lt3A_157 = arith.cmpi slt, %add3A_155, %lt3A_156 : i32
      %convert_element_type3A_158 = arith.extui %lt3A_157 : i1 to i32
      %cond3A_159 = arith.constant 0 : i32
      %cond3A_160 = arith.cmpi ne, %convert_element_type3A_158, %cond3A_159 : i32
      scf.if %cond3A_160 {
        %add3A_232 = arith.constant 3 : i32
        %add3A_233 = arith.addi %add3A_146, %add3A_232 : i32
        %dma_start3A_234 = arith.constant 0 : i32
        %dma_start3A_235 = tpu.memref_slice %arg6[%add3A_233, %dma_start3A_234] : memref<79x128xi32, #tpu.memory_space<vmem>> -> memref<1x128xi32, #tpu.memory_space<vmem>>
        %dma_start3A_236 = tpu.memref_squeeze %dma_start3A_235 : memref<1x128xi32, #tpu.memory_space<vmem>> -> memref<128xi32, #tpu.memory_space<vmem>>
        %dma_start3A_237 = arith.constant 0 : i32
        %dma_start3A_238 = arith.constant 0 : i32
        %dma_start3A_239 = tpu.memref_slice %arg2[%dma_start3A_237, %dma_start3A_238] : memref<10000x64xf32, #tpu.memory_space<hbm>> -> memref<10000x64xf32, #tpu.memory_space<hbm>>
        tpu.enqueue_indirect_dma source(%dma_start3A_239 : memref<10000x64xf32, #tpu.memory_space<hbm>>) target(%arg9 : memref<128x64xf32, #tpu.memory_space<vmem>>) offsets(%dma_start3A_236 : memref<128xi32, #tpu.memory_space<vmem>>) semaphore(%arg15 : memref<!tpu.dma_semaphore, #tpu.memory_space<semaphore_mem>>)
      } else {
      }
      %dma_wait3A_161 = arith.constant 0 : i32
      %dma_wait3A_162 = arith.constant 0 : i32
      %dma_wait3A_163 = tpu.memref_slice %arg6[%dma_wait3A_161, %dma_wait3A_162] : memref<79x128xi32, #tpu.memory_space<vmem>> -> memref<1x128xi32, #tpu.memory_space<vmem>>
      %dma_wait3A_164 = tpu.memref_squeeze %dma_wait3A_163 : memref<1x128xi32, #tpu.memory_space<vmem>> -> memref<128xi32, #tpu.memory_space<vmem>>
      %dma_wait3A_165 = arith.constant 0 : i32
      %dma_wait3A_166 = arith.constant 0 : i32
      %dma_wait3A_167 = tpu.memref_slice %arg2[%dma_wait3A_165, %dma_wait3A_166] : memref<10000x64xf32, #tpu.memory_space<hbm>> -> memref<10000x64xf32, #tpu.memory_space<hbm>>
      tpu.wait_indirect_dma semaphore(%arg18 : memref<!tpu.dma_semaphore, #tpu.memory_space<semaphore_mem>>) src(%dma_wait3A_167 : memref<10000x64xf32, #tpu.memory_space<hbm>>) dst(%arg12 : memref<128x64xf32, #tpu.memory_space<vmem>>)
      %dma_start3A_168 = arith.constant 0 : i32
      %dma_start3A_169 = tpu.memref_slice %arg7[%add3A_146, %dma_start3A_168] : memref<79x128xi32, #tpu.memory_space<vmem>> -> memref<1x128xi32, #tpu.memory_space<vmem>>
      %dma_start3A_170 = tpu.memref_squeeze %dma_start3A_169 : memref<1x128xi32, #tpu.memory_space<vmem>> -> memref<128xi32, #tpu.memory_space<vmem>>
      %dma_start3A_171 = arith.constant 0 : i32
      %dma_start3A_172 = arith.constant 0 : i32
      %dma_start3A_173 = tpu.memref_slice %arg8[%dma_start3A_171, %dma_start3A_172] : memref<10112x64xf32, #tpu.memory_space<vmem_shared>> -> memref<10112x64xf32, #tpu.memory_space<vmem_shared>>
      tpu.enqueue_indirect_dma source(%arg12 : memref<128x64xf32, #tpu.memory_space<vmem>>) target(%dma_start3A_173 : memref<10112x64xf32, #tpu.memory_space<vmem_shared>>) offsets(%dma_start3A_170 : memref<128xi32, #tpu.memory_space<vmem>>) semaphore(%arg24 : memref<!tpu.dma_semaphore, #tpu.memory_space<semaphore_mem>>) {add = true}
      %add3A_174 = arith.constant 4 : i32
      %add3A_175 = arith.addi %mul3A_64, %add3A_174 : i32
      %dma_wait3A_176 = arith.constant 0 : i32
      %dma_wait3A_177 = arith.constant 0 : i32
      %dma_wait3A_178 = tpu.memref_slice %arg7[%dma_wait3A_176, %dma_wait3A_177] : memref<79x128xi32, #tpu.memory_space<vmem>> -> memref<1x128xi32, #tpu.memory_space<vmem>>
      %dma_wait3A_179 = tpu.memref_squeeze %dma_wait3A_178 : memref<1x128xi32, #tpu.memory_space<vmem>> -> memref<128xi32, #tpu.memory_space<vmem>>
      %dma_wait3A_180 = arith.constant 0 : i32
      %dma_wait3A_181 = arith.constant 0 : i32
      %dma_wait3A_182 = tpu.memref_slice %arg8[%dma_wait3A_180, %dma_wait3A_181] : memref<10112x64xf32, #tpu.memory_space<vmem_shared>> -> memref<10112x64xf32, #tpu.memory_space<vmem_shared>>
      tpu.wait_indirect_dma semaphore(%arg22 : memref<!tpu.dma_semaphore, #tpu.memory_space<semaphore_mem>>) src(%arg10 : memref<128x64xf32, #tpu.memory_space<vmem>>) dst(%dma_wait3A_182 : memref<10112x64xf32, #tpu.memory_space<vmem_shared>>)
      %add3A_183 = arith.constant 3 : i32
      %add3A_184 = arith.addi %add3A_175, %add3A_183 : i32
      %lt3A_185 = arith.constant 78 : i32
      %lt3A_186 = arith.cmpi slt, %add3A_184, %lt3A_185 : i32
      %convert_element_type3A_187 = arith.extui %lt3A_186 : i1 to i32
      %cond3A_188 = arith.constant 0 : i32
      %cond3A_189 = arith.cmpi ne, %convert_element_type3A_187, %cond3A_188 : i32
      scf.if %cond3A_189 {
        %add3A_232 = arith.constant 3 : i32
        %add3A_233 = arith.addi %add3A_175, %add3A_232 : i32
        %dma_start3A_234 = arith.constant 0 : i32
        %dma_start3A_235 = tpu.memref_slice %arg6[%add3A_233, %dma_start3A_234] : memref<79x128xi32, #tpu.memory_space<vmem>> -> memref<1x128xi32, #tpu.memory_space<vmem>>
        %dma_start3A_236 = tpu.memref_squeeze %dma_start3A_235 : memref<1x128xi32, #tpu.memory_space<vmem>> -> memref<128xi32, #tpu.memory_space<vmem>>
        %dma_start3A_237 = arith.constant 0 : i32
        %dma_start3A_238 = arith.constant 0 : i32
        %dma_start3A_239 = tpu.memref_slice %arg2[%dma_start3A_237, %dma_start3A_238] : memref<10000x64xf32, #tpu.memory_space<hbm>> -> memref<10000x64xf32, #tpu.memory_space<hbm>>
        tpu.enqueue_indirect_dma source(%dma_start3A_239 : memref<10000x64xf32, #tpu.memory_space<hbm>>) target(%arg10 : memref<128x64xf32, #tpu.memory_space<vmem>>) offsets(%dma_start3A_236 : memref<128xi32, #tpu.memory_space<vmem>>) semaphore(%arg16 : memref<!tpu.dma_semaphore, #tpu.memory_space<semaphore_mem>>)
      } else {
      }
      %dma_wait3A_190 = arith.constant 0 : i32
      %dma_wait3A_191 = arith.constant 0 : i32
      %dma_wait3A_192 = tpu.memref_slice %arg6[%dma_wait3A_190, %dma_wait3A_191] : memref<79x128xi32, #tpu.memory_space<vmem>> -> memref<1x128xi32, #tpu.memory_space<vmem>>
      %dma_wait3A_193 = tpu.memref_squeeze %dma_wait3A_192 : memref<1x128xi32, #tpu.memory_space<vmem>> -> memref<128xi32, #tpu.memory_space<vmem>>
      %dma_wait3A_194 = arith.constant 0 : i32
      %dma_wait3A_195 = arith.constant 0 : i32
      %dma_wait3A_196 = tpu.memref_slice %arg2[%dma_wait3A_194, %dma_wait3A_195] : memref<10000x64xf32, #tpu.memory_space<hbm>> -> memref<10000x64xf32, #tpu.memory_space<hbm>>
      tpu.wait_indirect_dma semaphore(%arg19 : memref<!tpu.dma_semaphore, #tpu.memory_space<semaphore_mem>>) src(%dma_wait3A_196 : memref<10000x64xf32, #tpu.memory_space<hbm>>) dst(%arg13 : memref<128x64xf32, #tpu.memory_space<vmem>>)
      %dma_start3A_197 = arith.constant 0 : i32
      %dma_start3A_198 = tpu.memref_slice %arg7[%add3A_175, %dma_start3A_197] : memref<79x128xi32, #tpu.memory_space<vmem>> -> memref<1x128xi32, #tpu.memory_space<vmem>>
      %dma_start3A_199 = tpu.memref_squeeze %dma_start3A_198 : memref<1x128xi32, #tpu.memory_space<vmem>> -> memref<128xi32, #tpu.memory_space<vmem>>
      %dma_start3A_200 = arith.constant 0 : i32
      %dma_start3A_201 = arith.constant 0 : i32
      %dma_start3A_202 = tpu.memref_slice %arg8[%dma_start3A_200, %dma_start3A_201] : memref<10112x64xf32, #tpu.memory_space<vmem_shared>> -> memref<10112x64xf32, #tpu.memory_space<vmem_shared>>
      tpu.enqueue_indirect_dma source(%arg13 : memref<128x64xf32, #tpu.memory_space<vmem>>) target(%dma_start3A_202 : memref<10112x64xf32, #tpu.memory_space<vmem_shared>>) offsets(%dma_start3A_199 : memref<128xi32, #tpu.memory_space<vmem>>) semaphore(%arg25 : memref<!tpu.dma_semaphore, #tpu.memory_space<semaphore_mem>>) {add = true}
      %add3A_203 = arith.constant 5 : i32
      %add3A_204 = arith.addi %mul3A_64, %add3A_203 : i32
      %dma_wait3A_205 = arith.constant 0 : i32
      %dma_wait3A_206 = arith.constant 0 : i32
      %dma_wait3A_207 = tpu.memref_slice %arg7[%dma_wait3A_205, %dma_wait3A_206] : memref<79x128xi32, #tpu.memory_space<vmem>> -> memref<1x128xi32, #tpu.memory_space<vmem>>
      %dma_wait3A_208 = tpu.memref_squeeze %dma_wait3A_207 : memref<1x128xi32, #tpu.memory_space<vmem>> -> memref<128xi32, #tpu.memory_space<vmem>>
      %dma_wait3A_209 = arith.constant 0 : i32
      %dma_wait3A_210 = arith.constant 0 : i32
      %dma_wait3A_211 = tpu.memref_slice %arg8[%dma_wait3A_209, %dma_wait3A_210] : memref<10112x64xf32, #tpu.memory_space<vmem_shared>> -> memref<10112x64xf32, #tpu.memory_space<vmem_shared>>
      tpu.wait_indirect_dma semaphore(%arg23 : memref<!tpu.dma_semaphore, #tpu.memory_space<semaphore_mem>>) src(%arg11 : memref<128x64xf32, #tpu.memory_space<vmem>>) dst(%dma_wait3A_211 : memref<10112x64xf32, #tpu.memory_space<vmem_shared>>)
      %add3A_212 = arith.constant 3 : i32
      %add3A_213 = arith.addi %add3A_204, %add3A_212 : i32
      %lt3A_214 = arith.constant 78 : i32
      %lt3A_215 = arith.cmpi slt, %add3A_213, %lt3A_214 : i32
      %convert_element_type3A_216 = arith.extui %lt3A_215 : i1 to i32
      %cond3A_217 = arith.constant 0 : i32
      %cond3A_218 = arith.cmpi ne, %convert_element_type3A_216, %cond3A_217 : i32
      scf.if %cond3A_218 {
        %add3A_232 = arith.constant 3 : i32
        %add3A_233 = arith.addi %add3A_204, %add3A_232 : i32
        %dma_start3A_234 = arith.constant 0 : i32
        %dma_start3A_235 = tpu.memref_slice %arg6[%add3A_233, %dma_start3A_234] : memref<79x128xi32, #tpu.memory_space<vmem>> -> memref<1x128xi32, #tpu.memory_space<vmem>>
        %dma_start3A_236 = tpu.memref_squeeze %dma_start3A_235 : memref<1x128xi32, #tpu.memory_space<vmem>> -> memref<128xi32, #tpu.memory_space<vmem>>
        %dma_start3A_237 = arith.constant 0 : i32
        %dma_start3A_238 = arith.constant 0 : i32
        %dma_start3A_239 = tpu.memref_slice %arg2[%dma_start3A_237, %dma_start3A_238] : memref<10000x64xf32, #tpu.memory_space<hbm>> -> memref<10000x64xf32, #tpu.memory_space<hbm>>
        tpu.enqueue_indirect_dma source(%dma_start3A_239 : memref<10000x64xf32, #tpu.memory_space<hbm>>) target(%arg11 : memref<128x64xf32, #tpu.memory_space<vmem>>) offsets(%dma_start3A_236 : memref<128xi32, #tpu.memory_space<vmem>>) semaphore(%arg17 : memref<!tpu.dma_semaphore, #tpu.memory_space<semaphore_mem>>)
      } else {
      }
      %dma_wait3A_219 = arith.constant 0 : i32
      %dma_wait3A_220 = arith.constant 0 : i32
      %dma_wait3A_221 = tpu.memref_slice %arg6[%dma_wait3A_219, %dma_wait3A_220] : memref<79x128xi32, #tpu.memory_space<vmem>> -> memref<1x128xi32, #tpu.memory_space<vmem>>
      %dma_wait3A_222 = tpu.memref_squeeze %dma_wait3A_221 : memref<1x128xi32, #tpu.memory_space<vmem>> -> memref<128xi32, #tpu.memory_space<vmem>>
      %dma_wait3A_223 = arith.constant 0 : i32
      %dma_wait3A_224 = arith.constant 0 : i32
      %dma_wait3A_225 = tpu.memref_slice %arg2[%dma_wait3A_223, %dma_wait3A_224] : memref<10000x64xf32, #tpu.memory_space<hbm>> -> memref<10000x64xf32, #tpu.memory_space<hbm>>
      tpu.wait_indirect_dma semaphore(%arg20 : memref<!tpu.dma_semaphore, #tpu.memory_space<semaphore_mem>>) src(%dma_wait3A_225 : memref<10000x64xf32, #tpu.memory_space<hbm>>) dst(%arg14 : memref<128x64xf32, #tpu.memory_space<vmem>>)
      %dma_start3A_226 = arith.constant 0 : i32
      %dma_start3A_227 = tpu.memref_slice %arg7[%add3A_204, %dma_start3A_226] : memref<79x128xi32, #tpu.memory_space<vmem>> -> memref<1x128xi32, #tpu.memory_space<vmem>>
      %dma_start3A_228 = tpu.memref_squeeze %dma_start3A_227 : memref<1x128xi32, #tpu.memory_space<vmem>> -> memref<128xi32, #tpu.memory_space<vmem>>
      %dma_start3A_229 = arith.constant 0 : i32
      %dma_start3A_230 = arith.constant 0 : i32
      %dma_start3A_231 = tpu.memref_slice %arg8[%dma_start3A_229, %dma_start3A_230] : memref<10112x64xf32, #tpu.memory_space<vmem_shared>> -> memref<10112x64xf32, #tpu.memory_space<vmem_shared>>
      tpu.enqueue_indirect_dma source(%arg14 : memref<128x64xf32, #tpu.memory_space<vmem>>) target(%dma_start3A_231 : memref<10112x64xf32, #tpu.memory_space<vmem_shared>>) offsets(%dma_start3A_228 : memref<128xi32, #tpu.memory_space<vmem>>) semaphore(%arg26 : memref<!tpu.dma_semaphore, #tpu.memory_space<semaphore_mem>>) {add = true}
    }
    %scan3A_35 = arith.constant 13 : i32
    %dma_wait3A = arith.constant 0 : i32
    %dma_wait3A_36 = arith.constant 0 : i32
    %dma_wait3A_37 = tpu.memref_slice %arg7[%dma_wait3A, %dma_wait3A_36] : memref<79x128xi32, #tpu.memory_space<vmem>> -> memref<1x128xi32, #tpu.memory_space<vmem>>
    %dma_wait3A_38 = tpu.memref_squeeze %dma_wait3A_37 : memref<1x128xi32, #tpu.memory_space<vmem>> -> memref<128xi32, #tpu.memory_space<vmem>>
    %dma_wait3A_39 = arith.constant 0 : i32
    %dma_wait3A_40 = arith.constant 0 : i32
    %dma_wait3A_41 = tpu.memref_slice %arg8[%dma_wait3A_39, %dma_wait3A_40] : memref<10112x64xf32, #tpu.memory_space<vmem_shared>> -> memref<10112x64xf32, #tpu.memory_space<vmem_shared>>
    tpu.wait_indirect_dma semaphore(%arg24 : memref<!tpu.dma_semaphore, #tpu.memory_space<semaphore_mem>>) src(%arg12 : memref<128x64xf32, #tpu.memory_space<vmem>>) dst(%dma_wait3A_41 : memref<10112x64xf32, #tpu.memory_space<vmem_shared>>)
    %dma_wait3A_42 = arith.constant 0 : i32
    %dma_wait3A_43 = arith.constant 0 : i32
    %dma_wait3A_44 = tpu.memref_slice %arg7[%dma_wait3A_42, %dma_wait3A_43] : memref<79x128xi32, #tpu.memory_space<vmem>> -> memref<1x128xi32, #tpu.memory_space<vmem>>
    %dma_wait3A_45 = tpu.memref_squeeze %dma_wait3A_44 : memref<1x128xi32, #tpu.memory_space<vmem>> -> memref<128xi32, #tpu.memory_space<vmem>>
    %dma_wait3A_46 = arith.constant 0 : i32
    %dma_wait3A_47 = arith.constant 0 : i32
    %dma_wait3A_48 = tpu.memref_slice %arg8[%dma_wait3A_46, %dma_wait3A_47] : memref<10112x64xf32, #tpu.memory_space<vmem_shared>> -> memref<10112x64xf32, #tpu.memory_space<vmem_shared>>
    tpu.wait_indirect_dma semaphore(%arg25 : memref<!tpu.dma_semaphore, #tpu.memory_space<semaphore_mem>>) src(%arg13 : memref<128x64xf32, #tpu.memory_space<vmem>>) dst(%dma_wait3A_48 : memref<10112x64xf32, #tpu.memory_space<vmem_shared>>)
    %dma_wait3A_49 = arith.constant 0 : i32
    %dma_wait3A_50 = arith.constant 0 : i32
    %dma_wait3A_51 = tpu.memref_slice %arg7[%dma_wait3A_49, %dma_wait3A_50] : memref<79x128xi32, #tpu.memory_space<vmem>> -> memref<1x128xi32, #tpu.memory_space<vmem>>
    %dma_wait3A_52 = tpu.memref_squeeze %dma_wait3A_51 : memref<1x128xi32, #tpu.memory_space<vmem>> -> memref<128xi32, #tpu.memory_space<vmem>>
    %dma_wait3A_53 = arith.constant 0 : i32
    %dma_wait3A_54 = arith.constant 0 : i32
    %dma_wait3A_55 = tpu.memref_slice %arg8[%dma_wait3A_53, %dma_wait3A_54] : memref<10112x64xf32, #tpu.memory_space<vmem_shared>> -> memref<10112x64xf32, #tpu.memory_space<vmem_shared>>
    tpu.wait_indirect_dma semaphore(%arg26 : memref<!tpu.dma_semaphore, #tpu.memory_space<semaphore_mem>>) src(%arg14 : memref<128x64xf32, #tpu.memory_space<vmem>>) dst(%dma_wait3A_55 : memref<10112x64xf32, #tpu.memory_space<vmem_shared>>)
    %convert_element_type3A_56 = arith.extui %lt3A_7 : i1 to i32
    %cond3A_57 = arith.constant 0 : i32
    %cond3A_58 = arith.cmpi ne, %convert_element_type3A_56, %cond3A_57 : i32
    scf.if %cond3A_58 {
      %dma_start3A_62 = arith.constant 78 : i32
      %dma_start3A_63 = arith.constant 0 : i32
      %dma_start3A_64 = tpu.memref_slice %arg6[%dma_start3A_62, %dma_start3A_63] : memref<79x128xi32, #tpu.memory_space<vmem>> -> memref<1x128xi32, #tpu.memory_space<vmem>>
      %dma_start3A_65 = tpu.memref_squeeze %dma_start3A_64 : memref<1x128xi32, #tpu.memory_space<vmem>> -> memref<128xi32, #tpu.memory_space<vmem>>
      %dma_start3A_66 = arith.constant 0 : i32
      %dma_start3A_67 = arith.constant 0 : i32
      %dma_start3A_68 = tpu.memref_slice %arg2[%dma_start3A_66, %dma_start3A_67] : memref<10000x64xf32, #tpu.memory_space<hbm>> -> memref<10000x64xf32, #tpu.memory_space<hbm>>
      tpu.enqueue_indirect_dma source(%dma_start3A_68 : memref<10000x64xf32, #tpu.memory_space<hbm>>) target(%arg9 : memref<128x64xf32, #tpu.memory_space<vmem>>) offsets(%dma_start3A_65 : memref<128xi32, #tpu.memory_space<vmem>>) semaphore(%arg15 : memref<!tpu.dma_semaphore, #tpu.memory_space<semaphore_mem>>)
      %dma_wait3A_69 = arith.constant 78 : i32
      %dma_wait3A_70 = arith.constant 0 : i32
      %dma_wait3A_71 = tpu.memref_slice %arg6[%dma_wait3A_69, %dma_wait3A_70] : memref<79x128xi32, #tpu.memory_space<vmem>> -> memref<1x128xi32, #tpu.memory_space<vmem>>
      %dma_wait3A_72 = tpu.memref_squeeze %dma_wait3A_71 : memref<1x128xi32, #tpu.memory_space<vmem>> -> memref<128xi32, #tpu.memory_space<vmem>>
      %dma_wait3A_73 = arith.constant 0 : i32
      %dma_wait3A_74 = arith.constant 0 : i32
      %dma_wait3A_75 = tpu.memref_slice %arg2[%dma_wait3A_73, %dma_wait3A_74] : memref<10000x64xf32, #tpu.memory_space<hbm>> -> memref<10000x64xf32, #tpu.memory_space<hbm>>
      tpu.wait_indirect_dma semaphore(%arg15 : memref<!tpu.dma_semaphore, #tpu.memory_space<semaphore_mem>>) src(%dma_wait3A_75 : memref<10000x64xf32, #tpu.memory_space<hbm>>) dst(%arg9 : memref<128x64xf32, #tpu.memory_space<vmem>>)
      %run_scoped3A = arith.constant 78 : i32
      "tpu.region"() ({
        %run_scoped3A_76 = tpu.sem_alloc : memref<!tpu.dma_semaphore, #tpu.memory_space<semaphore_mem>>
        %dma_start3A_77 = arith.constant 0 : i32
        %dma_start3A_78 = tpu.memref_slice %arg7[%run_scoped3A, %dma_start3A_77] : memref<79x128xi32, #tpu.memory_space<vmem>> -> memref<1x128xi32, #tpu.memory_space<vmem>>
        %dma_start3A_79 = tpu.memref_squeeze %dma_start3A_78 : memref<1x128xi32, #tpu.memory_space<vmem>> -> memref<128xi32, #tpu.memory_space<vmem>>
        %dma_start3A_80 = arith.constant 0 : i32
        %dma_start3A_81 = arith.constant 0 : i32
        %dma_start3A_82 = tpu.memref_slice %arg8[%dma_start3A_80, %dma_start3A_81] : memref<10112x64xf32, #tpu.memory_space<vmem_shared>> -> memref<10112x64xf32, #tpu.memory_space<vmem_shared>>
        tpu.enqueue_indirect_dma source(%arg9 : memref<128x64xf32, #tpu.memory_space<vmem>>) target(%dma_start3A_82 : memref<10112x64xf32, #tpu.memory_space<vmem_shared>>) offsets(%dma_start3A_79 : memref<128xi32, #tpu.memory_space<vmem>>) semaphore(%run_scoped3A_76 : memref<!tpu.dma_semaphore, #tpu.memory_space<semaphore_mem>>) {add = true}
        %dma_wait3A_83 = arith.constant 0 : i32
        %dma_wait3A_84 = tpu.memref_slice %arg7[%run_scoped3A, %dma_wait3A_83] : memref<79x128xi32, #tpu.memory_space<vmem>> -> memref<1x128xi32, #tpu.memory_space<vmem>>
        %dma_wait3A_85 = tpu.memref_squeeze %dma_wait3A_84 : memref<1x128xi32, #tpu.memory_space<vmem>> -> memref<128xi32, #tpu.memory_space<vmem>>
        %dma_wait3A_86 = arith.constant 0 : i32
        %dma_wait3A_87 = arith.constant 0 : i32
        %dma_wait3A_88 = tpu.memref_slice %arg8[%dma_wait3A_86, %dma_wait3A_87] : memref<10112x64xf32, #tpu.memory_space<vmem_shared>> -> memref<10112x64xf32, #tpu.memory_space<vmem_shared>>
        tpu.wait_indirect_dma semaphore(%run_scoped3A_76 : memref<!tpu.dma_semaphore, #tpu.memory_space<semaphore_mem>>) src(%arg9 : memref<128x64xf32, #tpu.memory_space<vmem>>) dst(%dma_wait3A_88 : memref<10112x64xf32, #tpu.memory_space<vmem_shared>>)
        tpu.yield
      }) : () -> ()
    } else {
    }
    %barrier3A_59 = arith.constant 0 : index
    tpu.barrier barrier_id(%barrier3A_59)
    %mul3A_60 = arith.constant 64 : i32
    %mul3A_61 = arith.muli %arg0, %mul3A_60 : i32
    "tpu.region"() ({
      %run_scoped3A = tpu.sem_alloc : memref<!tpu.dma_semaphore, #tpu.memory_space<semaphore_mem>>
      %dma_start3A_62 = tpu.memref_slice %arg5[%mul3A_2, %mul3A_61] : memref<10112x128xf32, #tpu.memory_space<hbm>> -> memref<632x64xf32, #tpu.memory_space<hbm>>
      %dma_start3A_63 = arith.constant 0 : i32
      %dma_start3A_64 = tpu.memref_slice %arg8[%mul3A_2, %dma_start3A_63] : memref<10112x64xf32, #tpu.memory_space<vmem_shared>> -> memref<632x64xf32, #tpu.memory_space<vmem_shared>>
      tpu.enqueue_dma source(%dma_start3A_64 : memref<632x64xf32, #tpu.memory_space<vmem_shared>>) target(%dma_start3A_62 : memref<632x64xf32, #tpu.memory_space<hbm>>) target_semaphore(%run_scoped3A : memref<!tpu.dma_semaphore, #tpu.memory_space<semaphore_mem>>)
      %dma_wait3A_65 = tpu.memref_slice %arg5[%mul3A_2, %mul3A_61] : memref<10112x128xf32, #tpu.memory_space<hbm>> -> memref<632x64xf32, #tpu.memory_space<hbm>>
      %dma_wait3A_66 = arith.constant 0 : i32
      %dma_wait3A_67 = tpu.memref_slice %arg8[%mul3A_2, %dma_wait3A_66] : memref<10112x64xf32, #tpu.memory_space<vmem_shared>> -> memref<632x64xf32, #tpu.memory_space<vmem_shared>>
      tpu.wait_dma2 semaphore(%run_scoped3A : memref<!tpu.dma_semaphore, #tpu.memory_space<semaphore_mem>>) src(%dma_wait3A_67 : memref<632x64xf32, #tpu.memory_space<vmem_shared>>) dst(%dma_wait3A_65 : memref<632x64xf32, #tpu.memory_space<hbm>>)
      tpu.yield
    }) : () -> ()
    return
  }
}

#map = affine_map<(d0, d1) -> (0, 0)>
module attributes {stable_mosaic.version = 14 : i64} {
  func.func @body(%arg0: i32, %arg1: i32, %arg2: memref<10000x64xf32, #tpu.memory_space<hbm>>, %arg3: memref<5000x128xi32, #tpu.memory_space<hbm>>, %arg4: memref<10112x64xf32, #tpu.memory_space<hbm>>, %arg5: memref<128x16xf32, #tpu.memory_space<hbm>>, %arg6: memref<10112x128xf32, #tpu.memory_space<hbm>>, %arg7: memref<10112x128xf32, #tpu.memory_space<hbm>>, %arg8: memref<79x128xi32, #tpu.memory_space<vmem>>, %arg9: memref<79x128xi32, #tpu.memory_space<vmem>>, %arg10: memref<10112x64xf32, #tpu.memory_space<vmem_shared>>, %arg11: memref<128x64xf32, #tpu.memory_space<vmem>>, %arg12: memref<128x64xf32, #tpu.memory_space<vmem>>, %arg13: memref<128x64xf32, #tpu.memory_space<vmem>>, %arg14: memref<128x64xf32, #tpu.memory_space<vmem>>, %arg15: memref<128x64xf32, #tpu.memory_space<vmem>>, %arg16: memref<128x64xf32, #tpu.memory_space<vmem>>, %arg17: memref<!tpu.dma_semaphore, #tpu.memory_space<semaphore_mem>>, %arg18: memref<!tpu.dma_semaphore, #tpu.memory_space<semaphore_mem>>, %arg19: memref<!tpu.dma_semaphore, #tpu.memory_space<semaphore_mem>>, %arg20: memref<!tpu.dma_semaphore, #tpu.memory_space<semaphore_mem>>, %arg21: memref<!tpu.dma_semaphore, #tpu.memory_space<semaphore_mem>>, %arg22: memref<!tpu.dma_semaphore, #tpu.memory_space<semaphore_mem>>, %arg23: memref<!tpu.dma_semaphore, #tpu.memory_space<semaphore_mem>>, %arg24: memref<!tpu.dma_semaphore, #tpu.memory_space<semaphore_mem>>, %arg25: memref<!tpu.dma_semaphore, #tpu.memory_space<semaphore_mem>>, %arg26: memref<!tpu.dma_semaphore, #tpu.memory_space<semaphore_mem>>, %arg27: memref<!tpu.dma_semaphore, #tpu.memory_space<semaphore_mem>>, %arg28: memref<!tpu.dma_semaphore, #tpu.memory_space<semaphore_mem>>, %arg29: memref<128x16xf32, #tpu.memory_space<vmem>>, %arg30: memref<10112x16xf32, #tpu.memory_space<vmem_shared>>, %arg31: memref<!tpu.dma_semaphore, #tpu.memory_space<semaphore_mem>>, %arg32: memref<!tpu.dma_semaphore, #tpu.memory_space<semaphore_mem>>, %arg33: memref<!tpu.dma_semaphore, #tpu.memory_space<semaphore_mem>>, %arg34: memref<!tpu.dma_semaphore, #tpu.memory_space<semaphore_mem>>, %arg35: memref<!tpu.dma_semaphore, #tpu.memory_space<semaphore_mem>>, %arg36: memref<!tpu.dma_semaphore, #tpu.memory_space<semaphore_mem>>) attributes {dimension_semantics = [#tpu.dimension_semantics<core_parallel>, #tpu.dimension_semantics<subcore_parallel>], iteration_bounds = array<i64: 2, 16>, scalar_prefetch = 0 : i64, scratch_operands = 29 : i64, tpu.core_type = #tpu.core_type<sc_vector_subcore>, window_params = [{transform_indices = #map}, {transform_indices = #map}, {transform_indices = #map}, {transform_indices = #map}, {transform_indices = #map}, {transform_indices = #map}]} {
    %mul3A = arith.constant 16 : i32
    %mul3A_0 = arith.muli %arg0, %mul3A : i32
    %add3A = arith.addi %mul3A_0, %arg1 : i32
    %mul3A_1 = arith.constant 632 : i32
    %mul3A_2 = arith.muli %arg1, %mul3A_1 : i32
    %mul3A_3 = arith.constant 78 : i32
    %mul3A_4 = arith.muli %add3A, %mul3A_3 : i32
    %min3A = arith.constant 4 : i32
    %min3A_5 = arith.minsi %add3A, %min3A : i32
    %add3A_6 = arith.addi %mul3A_4, %min3A_5 : i32
    %lt3A = arith.constant 4 : i32
    %lt3A_7 = arith.cmpi slt, %add3A, %lt3A : i32
    "tpu.region"() ({
      %run_scoped3A = tpu.sem_alloc : memref<!tpu.dma_semaphore, #tpu.memory_space<semaphore_mem>>
      %dma_start3A_85 = arith.constant 0 : i32
      %dma_start3A_86 = tpu.memref_slice %arg10[%mul3A_2, %dma_start3A_85] : memref<10112x64xf32, #tpu.memory_space<vmem_shared>> -> memref<632x64xf32, #tpu.memory_space<vmem_shared>>
      %dma_start3A_87 = arith.constant 0 : i32
      %dma_start3A_88 = tpu.memref_slice %arg4[%mul3A_2, %dma_start3A_87] : memref<10112x64xf32, #tpu.memory_space<hbm>> -> memref<632x64xf32, #tpu.memory_space<hbm>>
      tpu.enqueue_dma source(%dma_start3A_88 : memref<632x64xf32, #tpu.memory_space<hbm>>) target(%dma_start3A_86 : memref<632x64xf32, #tpu.memory_space<vmem_shared>>) target_semaphore(%run_scoped3A : memref<!tpu.dma_semaphore, #tpu.memory_space<semaphore_mem>>)
      %dma_wait3A_89 = arith.constant 0 : i32
      %dma_wait3A_90 = tpu.memref_slice %arg10[%mul3A_2, %dma_wait3A_89] : memref<10112x64xf32, #tpu.memory_space<vmem_shared>> -> memref<632x64xf32, #tpu.memory_space<vmem_shared>>
      %dma_wait3A_91 = arith.constant 0 : i32
      %dma_wait3A_92 = tpu.memref_slice %arg4[%mul3A_2, %dma_wait3A_91] : memref<10112x64xf32, #tpu.memory_space<hbm>> -> memref<632x64xf32, #tpu.memory_space<hbm>>
      tpu.wait_dma2 semaphore(%run_scoped3A : memref<!tpu.dma_semaphore, #tpu.memory_space<semaphore_mem>>) src(%dma_wait3A_92 : memref<632x64xf32, #tpu.memory_space<hbm>>) dst(%dma_wait3A_90 : memref<632x64xf32, #tpu.memory_space<vmem_shared>>)
      tpu.yield
    }) : () -> ()
    "tpu.region"() ({
      %run_scoped3A = tpu.sem_alloc : memref<!tpu.dma_semaphore, #tpu.memory_space<semaphore_mem>>
      %dma_start3A_85 = arith.constant 0 : i32
      %dma_start3A_86 = tpu.memref_slice %arg30[%mul3A_2, %dma_start3A_85] : memref<10112x16xf32, #tpu.memory_space<vmem_shared>> -> memref<632x16xf32, #tpu.memory_space<vmem_shared>>
      %dma_start3A_87 = arith.constant 0 : i32
      %dma_start3A_88 = tpu.memref_slice %arg4[%mul3A_2, %dma_start3A_87] : memref<10112x64xf32, #tpu.memory_space<hbm>> -> memref<632x16xf32, #tpu.memory_space<hbm>>
      tpu.enqueue_dma source(%dma_start3A_88 : memref<632x16xf32, #tpu.memory_space<hbm>>) target(%dma_start3A_86 : memref<632x16xf32, #tpu.memory_space<vmem_shared>>) target_semaphore(%run_scoped3A : memref<!tpu.dma_semaphore, #tpu.memory_space<semaphore_mem>>)
      %dma_wait3A_89 = arith.constant 0 : i32
      %dma_wait3A_90 = tpu.memref_slice %arg30[%mul3A_2, %dma_wait3A_89] : memref<10112x16xf32, #tpu.memory_space<vmem_shared>> -> memref<632x16xf32, #tpu.memory_space<vmem_shared>>
      %dma_wait3A_91 = arith.constant 0 : i32
      %dma_wait3A_92 = tpu.memref_slice %arg4[%mul3A_2, %dma_wait3A_91] : memref<10112x64xf32, #tpu.memory_space<hbm>> -> memref<632x16xf32, #tpu.memory_space<hbm>>
      tpu.wait_dma2 semaphore(%run_scoped3A : memref<!tpu.dma_semaphore, #tpu.memory_space<semaphore_mem>>) src(%dma_wait3A_92 : memref<632x16xf32, #tpu.memory_space<hbm>>) dst(%dma_wait3A_90 : memref<632x16xf32, #tpu.memory_space<vmem_shared>>)
      tpu.yield
    }) : () -> ()
    "tpu.region"() ({
      %run_scoped3A = tpu.sem_alloc : memref<!tpu.dma_semaphore, #tpu.memory_space<semaphore_mem>>
      tpu.enqueue_dma source(%arg5 : memref<128x16xf32, #tpu.memory_space<hbm>>) target(%arg29 : memref<128x16xf32, #tpu.memory_space<vmem>>) target_semaphore(%run_scoped3A : memref<!tpu.dma_semaphore, #tpu.memory_space<semaphore_mem>>)
      tpu.wait_dma2 semaphore(%run_scoped3A : memref<!tpu.dma_semaphore, #tpu.memory_space<semaphore_mem>>) src(%arg5 : memref<128x16xf32, #tpu.memory_space<hbm>>) dst(%arg29 : memref<128x16xf32, #tpu.memory_space<vmem>>)
      tpu.yield
    }) : () -> ()
    "tpu.region"() ({
      %run_scoped3A = tpu.sem_alloc : memref<!tpu.dma_semaphore, #tpu.memory_space<semaphore_mem>>
      %dma_start3A_85 = arith.constant 0 : i32
      %dma_start3A_86 = arith.constant 0 : i32
      %dma_start3A_87 = tpu.memref_slice %arg8[%dma_start3A_85, %dma_start3A_86] : memref<79x128xi32, #tpu.memory_space<vmem>> -> memref<78x128xi32, #tpu.memory_space<vmem>>
      %dma_start3A_88 = arith.constant 0 : i32
      %dma_start3A_89 = tpu.memref_slice %arg3[%add3A_6, %dma_start3A_88] : memref<5000x128xi32, #tpu.memory_space<hbm>> -> memref<78x128xi32, #tpu.memory_space<hbm>>
      %dma_start3A_90 = arith.constant 0 : i32
      %dma_start3A_91 = arith.constant 0 : i32
      %dma_start3A_92 = tpu.memref_slice %arg8[%dma_start3A_90, %dma_start3A_91] : memref<79x128xi32, #tpu.memory_space<vmem>> -> memref<78x128xi32, #tpu.memory_space<vmem>>
      %dma_start3A_93 = arith.constant 0 : i32
      %dma_start3A_94 = tpu.memref_slice %arg3[%add3A_6, %dma_start3A_93] : memref<5000x128xi32, #tpu.memory_space<hbm>> -> memref<78x128xi32, #tpu.memory_space<hbm>>
      tpu.enqueue_dma source(%dma_start3A_94 : memref<78x128xi32, #tpu.memory_space<hbm>>) target(%dma_start3A_92 : memref<78x128xi32, #tpu.memory_space<vmem>>) target_semaphore(%run_scoped3A : memref<!tpu.dma_semaphore, #tpu.memory_space<semaphore_mem>>)
      %dma_wait3A_95 = arith.constant 0 : i32
      %dma_wait3A_96 = arith.constant 0 : i32
      %dma_wait3A_97 = tpu.memref_slice %arg8[%dma_wait3A_95, %dma_wait3A_96] : memref<79x128xi32, #tpu.memory_space<vmem>> -> memref<78x128xi32, #tpu.memory_space<vmem>>
      %dma_wait3A_98 = arith.constant 0 : i32
      %dma_wait3A_99 = tpu.memref_slice %arg3[%add3A_6, %dma_wait3A_98] : memref<5000x128xi32, #tpu.memory_space<hbm>> -> memref<78x128xi32, #tpu.memory_space<hbm>>
      %dma_wait3A_100 = arith.constant 0 : i32
      %dma_wait3A_101 = arith.constant 0 : i32
      %dma_wait3A_102 = tpu.memref_slice %arg8[%dma_wait3A_100, %dma_wait3A_101] : memref<79x128xi32, #tpu.memory_space<vmem>> -> memref<78x128xi32, #tpu.memory_space<vmem>>
      %dma_wait3A_103 = arith.constant 0 : i32
      %dma_wait3A_104 = tpu.memref_slice %arg3[%add3A_6, %dma_wait3A_103] : memref<5000x128xi32, #tpu.memory_space<hbm>> -> memref<78x128xi32, #tpu.memory_space<hbm>>
      tpu.wait_dma2 semaphore(%run_scoped3A : memref<!tpu.dma_semaphore, #tpu.memory_space<semaphore_mem>>) src(%dma_wait3A_104 : memref<78x128xi32, #tpu.memory_space<hbm>>) dst(%dma_wait3A_102 : memref<78x128xi32, #tpu.memory_space<vmem>>)
      tpu.yield
    }) : () -> ()
    %add3A_8 = arith.constant 2500 : i32
    %add3A_9 = arith.addi %add3A_8, %add3A_6 : i32
    "tpu.region"() ({
      %run_scoped3A = tpu.sem_alloc : memref<!tpu.dma_semaphore, #tpu.memory_space<semaphore_mem>>
      %dma_start3A_85 = arith.constant 0 : i32
      %dma_start3A_86 = arith.constant 0 : i32
      %dma_start3A_87 = tpu.memref_slice %arg9[%dma_start3A_85, %dma_start3A_86] : memref<79x128xi32, #tpu.memory_space<vmem>> -> memref<78x128xi32, #tpu.memory_space<vmem>>
      %dma_start3A_88 = arith.constant 0 : i32
      %dma_start3A_89 = tpu.memref_slice %arg3[%add3A_9, %dma_start3A_88] : memref<5000x128xi32, #tpu.memory_space<hbm>> -> memref<78x128xi32, #tpu.memory_space<hbm>>
      %dma_start3A_90 = arith.constant 0 : i32
      %dma_start3A_91 = arith.constant 0 : i32
      %dma_start3A_92 = tpu.memref_slice %arg9[%dma_start3A_90, %dma_start3A_91] : memref<79x128xi32, #tpu.memory_space<vmem>> -> memref<78x128xi32, #tpu.memory_space<vmem>>
      %dma_start3A_93 = arith.constant 0 : i32
      %dma_start3A_94 = tpu.memref_slice %arg3[%add3A_9, %dma_start3A_93] : memref<5000x128xi32, #tpu.memory_space<hbm>> -> memref<78x128xi32, #tpu.memory_space<hbm>>
      tpu.enqueue_dma source(%dma_start3A_94 : memref<78x128xi32, #tpu.memory_space<hbm>>) target(%dma_start3A_92 : memref<78x128xi32, #tpu.memory_space<vmem>>) target_semaphore(%run_scoped3A : memref<!tpu.dma_semaphore, #tpu.memory_space<semaphore_mem>>)
      %dma_wait3A_95 = arith.constant 0 : i32
      %dma_wait3A_96 = arith.constant 0 : i32
      %dma_wait3A_97 = tpu.memref_slice %arg9[%dma_wait3A_95, %dma_wait3A_96] : memref<79x128xi32, #tpu.memory_space<vmem>> -> memref<78x128xi32, #tpu.memory_space<vmem>>
      %dma_wait3A_98 = arith.constant 0 : i32
      %dma_wait3A_99 = tpu.memref_slice %arg3[%add3A_9, %dma_wait3A_98] : memref<5000x128xi32, #tpu.memory_space<hbm>> -> memref<78x128xi32, #tpu.memory_space<hbm>>
      %dma_wait3A_100 = arith.constant 0 : i32
      %dma_wait3A_101 = arith.constant 0 : i32
      %dma_wait3A_102 = tpu.memref_slice %arg9[%dma_wait3A_100, %dma_wait3A_101] : memref<79x128xi32, #tpu.memory_space<vmem>> -> memref<78x128xi32, #tpu.memory_space<vmem>>
      %dma_wait3A_103 = arith.constant 0 : i32
      %dma_wait3A_104 = tpu.memref_slice %arg3[%add3A_9, %dma_wait3A_103] : memref<5000x128xi32, #tpu.memory_space<hbm>> -> memref<78x128xi32, #tpu.memory_space<hbm>>
      tpu.wait_dma2 semaphore(%run_scoped3A : memref<!tpu.dma_semaphore, #tpu.memory_space<semaphore_mem>>) src(%dma_wait3A_104 : memref<78x128xi32, #tpu.memory_space<hbm>>) dst(%dma_wait3A_102 : memref<78x128xi32, #tpu.memory_space<vmem>>)
      tpu.yield
    }) : () -> ()
    %convert_element_type3A = arith.extui %lt3A_7 : i1 to i32
    %cond3A = arith.constant 0 : i32
    %cond3A_10 = arith.cmpi ne, %convert_element_type3A, %cond3A : i32
    scf.if %cond3A_10 {
      %add3A_85 = arith.constant 78 : i32
      %add3A_86 = arith.addi %add3A_6, %add3A_85 : i32
      "tpu.region"() ({
        %run_scoped3A = tpu.sem_alloc : memref<!tpu.dma_semaphore, #tpu.memory_space<semaphore_mem>>
        %dma_start3A_91 = arith.constant 78 : i32
        %dma_start3A_92 = arith.constant 0 : i32
        %dma_start3A_93 = tpu.memref_slice %arg8[%dma_start3A_91, %dma_start3A_92] : memref<79x128xi32, #tpu.memory_space<vmem>> -> memref<1x128xi32, #tpu.memory_space<vmem>>
        %dma_start3A_94 = arith.constant 0 : i32
        %dma_start3A_95 = tpu.memref_slice %arg3[%add3A_86, %dma_start3A_94] : memref<5000x128xi32, #tpu.memory_space<hbm>> -> memref<1x128xi32, #tpu.memory_space<hbm>>
        %dma_start3A_96 = arith.constant 78 : i32
        %dma_start3A_97 = arith.constant 0 : i32
        %dma_start3A_98 = tpu.memref_slice %arg8[%dma_start3A_96, %dma_start3A_97] : memref<79x128xi32, #tpu.memory_space<vmem>> -> memref<1x128xi32, #tpu.memory_space<vmem>>
        %dma_start3A_99 = arith.constant 0 : i32
        %dma_start3A_100 = tpu.memref_slice %arg3[%add3A_86, %dma_start3A_99] : memref<5000x128xi32, #tpu.memory_space<hbm>> -> memref<1x128xi32, #tpu.memory_space<hbm>>
        tpu.enqueue_dma source(%dma_start3A_100 : memref<1x128xi32, #tpu.memory_space<hbm>>) target(%dma_start3A_98 : memref<1x128xi32, #tpu.memory_space<vmem>>) target_semaphore(%run_scoped3A : memref<!tpu.dma_semaphore, #tpu.memory_space<semaphore_mem>>)
        %dma_wait3A_101 = arith.constant 78 : i32
        %dma_wait3A_102 = arith.constant 0 : i32
        %dma_wait3A_103 = tpu.memref_slice %arg8[%dma_wait3A_101, %dma_wait3A_102] : memref<79x128xi32, #tpu.memory_space<vmem>> -> memref<1x128xi32, #tpu.memory_space<vmem>>
        %dma_wait3A_104 = arith.constant 0 : i32
        %dma_wait3A_105 = tpu.memref_slice %arg3[%add3A_86, %dma_wait3A_104] : memref<5000x128xi32, #tpu.memory_space<hbm>> -> memref<1x128xi32, #tpu.memory_space<hbm>>
        %dma_wait3A_106 = arith.constant 78 : i32
        %dma_wait3A_107 = arith.constant 0 : i32
        %dma_wait3A_108 = tpu.memref_slice %arg8[%dma_wait3A_106, %dma_wait3A_107] : memref<79x128xi32, #tpu.memory_space<vmem>> -> memref<1x128xi32, #tpu.memory_space<vmem>>
        %dma_wait3A_109 = arith.constant 0 : i32
        %dma_wait3A_110 = tpu.memref_slice %arg3[%add3A_86, %dma_wait3A_109] : memref<5000x128xi32, #tpu.memory_space<hbm>> -> memref<1x128xi32, #tpu.memory_space<hbm>>
        tpu.wait_dma2 semaphore(%run_scoped3A : memref<!tpu.dma_semaphore, #tpu.memory_space<semaphore_mem>>) src(%dma_wait3A_110 : memref<1x128xi32, #tpu.memory_space<hbm>>) dst(%dma_wait3A_108 : memref<1x128xi32, #tpu.memory_space<vmem>>)
        tpu.yield
      }) : () -> ()
      %add3A_87 = arith.constant 2500 : i32
      %add3A_88 = arith.addi %add3A_87, %add3A_6 : i32
      %add3A_89 = arith.constant 78 : i32
      %add3A_90 = arith.addi %add3A_88, %add3A_89 : i32
      "tpu.region"() ({
        %run_scoped3A = tpu.sem_alloc : memref<!tpu.dma_semaphore, #tpu.memory_space<semaphore_mem>>
        %dma_start3A_91 = arith.constant 78 : i32
        %dma_start3A_92 = arith.constant 0 : i32
        %dma_start3A_93 = tpu.memref_slice %arg9[%dma_start3A_91, %dma_start3A_92] : memref<79x128xi32, #tpu.memory_space<vmem>> -> memref<1x128xi32, #tpu.memory_space<vmem>>
        %dma_start3A_94 = arith.constant 0 : i32
        %dma_start3A_95 = tpu.memref_slice %arg3[%add3A_90, %dma_start3A_94] : memref<5000x128xi32, #tpu.memory_space<hbm>> -> memref<1x128xi32, #tpu.memory_space<hbm>>
        %dma_start3A_96 = arith.constant 78 : i32
        %dma_start3A_97 = arith.constant 0 : i32
        %dma_start3A_98 = tpu.memref_slice %arg9[%dma_start3A_96, %dma_start3A_97] : memref<79x128xi32, #tpu.memory_space<vmem>> -> memref<1x128xi32, #tpu.memory_space<vmem>>
        %dma_start3A_99 = arith.constant 0 : i32
        %dma_start3A_100 = tpu.memref_slice %arg3[%add3A_90, %dma_start3A_99] : memref<5000x128xi32, #tpu.memory_space<hbm>> -> memref<1x128xi32, #tpu.memory_space<hbm>>
        tpu.enqueue_dma source(%dma_start3A_100 : memref<1x128xi32, #tpu.memory_space<hbm>>) target(%dma_start3A_98 : memref<1x128xi32, #tpu.memory_space<vmem>>) target_semaphore(%run_scoped3A : memref<!tpu.dma_semaphore, #tpu.memory_space<semaphore_mem>>)
        %dma_wait3A_101 = arith.constant 78 : i32
        %dma_wait3A_102 = arith.constant 0 : i32
        %dma_wait3A_103 = tpu.memref_slice %arg9[%dma_wait3A_101, %dma_wait3A_102] : memref<79x128xi32, #tpu.memory_space<vmem>> -> memref<1x128xi32, #tpu.memory_space<vmem>>
        %dma_wait3A_104 = arith.constant 0 : i32
        %dma_wait3A_105 = tpu.memref_slice %arg3[%add3A_90, %dma_wait3A_104] : memref<5000x128xi32, #tpu.memory_space<hbm>> -> memref<1x128xi32, #tpu.memory_space<hbm>>
        %dma_wait3A_106 = arith.constant 78 : i32
        %dma_wait3A_107 = arith.constant 0 : i32
        %dma_wait3A_108 = tpu.memref_slice %arg9[%dma_wait3A_106, %dma_wait3A_107] : memref<79x128xi32, #tpu.memory_space<vmem>> -> memref<1x128xi32, #tpu.memory_space<vmem>>
        %dma_wait3A_109 = arith.constant 0 : i32
        %dma_wait3A_110 = tpu.memref_slice %arg3[%add3A_90, %dma_wait3A_109] : memref<5000x128xi32, #tpu.memory_space<hbm>> -> memref<1x128xi32, #tpu.memory_space<hbm>>
        tpu.wait_dma2 semaphore(%run_scoped3A : memref<!tpu.dma_semaphore, #tpu.memory_space<semaphore_mem>>) src(%dma_wait3A_110 : memref<1x128xi32, #tpu.memory_space<hbm>>) dst(%dma_wait3A_108 : memref<1x128xi32, #tpu.memory_space<vmem>>)
        tpu.yield
      }) : () -> ()
    } else {
    }
    %barrier3A = arith.constant 0 : index
    tpu.barrier barrier_id(%barrier3A)
    %dma_start3A = arith.constant 0 : i32
    %dma_start3A_11 = arith.constant 0 : i32
    %dma_start3A_12 = tpu.memref_slice %arg8[%dma_start3A, %dma_start3A_11] : memref<79x128xi32, #tpu.memory_space<vmem>> -> memref<1x128xi32, #tpu.memory_space<vmem>>
    %dma_start3A_13 = tpu.memref_squeeze %dma_start3A_12 : memref<1x128xi32, #tpu.memory_space<vmem>> -> memref<128xi32, #tpu.memory_space<vmem>>
    %dma_start3A_14 = arith.constant 0 : i32
    %dma_start3A_15 = arith.constant 0 : i32
    %dma_start3A_16 = tpu.memref_slice %arg2[%dma_start3A_14, %dma_start3A_15] : memref<10000x64xf32, #tpu.memory_space<hbm>> -> memref<10000x64xf32, #tpu.memory_space<hbm>>
    tpu.enqueue_indirect_dma source(%dma_start3A_16 : memref<10000x64xf32, #tpu.memory_space<hbm>>) target(%arg11 : memref<128x64xf32, #tpu.memory_space<vmem>>) offsets(%dma_start3A_13 : memref<128xi32, #tpu.memory_space<vmem>>) semaphore(%arg17 : memref<!tpu.dma_semaphore, #tpu.memory_space<semaphore_mem>>)
    %dma_start3A_17 = arith.constant 1 : i32
    %dma_start3A_18 = arith.constant 0 : i32
    %dma_start3A_19 = tpu.memref_slice %arg8[%dma_start3A_17, %dma_start3A_18] : memref<79x128xi32, #tpu.memory_space<vmem>> -> memref<1x128xi32, #tpu.memory_space<vmem>>
    %dma_start3A_20 = tpu.memref_squeeze %dma_start3A_19 : memref<1x128xi32, #tpu.memory_space<vmem>> -> memref<128xi32, #tpu.memory_space<vmem>>
    %dma_start3A_21 = arith.constant 0 : i32
    %dma_start3A_22 = arith.constant 0 : i32
    %dma_start3A_23 = tpu.memref_slice %arg2[%dma_start3A_21, %dma_start3A_22] : memref<10000x64xf32, #tpu.memory_space<hbm>> -> memref<10000x64xf32, #tpu.memory_space<hbm>>
    tpu.enqueue_indirect_dma source(%dma_start3A_23 : memref<10000x64xf32, #tpu.memory_space<hbm>>) target(%arg12 : memref<128x64xf32, #tpu.memory_space<vmem>>) offsets(%dma_start3A_20 : memref<128xi32, #tpu.memory_space<vmem>>) semaphore(%arg18 : memref<!tpu.dma_semaphore, #tpu.memory_space<semaphore_mem>>)
    %dma_start3A_24 = arith.constant 2 : i32
    %dma_start3A_25 = arith.constant 0 : i32
    %dma_start3A_26 = tpu.memref_slice %arg8[%dma_start3A_24, %dma_start3A_25] : memref<79x128xi32, #tpu.memory_space<vmem>> -> memref<1x128xi32, #tpu.memory_space<vmem>>
    %dma_start3A_27 = tpu.memref_squeeze %dma_start3A_26 : memref<1x128xi32, #tpu.memory_space<vmem>> -> memref<128xi32, #tpu.memory_space<vmem>>
    %dma_start3A_28 = arith.constant 0 : i32
    %dma_start3A_29 = arith.constant 0 : i32
    %dma_start3A_30 = tpu.memref_slice %arg2[%dma_start3A_28, %dma_start3A_29] : memref<10000x64xf32, #tpu.memory_space<hbm>> -> memref<10000x64xf32, #tpu.memory_space<hbm>>
    tpu.enqueue_indirect_dma source(%dma_start3A_30 : memref<10000x64xf32, #tpu.memory_space<hbm>>) target(%arg13 : memref<128x64xf32, #tpu.memory_space<vmem>>) offsets(%dma_start3A_27 : memref<128xi32, #tpu.memory_space<vmem>>) semaphore(%arg19 : memref<!tpu.dma_semaphore, #tpu.memory_space<semaphore_mem>>)
    %scan3A = arith.constant 0 : i32
    %scan3A_31 = arith.constant 0 : i32
    %scan3A_32 = arith.constant 13 : i32
    %scan3A_33 = arith.addi %scan3A_31, %scan3A_32 : i32
    %scan3A_34 = arith.constant 1 : i32
    scf.for %scan3A_85 = %scan3A_31 to %scan3A_33 step %scan3A_34  : i32 {
      %mul3A_86 = arith.constant 6 : i32
      %mul3A_87 = arith.muli %scan3A_85, %mul3A_86 : i32
      %add3A_88 = arith.constant 0 : i32
      %add3A_89 = arith.addi %mul3A_87, %add3A_88 : i32
      %gt3A = arith.constant 0 : i32
      %gt3A_90 = arith.cmpi sgt, %scan3A_85, %gt3A : i32
      %convert_element_type3A_91 = arith.extui %gt3A_90 : i1 to i32
      %cond3A_92 = arith.constant 0 : i32
      %cond3A_93 = arith.cmpi ne, %convert_element_type3A_91, %cond3A_92 : i32
      scf.if %cond3A_93 {
        %dma_wait3A_312 = arith.constant 0 : i32
        %dma_wait3A_313 = arith.constant 0 : i32
        %dma_wait3A_314 = tpu.memref_slice %arg9[%dma_wait3A_312, %dma_wait3A_313] : memref<79x128xi32, #tpu.memory_space<vmem>> -> memref<1x128xi32, #tpu.memory_space<vmem>>
        %dma_wait3A_315 = tpu.memref_squeeze %dma_wait3A_314 : memref<1x128xi32, #tpu.memory_space<vmem>> -> memref<128xi32, #tpu.memory_space<vmem>>
        %dma_wait3A_316 = arith.constant 0 : i32
        %dma_wait3A_317 = arith.constant 0 : i32
        %dma_wait3A_318 = tpu.memref_slice %arg10[%dma_wait3A_316, %dma_wait3A_317] : memref<10112x64xf32, #tpu.memory_space<vmem_shared>> -> memref<10112x64xf32, #tpu.memory_space<vmem_shared>>
        tpu.wait_indirect_dma semaphore(%arg26 : memref<!tpu.dma_semaphore, #tpu.memory_space<semaphore_mem>>) src(%arg14 : memref<128x64xf32, #tpu.memory_space<vmem>>) dst(%dma_wait3A_318 : memref<10112x64xf32, #tpu.memory_space<vmem_shared>>)
        %dma_wait3A_319 = arith.constant 0 : i32
        %dma_wait3A_320 = arith.constant 0 : i32
        %dma_wait3A_321 = tpu.memref_slice %arg9[%dma_wait3A_319, %dma_wait3A_320] : memref<79x128xi32, #tpu.memory_space<vmem>> -> memref<1x128xi32, #tpu.memory_space<vmem>>
        %dma_wait3A_322 = tpu.memref_squeeze %dma_wait3A_321 : memref<1x128xi32, #tpu.memory_space<vmem>> -> memref<128xi32, #tpu.memory_space<vmem>>
        %dma_wait3A_323 = arith.constant 0 : i32
        %dma_wait3A_324 = arith.constant 0 : i32
        %dma_wait3A_325 = tpu.memref_slice %arg30[%dma_wait3A_323, %dma_wait3A_324] : memref<10112x16xf32, #tpu.memory_space<vmem_shared>> -> memref<10112x16xf32, #tpu.memory_space<vmem_shared>>
        tpu.wait_indirect_dma semaphore(%arg34 : memref<!tpu.dma_semaphore, #tpu.memory_space<semaphore_mem>>) src(%arg29 : memref<128x16xf32, #tpu.memory_space<vmem>>) dst(%dma_wait3A_325 : memref<10112x16xf32, #tpu.memory_space<vmem_shared>>)
      } else {
      }
      %add3A_94 = arith.constant 3 : i32
      %add3A_95 = arith.addi %add3A_89, %add3A_94 : i32
      %lt3A_96 = arith.constant 78 : i32
      %lt3A_97 = arith.cmpi slt, %add3A_95, %lt3A_96 : i32
      %convert_element_type3A_98 = arith.extui %lt3A_97 : i1 to i32
      %cond3A_99 = arith.constant 0 : i32
      %cond3A_100 = arith.cmpi ne, %convert_element_type3A_98, %cond3A_99 : i32
      scf.if %cond3A_100 {
        %add3A_312 = arith.constant 3 : i32
        %add3A_313 = arith.addi %add3A_89, %add3A_312 : i32
        %dma_start3A_314 = arith.constant 0 : i32
        %dma_start3A_315 = tpu.memref_slice %arg8[%add3A_313, %dma_start3A_314] : memref<79x128xi32, #tpu.memory_space<vmem>> -> memref<1x128xi32, #tpu.memory_space<vmem>>
        %dma_start3A_316 = tpu.memref_squeeze %dma_start3A_315 : memref<1x128xi32, #tpu.memory_space<vmem>> -> memref<128xi32, #tpu.memory_space<vmem>>
        %dma_start3A_317 = arith.constant 0 : i32
        %dma_start3A_318 = arith.constant 0 : i32
        %dma_start3A_319 = tpu.memref_slice %arg2[%dma_start3A_317, %dma_start3A_318] : memref<10000x64xf32, #tpu.memory_space<hbm>> -> memref<10000x64xf32, #tpu.memory_space<hbm>>
        tpu.enqueue_indirect_dma source(%dma_start3A_319 : memref<10000x64xf32, #tpu.memory_space<hbm>>) target(%arg14 : memref<128x64xf32, #tpu.memory_space<vmem>>) offsets(%dma_start3A_316 : memref<128xi32, #tpu.memory_space<vmem>>) semaphore(%arg20 : memref<!tpu.dma_semaphore, #tpu.memory_space<semaphore_mem>>)
      } else {
      }
      %dma_wait3A_101 = arith.constant 0 : i32
      %dma_wait3A_102 = arith.constant 0 : i32
      %dma_wait3A_103 = tpu.memref_slice %arg8[%dma_wait3A_101, %dma_wait3A_102] : memref<79x128xi32, #tpu.memory_space<vmem>> -> memref<1x128xi32, #tpu.memory_space<vmem>>
      %dma_wait3A_104 = tpu.memref_squeeze %dma_wait3A_103 : memref<1x128xi32, #tpu.memory_space<vmem>> -> memref<128xi32, #tpu.memory_space<vmem>>
      %dma_wait3A_105 = arith.constant 0 : i32
      %dma_wait3A_106 = arith.constant 0 : i32
      %dma_wait3A_107 = tpu.memref_slice %arg2[%dma_wait3A_105, %dma_wait3A_106] : memref<10000x64xf32, #tpu.memory_space<hbm>> -> memref<10000x64xf32, #tpu.memory_space<hbm>>
      tpu.wait_indirect_dma semaphore(%arg17 : memref<!tpu.dma_semaphore, #tpu.memory_space<semaphore_mem>>) src(%dma_wait3A_107 : memref<10000x64xf32, #tpu.memory_space<hbm>>) dst(%arg11 : memref<128x64xf32, #tpu.memory_space<vmem>>)
      %dma_start3A_108 = arith.constant 0 : i32
      %dma_start3A_109 = tpu.memref_slice %arg9[%add3A_89, %dma_start3A_108] : memref<79x128xi32, #tpu.memory_space<vmem>> -> memref<1x128xi32, #tpu.memory_space<vmem>>
      %dma_start3A_110 = tpu.memref_squeeze %dma_start3A_109 : memref<1x128xi32, #tpu.memory_space<vmem>> -> memref<128xi32, #tpu.memory_space<vmem>>
      %dma_start3A_111 = arith.constant 0 : i32
      %dma_start3A_112 = arith.constant 0 : i32
      %dma_start3A_113 = tpu.memref_slice %arg10[%dma_start3A_111, %dma_start3A_112] : memref<10112x64xf32, #tpu.memory_space<vmem_shared>> -> memref<10112x64xf32, #tpu.memory_space<vmem_shared>>
      tpu.enqueue_indirect_dma source(%arg11 : memref<128x64xf32, #tpu.memory_space<vmem>>) target(%dma_start3A_113 : memref<10112x64xf32, #tpu.memory_space<vmem_shared>>) offsets(%dma_start3A_110 : memref<128xi32, #tpu.memory_space<vmem>>) semaphore(%arg23 : memref<!tpu.dma_semaphore, #tpu.memory_space<semaphore_mem>>) {add = true}
      %dma_start3A_114 = arith.constant 0 : i32
      %dma_start3A_115 = tpu.memref_slice %arg9[%add3A_89, %dma_start3A_114] : memref<79x128xi32, #tpu.memory_space<vmem>> -> memref<1x128xi32, #tpu.memory_space<vmem>>
      %dma_start3A_116 = tpu.memref_squeeze %dma_start3A_115 : memref<1x128xi32, #tpu.memory_space<vmem>> -> memref<128xi32, #tpu.memory_space<vmem>>
      %dma_start3A_117 = arith.constant 0 : i32
      %dma_start3A_118 = arith.constant 0 : i32
      %dma_start3A_119 = tpu.memref_slice %arg30[%dma_start3A_117, %dma_start3A_118] : memref<10112x16xf32, #tpu.memory_space<vmem_shared>> -> memref<10112x16xf32, #tpu.memory_space<vmem_shared>>
      tpu.enqueue_indirect_dma source(%arg29 : memref<128x16xf32, #tpu.memory_space<vmem>>) target(%dma_start3A_119 : memref<10112x16xf32, #tpu.memory_space<vmem_shared>>) offsets(%dma_start3A_116 : memref<128xi32, #tpu.memory_space<vmem>>) semaphore(%arg31 : memref<!tpu.dma_semaphore, #tpu.memory_space<semaphore_mem>>) {add = true}
      %add3A_120 = arith.constant 1 : i32
      %add3A_121 = arith.addi %mul3A_87, %add3A_120 : i32
      %gt3A_122 = arith.constant 0 : i32
      %gt3A_123 = arith.cmpi sgt, %scan3A_85, %gt3A_122 : i32
      %convert_element_type3A_124 = arith.extui %gt3A_123 : i1 to i32
      %cond3A_125 = arith.constant 0 : i32
      %cond3A_126 = arith.cmpi ne, %convert_element_type3A_124, %cond3A_125 : i32
      scf.if %cond3A_126 {
        %dma_wait3A_312 = arith.constant 0 : i32
        %dma_wait3A_313 = arith.constant 0 : i32
        %dma_wait3A_314 = tpu.memref_slice %arg9[%dma_wait3A_312, %dma_wait3A_313] : memref<79x128xi32, #tpu.memory_space<vmem>> -> memref<1x128xi32, #tpu.memory_space<vmem>>
        %dma_wait3A_315 = tpu.memref_squeeze %dma_wait3A_314 : memref<1x128xi32, #tpu.memory_space<vmem>> -> memref<128xi32, #tpu.memory_space<vmem>>
        %dma_wait3A_316 = arith.constant 0 : i32
        %dma_wait3A_317 = arith.constant 0 : i32
        %dma_wait3A_318 = tpu.memref_slice %arg10[%dma_wait3A_316, %dma_wait3A_317] : memref<10112x64xf32, #tpu.memory_space<vmem_shared>> -> memref<10112x64xf32, #tpu.memory_space<vmem_shared>>
        tpu.wait_indirect_dma semaphore(%arg27 : memref<!tpu.dma_semaphore, #tpu.memory_space<semaphore_mem>>) src(%arg15 : memref<128x64xf32, #tpu.memory_space<vmem>>) dst(%dma_wait3A_318 : memref<10112x64xf32, #tpu.memory_space<vmem_shared>>)
        %dma_wait3A_319 = arith.constant 0 : i32
        %dma_wait3A_320 = arith.constant 0 : i32
        %dma_wait3A_321 = tpu.memref_slice %arg9[%dma_wait3A_319, %dma_wait3A_320] : memref<79x128xi32, #tpu.memory_space<vmem>> -> memref<1x128xi32, #tpu.memory_space<vmem>>
        %dma_wait3A_322 = tpu.memref_squeeze %dma_wait3A_321 : memref<1x128xi32, #tpu.memory_space<vmem>> -> memref<128xi32, #tpu.memory_space<vmem>>
        %dma_wait3A_323 = arith.constant 0 : i32
        %dma_wait3A_324 = arith.constant 0 : i32
        %dma_wait3A_325 = tpu.memref_slice %arg30[%dma_wait3A_323, %dma_wait3A_324] : memref<10112x16xf32, #tpu.memory_space<vmem_shared>> -> memref<10112x16xf32, #tpu.memory_space<vmem_shared>>
        tpu.wait_indirect_dma semaphore(%arg35 : memref<!tpu.dma_semaphore, #tpu.memory_space<semaphore_mem>>) src(%arg29 : memref<128x16xf32, #tpu.memory_space<vmem>>) dst(%dma_wait3A_325 : memref<10112x16xf32, #tpu.memory_space<vmem_shared>>)
      } else {
      }
      %add3A_127 = arith.constant 3 : i32
      %add3A_128 = arith.addi %add3A_121, %add3A_127 : i32
      %lt3A_129 = arith.constant 78 : i32
      %lt3A_130 = arith.cmpi slt, %add3A_128, %lt3A_129 : i32
      %convert_element_type3A_131 = arith.extui %lt3A_130 : i1 to i32
      %cond3A_132 = arith.constant 0 : i32
      %cond3A_133 = arith.cmpi ne, %convert_element_type3A_131, %cond3A_132 : i32
      scf.if %cond3A_133 {
        %add3A_312 = arith.constant 3 : i32
        %add3A_313 = arith.addi %add3A_121, %add3A_312 : i32
        %dma_start3A_314 = arith.constant 0 : i32
        %dma_start3A_315 = tpu.memref_slice %arg8[%add3A_313, %dma_start3A_314] : memref<79x128xi32, #tpu.memory_space<vmem>> -> memref<1x128xi32, #tpu.memory_space<vmem>>
        %dma_start3A_316 = tpu.memref_squeeze %dma_start3A_315 : memref<1x128xi32, #tpu.memory_space<vmem>> -> memref<128xi32, #tpu.memory_space<vmem>>
        %dma_start3A_317 = arith.constant 0 : i32
        %dma_start3A_318 = arith.constant 0 : i32
        %dma_start3A_319 = tpu.memref_slice %arg2[%dma_start3A_317, %dma_start3A_318] : memref<10000x64xf32, #tpu.memory_space<hbm>> -> memref<10000x64xf32, #tpu.memory_space<hbm>>
        tpu.enqueue_indirect_dma source(%dma_start3A_319 : memref<10000x64xf32, #tpu.memory_space<hbm>>) target(%arg15 : memref<128x64xf32, #tpu.memory_space<vmem>>) offsets(%dma_start3A_316 : memref<128xi32, #tpu.memory_space<vmem>>) semaphore(%arg21 : memref<!tpu.dma_semaphore, #tpu.memory_space<semaphore_mem>>)
      } else {
      }
      %dma_wait3A_134 = arith.constant 0 : i32
      %dma_wait3A_135 = arith.constant 0 : i32
      %dma_wait3A_136 = tpu.memref_slice %arg8[%dma_wait3A_134, %dma_wait3A_135] : memref<79x128xi32, #tpu.memory_space<vmem>> -> memref<1x128xi32, #tpu.memory_space<vmem>>
      %dma_wait3A_137 = tpu.memref_squeeze %dma_wait3A_136 : memref<1x128xi32, #tpu.memory_space<vmem>> -> memref<128xi32, #tpu.memory_space<vmem>>
      %dma_wait3A_138 = arith.constant 0 : i32
      %dma_wait3A_139 = arith.constant 0 : i32
      %dma_wait3A_140 = tpu.memref_slice %arg2[%dma_wait3A_138, %dma_wait3A_139] : memref<10000x64xf32, #tpu.memory_space<hbm>> -> memref<10000x64xf32, #tpu.memory_space<hbm>>
      tpu.wait_indirect_dma semaphore(%arg18 : memref<!tpu.dma_semaphore, #tpu.memory_space<semaphore_mem>>) src(%dma_wait3A_140 : memref<10000x64xf32, #tpu.memory_space<hbm>>) dst(%arg12 : memref<128x64xf32, #tpu.memory_space<vmem>>)
      %dma_start3A_141 = arith.constant 0 : i32
      %dma_start3A_142 = tpu.memref_slice %arg9[%add3A_121, %dma_start3A_141] : memref<79x128xi32, #tpu.memory_space<vmem>> -> memref<1x128xi32, #tpu.memory_space<vmem>>
      %dma_start3A_143 = tpu.memref_squeeze %dma_start3A_142 : memref<1x128xi32, #tpu.memory_space<vmem>> -> memref<128xi32, #tpu.memory_space<vmem>>
      %dma_start3A_144 = arith.constant 0 : i32
      %dma_start3A_145 = arith.constant 0 : i32
      %dma_start3A_146 = tpu.memref_slice %arg10[%dma_start3A_144, %dma_start3A_145] : memref<10112x64xf32, #tpu.memory_space<vmem_shared>> -> memref<10112x64xf32, #tpu.memory_space<vmem_shared>>
      tpu.enqueue_indirect_dma source(%arg12 : memref<128x64xf32, #tpu.memory_space<vmem>>) target(%dma_start3A_146 : memref<10112x64xf32, #tpu.memory_space<vmem_shared>>) offsets(%dma_start3A_143 : memref<128xi32, #tpu.memory_space<vmem>>) semaphore(%arg24 : memref<!tpu.dma_semaphore, #tpu.memory_space<semaphore_mem>>) {add = true}
      %dma_start3A_147 = arith.constant 0 : i32
      %dma_start3A_148 = tpu.memref_slice %arg9[%add3A_121, %dma_start3A_147] : memref<79x128xi32, #tpu.memory_space<vmem>> -> memref<1x128xi32, #tpu.memory_space<vmem>>
      %dma_start3A_149 = tpu.memref_squeeze %dma_start3A_148 : memref<1x128xi32, #tpu.memory_space<vmem>> -> memref<128xi32, #tpu.memory_space<vmem>>
      %dma_start3A_150 = arith.constant 0 : i32
      %dma_start3A_151 = arith.constant 0 : i32
      %dma_start3A_152 = tpu.memref_slice %arg30[%dma_start3A_150, %dma_start3A_151] : memref<10112x16xf32, #tpu.memory_space<vmem_shared>> -> memref<10112x16xf32, #tpu.memory_space<vmem_shared>>
      tpu.enqueue_indirect_dma source(%arg29 : memref<128x16xf32, #tpu.memory_space<vmem>>) target(%dma_start3A_152 : memref<10112x16xf32, #tpu.memory_space<vmem_shared>>) offsets(%dma_start3A_149 : memref<128xi32, #tpu.memory_space<vmem>>) semaphore(%arg32 : memref<!tpu.dma_semaphore, #tpu.memory_space<semaphore_mem>>) {add = true}
      %add3A_153 = arith.constant 2 : i32
      %add3A_154 = arith.addi %mul3A_87, %add3A_153 : i32
      %gt3A_155 = arith.constant 0 : i32
      %gt3A_156 = arith.cmpi sgt, %scan3A_85, %gt3A_155 : i32
      %convert_element_type3A_157 = arith.extui %gt3A_156 : i1 to i32
      %cond3A_158 = arith.constant 0 : i32
      %cond3A_159 = arith.cmpi ne, %convert_element_type3A_157, %cond3A_158 : i32
      scf.if %cond3A_159 {
        %dma_wait3A_312 = arith.constant 0 : i32
        %dma_wait3A_313 = arith.constant 0 : i32
        %dma_wait3A_314 = tpu.memref_slice %arg9[%dma_wait3A_312, %dma_wait3A_313] : memref<79x128xi32, #tpu.memory_space<vmem>> -> memref<1x128xi32, #tpu.memory_space<vmem>>
        %dma_wait3A_315 = tpu.memref_squeeze %dma_wait3A_314 : memref<1x128xi32, #tpu.memory_space<vmem>> -> memref<128xi32, #tpu.memory_space<vmem>>
        %dma_wait3A_316 = arith.constant 0 : i32
        %dma_wait3A_317 = arith.constant 0 : i32
        %dma_wait3A_318 = tpu.memref_slice %arg10[%dma_wait3A_316, %dma_wait3A_317] : memref<10112x64xf32, #tpu.memory_space<vmem_shared>> -> memref<10112x64xf32, #tpu.memory_space<vmem_shared>>
        tpu.wait_indirect_dma semaphore(%arg28 : memref<!tpu.dma_semaphore, #tpu.memory_space<semaphore_mem>>) src(%arg16 : memref<128x64xf32, #tpu.memory_space<vmem>>) dst(%dma_wait3A_318 : memref<10112x64xf32, #tpu.memory_space<vmem_shared>>)
        %dma_wait3A_319 = arith.constant 0 : i32
        %dma_wait3A_320 = arith.constant 0 : i32
        %dma_wait3A_321 = tpu.memref_slice %arg9[%dma_wait3A_319, %dma_wait3A_320] : memref<79x128xi32, #tpu.memory_space<vmem>> -> memref<1x128xi32, #tpu.memory_space<vmem>>
        %dma_wait3A_322 = tpu.memref_squeeze %dma_wait3A_321 : memref<1x128xi32, #tpu.memory_space<vmem>> -> memref<128xi32, #tpu.memory_space<vmem>>
        %dma_wait3A_323 = arith.constant 0 : i32
        %dma_wait3A_324 = arith.constant 0 : i32
        %dma_wait3A_325 = tpu.memref_slice %arg30[%dma_wait3A_323, %dma_wait3A_324] : memref<10112x16xf32, #tpu.memory_space<vmem_shared>> -> memref<10112x16xf32, #tpu.memory_space<vmem_shared>>
        tpu.wait_indirect_dma semaphore(%arg36 : memref<!tpu.dma_semaphore, #tpu.memory_space<semaphore_mem>>) src(%arg29 : memref<128x16xf32, #tpu.memory_space<vmem>>) dst(%dma_wait3A_325 : memref<10112x16xf32, #tpu.memory_space<vmem_shared>>)
      } else {
      }
      %add3A_160 = arith.constant 3 : i32
      %add3A_161 = arith.addi %add3A_154, %add3A_160 : i32
      %lt3A_162 = arith.constant 78 : i32
      %lt3A_163 = arith.cmpi slt, %add3A_161, %lt3A_162 : i32
      %convert_element_type3A_164 = arith.extui %lt3A_163 : i1 to i32
      %cond3A_165 = arith.constant 0 : i32
      %cond3A_166 = arith.cmpi ne, %convert_element_type3A_164, %cond3A_165 : i32
      scf.if %cond3A_166 {
        %add3A_312 = arith.constant 3 : i32
        %add3A_313 = arith.addi %add3A_154, %add3A_312 : i32
        %dma_start3A_314 = arith.constant 0 : i32
        %dma_start3A_315 = tpu.memref_slice %arg8[%add3A_313, %dma_start3A_314] : memref<79x128xi32, #tpu.memory_space<vmem>> -> memref<1x128xi32, #tpu.memory_space<vmem>>
        %dma_start3A_316 = tpu.memref_squeeze %dma_start3A_315 : memref<1x128xi32, #tpu.memory_space<vmem>> -> memref<128xi32, #tpu.memory_space<vmem>>
        %dma_start3A_317 = arith.constant 0 : i32
        %dma_start3A_318 = arith.constant 0 : i32
        %dma_start3A_319 = tpu.memref_slice %arg2[%dma_start3A_317, %dma_start3A_318] : memref<10000x64xf32, #tpu.memory_space<hbm>> -> memref<10000x64xf32, #tpu.memory_space<hbm>>
        tpu.enqueue_indirect_dma source(%dma_start3A_319 : memref<10000x64xf32, #tpu.memory_space<hbm>>) target(%arg16 : memref<128x64xf32, #tpu.memory_space<vmem>>) offsets(%dma_start3A_316 : memref<128xi32, #tpu.memory_space<vmem>>) semaphore(%arg22 : memref<!tpu.dma_semaphore, #tpu.memory_space<semaphore_mem>>)
      } else {
      }
      %dma_wait3A_167 = arith.constant 0 : i32
      %dma_wait3A_168 = arith.constant 0 : i32
      %dma_wait3A_169 = tpu.memref_slice %arg8[%dma_wait3A_167, %dma_wait3A_168] : memref<79x128xi32, #tpu.memory_space<vmem>> -> memref<1x128xi32, #tpu.memory_space<vmem>>
      %dma_wait3A_170 = tpu.memref_squeeze %dma_wait3A_169 : memref<1x128xi32, #tpu.memory_space<vmem>> -> memref<128xi32, #tpu.memory_space<vmem>>
      %dma_wait3A_171 = arith.constant 0 : i32
      %dma_wait3A_172 = arith.constant 0 : i32
      %dma_wait3A_173 = tpu.memref_slice %arg2[%dma_wait3A_171, %dma_wait3A_172] : memref<10000x64xf32, #tpu.memory_space<hbm>> -> memref<10000x64xf32, #tpu.memory_space<hbm>>
      tpu.wait_indirect_dma semaphore(%arg19 : memref<!tpu.dma_semaphore, #tpu.memory_space<semaphore_mem>>) src(%dma_wait3A_173 : memref<10000x64xf32, #tpu.memory_space<hbm>>) dst(%arg13 : memref<128x64xf32, #tpu.memory_space<vmem>>)
      %dma_start3A_174 = arith.constant 0 : i32
      %dma_start3A_175 = tpu.memref_slice %arg9[%add3A_154, %dma_start3A_174] : memref<79x128xi32, #tpu.memory_space<vmem>> -> memref<1x128xi32, #tpu.memory_space<vmem>>
      %dma_start3A_176 = tpu.memref_squeeze %dma_start3A_175 : memref<1x128xi32, #tpu.memory_space<vmem>> -> memref<128xi32, #tpu.memory_space<vmem>>
      %dma_start3A_177 = arith.constant 0 : i32
      %dma_start3A_178 = arith.constant 0 : i32
      %dma_start3A_179 = tpu.memref_slice %arg10[%dma_start3A_177, %dma_start3A_178] : memref<10112x64xf32, #tpu.memory_space<vmem_shared>> -> memref<10112x64xf32, #tpu.memory_space<vmem_shared>>
      tpu.enqueue_indirect_dma source(%arg13 : memref<128x64xf32, #tpu.memory_space<vmem>>) target(%dma_start3A_179 : memref<10112x64xf32, #tpu.memory_space<vmem_shared>>) offsets(%dma_start3A_176 : memref<128xi32, #tpu.memory_space<vmem>>) semaphore(%arg25 : memref<!tpu.dma_semaphore, #tpu.memory_space<semaphore_mem>>) {add = true}
      %dma_start3A_180 = arith.constant 0 : i32
      %dma_start3A_181 = tpu.memref_slice %arg9[%add3A_154, %dma_start3A_180] : memref<79x128xi32, #tpu.memory_space<vmem>> -> memref<1x128xi32, #tpu.memory_space<vmem>>
      %dma_start3A_182 = tpu.memref_squeeze %dma_start3A_181 : memref<1x128xi32, #tpu.memory_space<vmem>> -> memref<128xi32, #tpu.memory_space<vmem>>
      %dma_start3A_183 = arith.constant 0 : i32
      %dma_start3A_184 = arith.constant 0 : i32
      %dma_start3A_185 = tpu.memref_slice %arg30[%dma_start3A_183, %dma_start3A_184] : memref<10112x16xf32, #tpu.memory_space<vmem_shared>> -> memref<10112x16xf32, #tpu.memory_space<vmem_shared>>
      tpu.enqueue_indirect_dma source(%arg29 : memref<128x16xf32, #tpu.memory_space<vmem>>) target(%dma_start3A_185 : memref<10112x16xf32, #tpu.memory_space<vmem_shared>>) offsets(%dma_start3A_182 : memref<128xi32, #tpu.memory_space<vmem>>) semaphore(%arg33 : memref<!tpu.dma_semaphore, #tpu.memory_space<semaphore_mem>>) {add = true}
      %add3A_186 = arith.constant 3 : i32
      %add3A_187 = arith.addi %mul3A_87, %add3A_186 : i32
      %dma_wait3A_188 = arith.constant 0 : i32
      %dma_wait3A_189 = arith.constant 0 : i32
      %dma_wait3A_190 = tpu.memref_slice %arg9[%dma_wait3A_188, %dma_wait3A_189] : memref<79x128xi32, #tpu.memory_space<vmem>> -> memref<1x128xi32, #tpu.memory_space<vmem>>
      %dma_wait3A_191 = tpu.memref_squeeze %dma_wait3A_190 : memref<1x128xi32, #tpu.memory_space<vmem>> -> memref<128xi32, #tpu.memory_space<vmem>>
      %dma_wait3A_192 = arith.constant 0 : i32
      %dma_wait3A_193 = arith.constant 0 : i32
      %dma_wait3A_194 = tpu.memref_slice %arg10[%dma_wait3A_192, %dma_wait3A_193] : memref<10112x64xf32, #tpu.memory_space<vmem_shared>> -> memref<10112x64xf32, #tpu.memory_space<vmem_shared>>
      tpu.wait_indirect_dma semaphore(%arg23 : memref<!tpu.dma_semaphore, #tpu.memory_space<semaphore_mem>>) src(%arg11 : memref<128x64xf32, #tpu.memory_space<vmem>>) dst(%dma_wait3A_194 : memref<10112x64xf32, #tpu.memory_space<vmem_shared>>)
      %dma_wait3A_195 = arith.constant 0 : i32
      %dma_wait3A_196 = arith.constant 0 : i32
      %dma_wait3A_197 = tpu.memref_slice %arg9[%dma_wait3A_195, %dma_wait3A_196] : memref<79x128xi32, #tpu.memory_space<vmem>> -> memref<1x128xi32, #tpu.memory_space<vmem>>
      %dma_wait3A_198 = tpu.memref_squeeze %dma_wait3A_197 : memref<1x128xi32, #tpu.memory_space<vmem>> -> memref<128xi32, #tpu.memory_space<vmem>>
      %dma_wait3A_199 = arith.constant 0 : i32
      %dma_wait3A_200 = arith.constant 0 : i32
      %dma_wait3A_201 = tpu.memref_slice %arg30[%dma_wait3A_199, %dma_wait3A_200] : memref<10112x16xf32, #tpu.memory_space<vmem_shared>> -> memref<10112x16xf32, #tpu.memory_space<vmem_shared>>
      tpu.wait_indirect_dma semaphore(%arg31 : memref<!tpu.dma_semaphore, #tpu.memory_space<semaphore_mem>>) src(%arg29 : memref<128x16xf32, #tpu.memory_space<vmem>>) dst(%dma_wait3A_201 : memref<10112x16xf32, #tpu.memory_space<vmem_shared>>)
      %add3A_202 = arith.constant 3 : i32
      %add3A_203 = arith.addi %add3A_187, %add3A_202 : i32
      %lt3A_204 = arith.constant 78 : i32
      %lt3A_205 = arith.cmpi slt, %add3A_203, %lt3A_204 : i32
      %convert_element_type3A_206 = arith.extui %lt3A_205 : i1 to i32
      %cond3A_207 = arith.constant 0 : i32
      %cond3A_208 = arith.cmpi ne, %convert_element_type3A_206, %cond3A_207 : i32
      scf.if %cond3A_208 {
        %add3A_312 = arith.constant 3 : i32
        %add3A_313 = arith.addi %add3A_187, %add3A_312 : i32
        %dma_start3A_314 = arith.constant 0 : i32
        %dma_start3A_315 = tpu.memref_slice %arg8[%add3A_313, %dma_start3A_314] : memref<79x128xi32, #tpu.memory_space<vmem>> -> memref<1x128xi32, #tpu.memory_space<vmem>>
        %dma_start3A_316 = tpu.memref_squeeze %dma_start3A_315 : memref<1x128xi32, #tpu.memory_space<vmem>> -> memref<128xi32, #tpu.memory_space<vmem>>
        %dma_start3A_317 = arith.constant 0 : i32
        %dma_start3A_318 = arith.constant 0 : i32
        %dma_start3A_319 = tpu.memref_slice %arg2[%dma_start3A_317, %dma_start3A_318] : memref<10000x64xf32, #tpu.memory_space<hbm>> -> memref<10000x64xf32, #tpu.memory_space<hbm>>
        tpu.enqueue_indirect_dma source(%dma_start3A_319 : memref<10000x64xf32, #tpu.memory_space<hbm>>) target(%arg11 : memref<128x64xf32, #tpu.memory_space<vmem>>) offsets(%dma_start3A_316 : memref<128xi32, #tpu.memory_space<vmem>>) semaphore(%arg17 : memref<!tpu.dma_semaphore, #tpu.memory_space<semaphore_mem>>)
      } else {
      }
      %dma_wait3A_209 = arith.constant 0 : i32
      %dma_wait3A_210 = arith.constant 0 : i32
      %dma_wait3A_211 = tpu.memref_slice %arg8[%dma_wait3A_209, %dma_wait3A_210] : memref<79x128xi32, #tpu.memory_space<vmem>> -> memref<1x128xi32, #tpu.memory_space<vmem>>
      %dma_wait3A_212 = tpu.memref_squeeze %dma_wait3A_211 : memref<1x128xi32, #tpu.memory_space<vmem>> -> memref<128xi32, #tpu.memory_space<vmem>>
      %dma_wait3A_213 = arith.constant 0 : i32
      %dma_wait3A_214 = arith.constant 0 : i32
      %dma_wait3A_215 = tpu.memref_slice %arg2[%dma_wait3A_213, %dma_wait3A_214] : memref<10000x64xf32, #tpu.memory_space<hbm>> -> memref<10000x64xf32, #tpu.memory_space<hbm>>
      tpu.wait_indirect_dma semaphore(%arg20 : memref<!tpu.dma_semaphore, #tpu.memory_space<semaphore_mem>>) src(%dma_wait3A_215 : memref<10000x64xf32, #tpu.memory_space<hbm>>) dst(%arg14 : memref<128x64xf32, #tpu.memory_space<vmem>>)
      %dma_start3A_216 = arith.constant 0 : i32
      %dma_start3A_217 = tpu.memref_slice %arg9[%add3A_187, %dma_start3A_216] : memref<79x128xi32, #tpu.memory_space<vmem>> -> memref<1x128xi32, #tpu.memory_space<vmem>>
      %dma_start3A_218 = tpu.memref_squeeze %dma_start3A_217 : memref<1x128xi32, #tpu.memory_space<vmem>> -> memref<128xi32, #tpu.memory_space<vmem>>
      %dma_start3A_219 = arith.constant 0 : i32
      %dma_start3A_220 = arith.constant 0 : i32
      %dma_start3A_221 = tpu.memref_slice %arg10[%dma_start3A_219, %dma_start3A_220] : memref<10112x64xf32, #tpu.memory_space<vmem_shared>> -> memref<10112x64xf32, #tpu.memory_space<vmem_shared>>
      tpu.enqueue_indirect_dma source(%arg14 : memref<128x64xf32, #tpu.memory_space<vmem>>) target(%dma_start3A_221 : memref<10112x64xf32, #tpu.memory_space<vmem_shared>>) offsets(%dma_start3A_218 : memref<128xi32, #tpu.memory_space<vmem>>) semaphore(%arg26 : memref<!tpu.dma_semaphore, #tpu.memory_space<semaphore_mem>>) {add = true}
      %dma_start3A_222 = arith.constant 0 : i32
      %dma_start3A_223 = tpu.memref_slice %arg9[%add3A_187, %dma_start3A_222] : memref<79x128xi32, #tpu.memory_space<vmem>> -> memref<1x128xi32, #tpu.memory_space<vmem>>
      %dma_start3A_224 = tpu.memref_squeeze %dma_start3A_223 : memref<1x128xi32, #tpu.memory_space<vmem>> -> memref<128xi32, #tpu.memory_space<vmem>>
      %dma_start3A_225 = arith.constant 0 : i32
      %dma_start3A_226 = arith.constant 0 : i32
      %dma_start3A_227 = tpu.memref_slice %arg30[%dma_start3A_225, %dma_start3A_226] : memref<10112x16xf32, #tpu.memory_space<vmem_shared>> -> memref<10112x16xf32, #tpu.memory_space<vmem_shared>>
      tpu.enqueue_indirect_dma source(%arg29 : memref<128x16xf32, #tpu.memory_space<vmem>>) target(%dma_start3A_227 : memref<10112x16xf32, #tpu.memory_space<vmem_shared>>) offsets(%dma_start3A_224 : memref<128xi32, #tpu.memory_space<vmem>>) semaphore(%arg34 : memref<!tpu.dma_semaphore, #tpu.memory_space<semaphore_mem>>) {add = true}
      %add3A_228 = arith.constant 4 : i32
      %add3A_229 = arith.addi %mul3A_87, %add3A_228 : i32
      %dma_wait3A_230 = arith.constant 0 : i32
      %dma_wait3A_231 = arith.constant 0 : i32
      %dma_wait3A_232 = tpu.memref_slice %arg9[%dma_wait3A_230, %dma_wait3A_231] : memref<79x128xi32, #tpu.memory_space<vmem>> -> memref<1x128xi32, #tpu.memory_space<vmem>>
      %dma_wait3A_233 = tpu.memref_squeeze %dma_wait3A_232 : memref<1x128xi32, #tpu.memory_space<vmem>> -> memref<128xi32, #tpu.memory_space<vmem>>
      %dma_wait3A_234 = arith.constant 0 : i32
      %dma_wait3A_235 = arith.constant 0 : i32
      %dma_wait3A_236 = tpu.memref_slice %arg10[%dma_wait3A_234, %dma_wait3A_235] : memref<10112x64xf32, #tpu.memory_space<vmem_shared>> -> memref<10112x64xf32, #tpu.memory_space<vmem_shared>>
      tpu.wait_indirect_dma semaphore(%arg24 : memref<!tpu.dma_semaphore, #tpu.memory_space<semaphore_mem>>) src(%arg12 : memref<128x64xf32, #tpu.memory_space<vmem>>) dst(%dma_wait3A_236 : memref<10112x64xf32, #tpu.memory_space<vmem_shared>>)
      %dma_wait3A_237 = arith.constant 0 : i32
      %dma_wait3A_238 = arith.constant 0 : i32
      %dma_wait3A_239 = tpu.memref_slice %arg9[%dma_wait3A_237, %dma_wait3A_238] : memref<79x128xi32, #tpu.memory_space<vmem>> -> memref<1x128xi32, #tpu.memory_space<vmem>>
      %dma_wait3A_240 = tpu.memref_squeeze %dma_wait3A_239 : memref<1x128xi32, #tpu.memory_space<vmem>> -> memref<128xi32, #tpu.memory_space<vmem>>
      %dma_wait3A_241 = arith.constant 0 : i32
      %dma_wait3A_242 = arith.constant 0 : i32
      %dma_wait3A_243 = tpu.memref_slice %arg30[%dma_wait3A_241, %dma_wait3A_242] : memref<10112x16xf32, #tpu.memory_space<vmem_shared>> -> memref<10112x16xf32, #tpu.memory_space<vmem_shared>>
      tpu.wait_indirect_dma semaphore(%arg32 : memref<!tpu.dma_semaphore, #tpu.memory_space<semaphore_mem>>) src(%arg29 : memref<128x16xf32, #tpu.memory_space<vmem>>) dst(%dma_wait3A_243 : memref<10112x16xf32, #tpu.memory_space<vmem_shared>>)
      %add3A_244 = arith.constant 3 : i32
      %add3A_245 = arith.addi %add3A_229, %add3A_244 : i32
      %lt3A_246 = arith.constant 78 : i32
      %lt3A_247 = arith.cmpi slt, %add3A_245, %lt3A_246 : i32
      %convert_element_type3A_248 = arith.extui %lt3A_247 : i1 to i32
      %cond3A_249 = arith.constant 0 : i32
      %cond3A_250 = arith.cmpi ne, %convert_element_type3A_248, %cond3A_249 : i32
      scf.if %cond3A_250 {
        %add3A_312 = arith.constant 3 : i32
        %add3A_313 = arith.addi %add3A_229, %add3A_312 : i32
        %dma_start3A_314 = arith.constant 0 : i32
        %dma_start3A_315 = tpu.memref_slice %arg8[%add3A_313, %dma_start3A_314] : memref<79x128xi32, #tpu.memory_space<vmem>> -> memref<1x128xi32, #tpu.memory_space<vmem>>
        %dma_start3A_316 = tpu.memref_squeeze %dma_start3A_315 : memref<1x128xi32, #tpu.memory_space<vmem>> -> memref<128xi32, #tpu.memory_space<vmem>>
        %dma_start3A_317 = arith.constant 0 : i32
        %dma_start3A_318 = arith.constant 0 : i32
        %dma_start3A_319 = tpu.memref_slice %arg2[%dma_start3A_317, %dma_start3A_318] : memref<10000x64xf32, #tpu.memory_space<hbm>> -> memref<10000x64xf32, #tpu.memory_space<hbm>>
        tpu.enqueue_indirect_dma source(%dma_start3A_319 : memref<10000x64xf32, #tpu.memory_space<hbm>>) target(%arg12 : memref<128x64xf32, #tpu.memory_space<vmem>>) offsets(%dma_start3A_316 : memref<128xi32, #tpu.memory_space<vmem>>) semaphore(%arg18 : memref<!tpu.dma_semaphore, #tpu.memory_space<semaphore_mem>>)
      } else {
      }
      %dma_wait3A_251 = arith.constant 0 : i32
      %dma_wait3A_252 = arith.constant 0 : i32
      %dma_wait3A_253 = tpu.memref_slice %arg8[%dma_wait3A_251, %dma_wait3A_252] : memref<79x128xi32, #tpu.memory_space<vmem>> -> memref<1x128xi32, #tpu.memory_space<vmem>>
      %dma_wait3A_254 = tpu.memref_squeeze %dma_wait3A_253 : memref<1x128xi32, #tpu.memory_space<vmem>> -> memref<128xi32, #tpu.memory_space<vmem>>
      %dma_wait3A_255 = arith.constant 0 : i32
      %dma_wait3A_256 = arith.constant 0 : i32
      %dma_wait3A_257 = tpu.memref_slice %arg2[%dma_wait3A_255, %dma_wait3A_256] : memref<10000x64xf32, #tpu.memory_space<hbm>> -> memref<10000x64xf32, #tpu.memory_space<hbm>>
      tpu.wait_indirect_dma semaphore(%arg21 : memref<!tpu.dma_semaphore, #tpu.memory_space<semaphore_mem>>) src(%dma_wait3A_257 : memref<10000x64xf32, #tpu.memory_space<hbm>>) dst(%arg15 : memref<128x64xf32, #tpu.memory_space<vmem>>)
      %dma_start3A_258 = arith.constant 0 : i32
      %dma_start3A_259 = tpu.memref_slice %arg9[%add3A_229, %dma_start3A_258] : memref<79x128xi32, #tpu.memory_space<vmem>> -> memref<1x128xi32, #tpu.memory_space<vmem>>
      %dma_start3A_260 = tpu.memref_squeeze %dma_start3A_259 : memref<1x128xi32, #tpu.memory_space<vmem>> -> memref<128xi32, #tpu.memory_space<vmem>>
      %dma_start3A_261 = arith.constant 0 : i32
      %dma_start3A_262 = arith.constant 0 : i32
      %dma_start3A_263 = tpu.memref_slice %arg10[%dma_start3A_261, %dma_start3A_262] : memref<10112x64xf32, #tpu.memory_space<vmem_shared>> -> memref<10112x64xf32, #tpu.memory_space<vmem_shared>>
      tpu.enqueue_indirect_dma source(%arg15 : memref<128x64xf32, #tpu.memory_space<vmem>>) target(%dma_start3A_263 : memref<10112x64xf32, #tpu.memory_space<vmem_shared>>) offsets(%dma_start3A_260 : memref<128xi32, #tpu.memory_space<vmem>>) semaphore(%arg27 : memref<!tpu.dma_semaphore, #tpu.memory_space<semaphore_mem>>) {add = true}
      %dma_start3A_264 = arith.constant 0 : i32
      %dma_start3A_265 = tpu.memref_slice %arg9[%add3A_229, %dma_start3A_264] : memref<79x128xi32, #tpu.memory_space<vmem>> -> memref<1x128xi32, #tpu.memory_space<vmem>>
      %dma_start3A_266 = tpu.memref_squeeze %dma_start3A_265 : memref<1x128xi32, #tpu.memory_space<vmem>> -> memref<128xi32, #tpu.memory_space<vmem>>
      %dma_start3A_267 = arith.constant 0 : i32
      %dma_start3A_268 = arith.constant 0 : i32
      %dma_start3A_269 = tpu.memref_slice %arg30[%dma_start3A_267, %dma_start3A_268] : memref<10112x16xf32, #tpu.memory_space<vmem_shared>> -> memref<10112x16xf32, #tpu.memory_space<vmem_shared>>
      tpu.enqueue_indirect_dma source(%arg29 : memref<128x16xf32, #tpu.memory_space<vmem>>) target(%dma_start3A_269 : memref<10112x16xf32, #tpu.memory_space<vmem_shared>>) offsets(%dma_start3A_266 : memref<128xi32, #tpu.memory_space<vmem>>) semaphore(%arg35 : memref<!tpu.dma_semaphore, #tpu.memory_space<semaphore_mem>>) {add = true}
      %add3A_270 = arith.constant 5 : i32
      %add3A_271 = arith.addi %mul3A_87, %add3A_270 : i32
      %dma_wait3A_272 = arith.constant 0 : i32
      %dma_wait3A_273 = arith.constant 0 : i32
      %dma_wait3A_274 = tpu.memref_slice %arg9[%dma_wait3A_272, %dma_wait3A_273] : memref<79x128xi32, #tpu.memory_space<vmem>> -> memref<1x128xi32, #tpu.memory_space<vmem>>
      %dma_wait3A_275 = tpu.memref_squeeze %dma_wait3A_274 : memref<1x128xi32, #tpu.memory_space<vmem>> -> memref<128xi32, #tpu.memory_space<vmem>>
      %dma_wait3A_276 = arith.constant 0 : i32
      %dma_wait3A_277 = arith.constant 0 : i32
      %dma_wait3A_278 = tpu.memref_slice %arg10[%dma_wait3A_276, %dma_wait3A_277] : memref<10112x64xf32, #tpu.memory_space<vmem_shared>> -> memref<10112x64xf32, #tpu.memory_space<vmem_shared>>
      tpu.wait_indirect_dma semaphore(%arg25 : memref<!tpu.dma_semaphore, #tpu.memory_space<semaphore_mem>>) src(%arg13 : memref<128x64xf32, #tpu.memory_space<vmem>>) dst(%dma_wait3A_278 : memref<10112x64xf32, #tpu.memory_space<vmem_shared>>)
      %dma_wait3A_279 = arith.constant 0 : i32
      %dma_wait3A_280 = arith.constant 0 : i32
      %dma_wait3A_281 = tpu.memref_slice %arg9[%dma_wait3A_279, %dma_wait3A_280] : memref<79x128xi32, #tpu.memory_space<vmem>> -> memref<1x128xi32, #tpu.memory_space<vmem>>
      %dma_wait3A_282 = tpu.memref_squeeze %dma_wait3A_281 : memref<1x128xi32, #tpu.memory_space<vmem>> -> memref<128xi32, #tpu.memory_space<vmem>>
      %dma_wait3A_283 = arith.constant 0 : i32
      %dma_wait3A_284 = arith.constant 0 : i32
      %dma_wait3A_285 = tpu.memref_slice %arg30[%dma_wait3A_283, %dma_wait3A_284] : memref<10112x16xf32, #tpu.memory_space<vmem_shared>> -> memref<10112x16xf32, #tpu.memory_space<vmem_shared>>
      tpu.wait_indirect_dma semaphore(%arg33 : memref<!tpu.dma_semaphore, #tpu.memory_space<semaphore_mem>>) src(%arg29 : memref<128x16xf32, #tpu.memory_space<vmem>>) dst(%dma_wait3A_285 : memref<10112x16xf32, #tpu.memory_space<vmem_shared>>)
      %add3A_286 = arith.constant 3 : i32
      %add3A_287 = arith.addi %add3A_271, %add3A_286 : i32
      %lt3A_288 = arith.constant 78 : i32
      %lt3A_289 = arith.cmpi slt, %add3A_287, %lt3A_288 : i32
      %convert_element_type3A_290 = arith.extui %lt3A_289 : i1 to i32
      %cond3A_291 = arith.constant 0 : i32
      %cond3A_292 = arith.cmpi ne, %convert_element_type3A_290, %cond3A_291 : i32
      scf.if %cond3A_292 {
        %add3A_312 = arith.constant 3 : i32
        %add3A_313 = arith.addi %add3A_271, %add3A_312 : i32
        %dma_start3A_314 = arith.constant 0 : i32
        %dma_start3A_315 = tpu.memref_slice %arg8[%add3A_313, %dma_start3A_314] : memref<79x128xi32, #tpu.memory_space<vmem>> -> memref<1x128xi32, #tpu.memory_space<vmem>>
        %dma_start3A_316 = tpu.memref_squeeze %dma_start3A_315 : memref<1x128xi32, #tpu.memory_space<vmem>> -> memref<128xi32, #tpu.memory_space<vmem>>
        %dma_start3A_317 = arith.constant 0 : i32
        %dma_start3A_318 = arith.constant 0 : i32
        %dma_start3A_319 = tpu.memref_slice %arg2[%dma_start3A_317, %dma_start3A_318] : memref<10000x64xf32, #tpu.memory_space<hbm>> -> memref<10000x64xf32, #tpu.memory_space<hbm>>
        tpu.enqueue_indirect_dma source(%dma_start3A_319 : memref<10000x64xf32, #tpu.memory_space<hbm>>) target(%arg13 : memref<128x64xf32, #tpu.memory_space<vmem>>) offsets(%dma_start3A_316 : memref<128xi32, #tpu.memory_space<vmem>>) semaphore(%arg19 : memref<!tpu.dma_semaphore, #tpu.memory_space<semaphore_mem>>)
      } else {
      }
      %dma_wait3A_293 = arith.constant 0 : i32
      %dma_wait3A_294 = arith.constant 0 : i32
      %dma_wait3A_295 = tpu.memref_slice %arg8[%dma_wait3A_293, %dma_wait3A_294] : memref<79x128xi32, #tpu.memory_space<vmem>> -> memref<1x128xi32, #tpu.memory_space<vmem>>
      %dma_wait3A_296 = tpu.memref_squeeze %dma_wait3A_295 : memref<1x128xi32, #tpu.memory_space<vmem>> -> memref<128xi32, #tpu.memory_space<vmem>>
      %dma_wait3A_297 = arith.constant 0 : i32
      %dma_wait3A_298 = arith.constant 0 : i32
      %dma_wait3A_299 = tpu.memref_slice %arg2[%dma_wait3A_297, %dma_wait3A_298] : memref<10000x64xf32, #tpu.memory_space<hbm>> -> memref<10000x64xf32, #tpu.memory_space<hbm>>
      tpu.wait_indirect_dma semaphore(%arg22 : memref<!tpu.dma_semaphore, #tpu.memory_space<semaphore_mem>>) src(%dma_wait3A_299 : memref<10000x64xf32, #tpu.memory_space<hbm>>) dst(%arg16 : memref<128x64xf32, #tpu.memory_space<vmem>>)
      %dma_start3A_300 = arith.constant 0 : i32
      %dma_start3A_301 = tpu.memref_slice %arg9[%add3A_271, %dma_start3A_300] : memref<79x128xi32, #tpu.memory_space<vmem>> -> memref<1x128xi32, #tpu.memory_space<vmem>>
      %dma_start3A_302 = tpu.memref_squeeze %dma_start3A_301 : memref<1x128xi32, #tpu.memory_space<vmem>> -> memref<128xi32, #tpu.memory_space<vmem>>
      %dma_start3A_303 = arith.constant 0 : i32
      %dma_start3A_304 = arith.constant 0 : i32
      %dma_start3A_305 = tpu.memref_slice %arg10[%dma_start3A_303, %dma_start3A_304] : memref<10112x64xf32, #tpu.memory_space<vmem_shared>> -> memref<10112x64xf32, #tpu.memory_space<vmem_shared>>
      tpu.enqueue_indirect_dma source(%arg16 : memref<128x64xf32, #tpu.memory_space<vmem>>) target(%dma_start3A_305 : memref<10112x64xf32, #tpu.memory_space<vmem_shared>>) offsets(%dma_start3A_302 : memref<128xi32, #tpu.memory_space<vmem>>) semaphore(%arg28 : memref<!tpu.dma_semaphore, #tpu.memory_space<semaphore_mem>>) {add = true}
      %dma_start3A_306 = arith.constant 0 : i32
      %dma_start3A_307 = tpu.memref_slice %arg9[%add3A_271, %dma_start3A_306] : memref<79x128xi32, #tpu.memory_space<vmem>> -> memref<1x128xi32, #tpu.memory_space<vmem>>
      %dma_start3A_308 = tpu.memref_squeeze %dma_start3A_307 : memref<1x128xi32, #tpu.memory_space<vmem>> -> memref<128xi32, #tpu.memory_space<vmem>>
      %dma_start3A_309 = arith.constant 0 : i32
      %dma_start3A_310 = arith.constant 0 : i32
      %dma_start3A_311 = tpu.memref_slice %arg30[%dma_start3A_309, %dma_start3A_310] : memref<10112x16xf32, #tpu.memory_space<vmem_shared>> -> memref<10112x16xf32, #tpu.memory_space<vmem_shared>>
      tpu.enqueue_indirect_dma source(%arg29 : memref<128x16xf32, #tpu.memory_space<vmem>>) target(%dma_start3A_311 : memref<10112x16xf32, #tpu.memory_space<vmem_shared>>) offsets(%dma_start3A_308 : memref<128xi32, #tpu.memory_space<vmem>>) semaphore(%arg36 : memref<!tpu.dma_semaphore, #tpu.memory_space<semaphore_mem>>) {add = true}
    }
    %scan3A_35 = arith.constant 13 : i32
    %dma_wait3A = arith.constant 0 : i32
    %dma_wait3A_36 = arith.constant 0 : i32
    %dma_wait3A_37 = tpu.memref_slice %arg9[%dma_wait3A, %dma_wait3A_36] : memref<79x128xi32, #tpu.memory_space<vmem>> -> memref<1x128xi32, #tpu.memory_space<vmem>>
    %dma_wait3A_38 = tpu.memref_squeeze %dma_wait3A_37 : memref<1x128xi32, #tpu.memory_space<vmem>> -> memref<128xi32, #tpu.memory_space<vmem>>
    %dma_wait3A_39 = arith.constant 0 : i32
    %dma_wait3A_40 = arith.constant 0 : i32
    %dma_wait3A_41 = tpu.memref_slice %arg10[%dma_wait3A_39, %dma_wait3A_40] : memref<10112x64xf32, #tpu.memory_space<vmem_shared>> -> memref<10112x64xf32, #tpu.memory_space<vmem_shared>>
    tpu.wait_indirect_dma semaphore(%arg26 : memref<!tpu.dma_semaphore, #tpu.memory_space<semaphore_mem>>) src(%arg14 : memref<128x64xf32, #tpu.memory_space<vmem>>) dst(%dma_wait3A_41 : memref<10112x64xf32, #tpu.memory_space<vmem_shared>>)
    %dma_wait3A_42 = arith.constant 0 : i32
    %dma_wait3A_43 = arith.constant 0 : i32
    %dma_wait3A_44 = tpu.memref_slice %arg9[%dma_wait3A_42, %dma_wait3A_43] : memref<79x128xi32, #tpu.memory_space<vmem>> -> memref<1x128xi32, #tpu.memory_space<vmem>>
    %dma_wait3A_45 = tpu.memref_squeeze %dma_wait3A_44 : memref<1x128xi32, #tpu.memory_space<vmem>> -> memref<128xi32, #tpu.memory_space<vmem>>
    %dma_wait3A_46 = arith.constant 0 : i32
    %dma_wait3A_47 = arith.constant 0 : i32
    %dma_wait3A_48 = tpu.memref_slice %arg30[%dma_wait3A_46, %dma_wait3A_47] : memref<10112x16xf32, #tpu.memory_space<vmem_shared>> -> memref<10112x16xf32, #tpu.memory_space<vmem_shared>>
    tpu.wait_indirect_dma semaphore(%arg34 : memref<!tpu.dma_semaphore, #tpu.memory_space<semaphore_mem>>) src(%arg29 : memref<128x16xf32, #tpu.memory_space<vmem>>) dst(%dma_wait3A_48 : memref<10112x16xf32, #tpu.memory_space<vmem_shared>>)
    %dma_wait3A_49 = arith.constant 0 : i32
    %dma_wait3A_50 = arith.constant 0 : i32
    %dma_wait3A_51 = tpu.memref_slice %arg9[%dma_wait3A_49, %dma_wait3A_50] : memref<79x128xi32, #tpu.memory_space<vmem>> -> memref<1x128xi32, #tpu.memory_space<vmem>>
    %dma_wait3A_52 = tpu.memref_squeeze %dma_wait3A_51 : memref<1x128xi32, #tpu.memory_space<vmem>> -> memref<128xi32, #tpu.memory_space<vmem>>
    %dma_wait3A_53 = arith.constant 0 : i32
    %dma_wait3A_54 = arith.constant 0 : i32
    %dma_wait3A_55 = tpu.memref_slice %arg10[%dma_wait3A_53, %dma_wait3A_54] : memref<10112x64xf32, #tpu.memory_space<vmem_shared>> -> memref<10112x64xf32, #tpu.memory_space<vmem_shared>>
    tpu.wait_indirect_dma semaphore(%arg27 : memref<!tpu.dma_semaphore, #tpu.memory_space<semaphore_mem>>) src(%arg15 : memref<128x64xf32, #tpu.memory_space<vmem>>) dst(%dma_wait3A_55 : memref<10112x64xf32, #tpu.memory_space<vmem_shared>>)
    %dma_wait3A_56 = arith.constant 0 : i32
    %dma_wait3A_57 = arith.constant 0 : i32
    %dma_wait3A_58 = tpu.memref_slice %arg9[%dma_wait3A_56, %dma_wait3A_57] : memref<79x128xi32, #tpu.memory_space<vmem>> -> memref<1x128xi32, #tpu.memory_space<vmem>>
    %dma_wait3A_59 = tpu.memref_squeeze %dma_wait3A_58 : memref<1x128xi32, #tpu.memory_space<vmem>> -> memref<128xi32, #tpu.memory_space<vmem>>
    %dma_wait3A_60 = arith.constant 0 : i32
    %dma_wait3A_61 = arith.constant 0 : i32
    %dma_wait3A_62 = tpu.memref_slice %arg30[%dma_wait3A_60, %dma_wait3A_61] : memref<10112x16xf32, #tpu.memory_space<vmem_shared>> -> memref<10112x16xf32, #tpu.memory_space<vmem_shared>>
    tpu.wait_indirect_dma semaphore(%arg35 : memref<!tpu.dma_semaphore, #tpu.memory_space<semaphore_mem>>) src(%arg29 : memref<128x16xf32, #tpu.memory_space<vmem>>) dst(%dma_wait3A_62 : memref<10112x16xf32, #tpu.memory_space<vmem_shared>>)
    %dma_wait3A_63 = arith.constant 0 : i32
    %dma_wait3A_64 = arith.constant 0 : i32
    %dma_wait3A_65 = tpu.memref_slice %arg9[%dma_wait3A_63, %dma_wait3A_64] : memref<79x128xi32, #tpu.memory_space<vmem>> -> memref<1x128xi32, #tpu.memory_space<vmem>>
    %dma_wait3A_66 = tpu.memref_squeeze %dma_wait3A_65 : memref<1x128xi32, #tpu.memory_space<vmem>> -> memref<128xi32, #tpu.memory_space<vmem>>
    %dma_wait3A_67 = arith.constant 0 : i32
    %dma_wait3A_68 = arith.constant 0 : i32
    %dma_wait3A_69 = tpu.memref_slice %arg10[%dma_wait3A_67, %dma_wait3A_68] : memref<10112x64xf32, #tpu.memory_space<vmem_shared>> -> memref<10112x64xf32, #tpu.memory_space<vmem_shared>>
    tpu.wait_indirect_dma semaphore(%arg28 : memref<!tpu.dma_semaphore, #tpu.memory_space<semaphore_mem>>) src(%arg16 : memref<128x64xf32, #tpu.memory_space<vmem>>) dst(%dma_wait3A_69 : memref<10112x64xf32, #tpu.memory_space<vmem_shared>>)
    %dma_wait3A_70 = arith.constant 0 : i32
    %dma_wait3A_71 = arith.constant 0 : i32
    %dma_wait3A_72 = tpu.memref_slice %arg9[%dma_wait3A_70, %dma_wait3A_71] : memref<79x128xi32, #tpu.memory_space<vmem>> -> memref<1x128xi32, #tpu.memory_space<vmem>>
    %dma_wait3A_73 = tpu.memref_squeeze %dma_wait3A_72 : memref<1x128xi32, #tpu.memory_space<vmem>> -> memref<128xi32, #tpu.memory_space<vmem>>
    %dma_wait3A_74 = arith.constant 0 : i32
    %dma_wait3A_75 = arith.constant 0 : i32
    %dma_wait3A_76 = tpu.memref_slice %arg30[%dma_wait3A_74, %dma_wait3A_75] : memref<10112x16xf32, #tpu.memory_space<vmem_shared>> -> memref<10112x16xf32, #tpu.memory_space<vmem_shared>>
    tpu.wait_indirect_dma semaphore(%arg36 : memref<!tpu.dma_semaphore, #tpu.memory_space<semaphore_mem>>) src(%arg29 : memref<128x16xf32, #tpu.memory_space<vmem>>) dst(%dma_wait3A_76 : memref<10112x16xf32, #tpu.memory_space<vmem_shared>>)
    %convert_element_type3A_77 = arith.extui %lt3A_7 : i1 to i32
    %cond3A_78 = arith.constant 0 : i32
    %cond3A_79 = arith.cmpi ne, %convert_element_type3A_77, %cond3A_78 : i32
    scf.if %cond3A_79 {
      %dma_start3A_85 = arith.constant 78 : i32
      %dma_start3A_86 = arith.constant 0 : i32
      %dma_start3A_87 = tpu.memref_slice %arg8[%dma_start3A_85, %dma_start3A_86] : memref<79x128xi32, #tpu.memory_space<vmem>> -> memref<1x128xi32, #tpu.memory_space<vmem>>
      %dma_start3A_88 = tpu.memref_squeeze %dma_start3A_87 : memref<1x128xi32, #tpu.memory_space<vmem>> -> memref<128xi32, #tpu.memory_space<vmem>>
      %dma_start3A_89 = arith.constant 0 : i32
      %dma_start3A_90 = arith.constant 0 : i32
      %dma_start3A_91 = tpu.memref_slice %arg2[%dma_start3A_89, %dma_start3A_90] : memref<10000x64xf32, #tpu.memory_space<hbm>> -> memref<10000x64xf32, #tpu.memory_space<hbm>>
      tpu.enqueue_indirect_dma source(%dma_start3A_91 : memref<10000x64xf32, #tpu.memory_space<hbm>>) target(%arg11 : memref<128x64xf32, #tpu.memory_space<vmem>>) offsets(%dma_start3A_88 : memref<128xi32, #tpu.memory_space<vmem>>) semaphore(%arg17 : memref<!tpu.dma_semaphore, #tpu.memory_space<semaphore_mem>>)
      %dma_wait3A_92 = arith.constant 78 : i32
      %dma_wait3A_93 = arith.constant 0 : i32
      %dma_wait3A_94 = tpu.memref_slice %arg8[%dma_wait3A_92, %dma_wait3A_93] : memref<79x128xi32, #tpu.memory_space<vmem>> -> memref<1x128xi32, #tpu.memory_space<vmem>>
      %dma_wait3A_95 = tpu.memref_squeeze %dma_wait3A_94 : memref<1x128xi32, #tpu.memory_space<vmem>> -> memref<128xi32, #tpu.memory_space<vmem>>
      %dma_wait3A_96 = arith.constant 0 : i32
      %dma_wait3A_97 = arith.constant 0 : i32
      %dma_wait3A_98 = tpu.memref_slice %arg2[%dma_wait3A_96, %dma_wait3A_97] : memref<10000x64xf32, #tpu.memory_space<hbm>> -> memref<10000x64xf32, #tpu.memory_space<hbm>>
      tpu.wait_indirect_dma semaphore(%arg17 : memref<!tpu.dma_semaphore, #tpu.memory_space<semaphore_mem>>) src(%dma_wait3A_98 : memref<10000x64xf32, #tpu.memory_space<hbm>>) dst(%arg11 : memref<128x64xf32, #tpu.memory_space<vmem>>)
      %run_scoped3A = arith.constant 78 : i32
      "tpu.region"() ({
        %run_scoped3A_100 = tpu.sem_alloc : memref<!tpu.dma_semaphore, #tpu.memory_space<semaphore_mem>>
        %dma_start3A_101 = arith.constant 0 : i32
        %dma_start3A_102 = tpu.memref_slice %arg9[%run_scoped3A, %dma_start3A_101] : memref<79x128xi32, #tpu.memory_space<vmem>> -> memref<1x128xi32, #tpu.memory_space<vmem>>
        %dma_start3A_103 = tpu.memref_squeeze %dma_start3A_102 : memref<1x128xi32, #tpu.memory_space<vmem>> -> memref<128xi32, #tpu.memory_space<vmem>>
        %dma_start3A_104 = arith.constant 0 : i32
        %dma_start3A_105 = arith.constant 0 : i32
        %dma_start3A_106 = tpu.memref_slice %arg10[%dma_start3A_104, %dma_start3A_105] : memref<10112x64xf32, #tpu.memory_space<vmem_shared>> -> memref<10112x64xf32, #tpu.memory_space<vmem_shared>>
        tpu.enqueue_indirect_dma source(%arg11 : memref<128x64xf32, #tpu.memory_space<vmem>>) target(%dma_start3A_106 : memref<10112x64xf32, #tpu.memory_space<vmem_shared>>) offsets(%dma_start3A_103 : memref<128xi32, #tpu.memory_space<vmem>>) semaphore(%run_scoped3A_100 : memref<!tpu.dma_semaphore, #tpu.memory_space<semaphore_mem>>) {add = true}
        %dma_wait3A_107 = arith.constant 0 : i32
        %dma_wait3A_108 = tpu.memref_slice %arg9[%run_scoped3A, %dma_wait3A_107] : memref<79x128xi32, #tpu.memory_space<vmem>> -> memref<1x128xi32, #tpu.memory_space<vmem>>
        %dma_wait3A_109 = tpu.memref_squeeze %dma_wait3A_108 : memref<1x128xi32, #tpu.memory_space<vmem>> -> memref<128xi32, #tpu.memory_space<vmem>>
        %dma_wait3A_110 = arith.constant 0 : i32
        %dma_wait3A_111 = arith.constant 0 : i32
        %dma_wait3A_112 = tpu.memref_slice %arg10[%dma_wait3A_110, %dma_wait3A_111] : memref<10112x64xf32, #tpu.memory_space<vmem_shared>> -> memref<10112x64xf32, #tpu.memory_space<vmem_shared>>
        tpu.wait_indirect_dma semaphore(%run_scoped3A_100 : memref<!tpu.dma_semaphore, #tpu.memory_space<semaphore_mem>>) src(%arg11 : memref<128x64xf32, #tpu.memory_space<vmem>>) dst(%dma_wait3A_112 : memref<10112x64xf32, #tpu.memory_space<vmem_shared>>)
        tpu.yield
      }) : () -> ()
      %run_scoped3A_99 = arith.constant 78 : i32
      "tpu.region"() ({
        %run_scoped3A_100 = tpu.sem_alloc : memref<!tpu.dma_semaphore, #tpu.memory_space<semaphore_mem>>
        %dma_start3A_101 = arith.constant 0 : i32
        %dma_start3A_102 = tpu.memref_slice %arg9[%run_scoped3A_99, %dma_start3A_101] : memref<79x128xi32, #tpu.memory_space<vmem>> -> memref<1x128xi32, #tpu.memory_space<vmem>>
        %dma_start3A_103 = tpu.memref_squeeze %dma_start3A_102 : memref<1x128xi32, #tpu.memory_space<vmem>> -> memref<128xi32, #tpu.memory_space<vmem>>
        %dma_start3A_104 = arith.constant 0 : i32
        %dma_start3A_105 = arith.constant 0 : i32
        %dma_start3A_106 = tpu.memref_slice %arg30[%dma_start3A_104, %dma_start3A_105] : memref<10112x16xf32, #tpu.memory_space<vmem_shared>> -> memref<10112x16xf32, #tpu.memory_space<vmem_shared>>
        tpu.enqueue_indirect_dma source(%arg29 : memref<128x16xf32, #tpu.memory_space<vmem>>) target(%dma_start3A_106 : memref<10112x16xf32, #tpu.memory_space<vmem_shared>>) offsets(%dma_start3A_103 : memref<128xi32, #tpu.memory_space<vmem>>) semaphore(%run_scoped3A_100 : memref<!tpu.dma_semaphore, #tpu.memory_space<semaphore_mem>>) {add = true}
        %dma_wait3A_107 = arith.constant 0 : i32
        %dma_wait3A_108 = tpu.memref_slice %arg9[%run_scoped3A_99, %dma_wait3A_107] : memref<79x128xi32, #tpu.memory_space<vmem>> -> memref<1x128xi32, #tpu.memory_space<vmem>>
        %dma_wait3A_109 = tpu.memref_squeeze %dma_wait3A_108 : memref<1x128xi32, #tpu.memory_space<vmem>> -> memref<128xi32, #tpu.memory_space<vmem>>
        %dma_wait3A_110 = arith.constant 0 : i32
        %dma_wait3A_111 = arith.constant 0 : i32
        %dma_wait3A_112 = tpu.memref_slice %arg30[%dma_wait3A_110, %dma_wait3A_111] : memref<10112x16xf32, #tpu.memory_space<vmem_shared>> -> memref<10112x16xf32, #tpu.memory_space<vmem_shared>>
        tpu.wait_indirect_dma semaphore(%run_scoped3A_100 : memref<!tpu.dma_semaphore, #tpu.memory_space<semaphore_mem>>) src(%arg29 : memref<128x16xf32, #tpu.memory_space<vmem>>) dst(%dma_wait3A_112 : memref<10112x16xf32, #tpu.memory_space<vmem_shared>>)
        tpu.yield
      }) : () -> ()
    } else {
    }
    %barrier3A_80 = arith.constant 0 : index
    tpu.barrier barrier_id(%barrier3A_80)
    %mul3A_81 = arith.constant 64 : i32
    %mul3A_82 = arith.muli %arg0, %mul3A_81 : i32
    "tpu.region"() ({
      %run_scoped3A = tpu.sem_alloc : memref<!tpu.dma_semaphore, #tpu.memory_space<semaphore_mem>>
      %dma_start3A_85 = tpu.memref_slice %arg6[%mul3A_2, %mul3A_82] : memref<10112x128xf32, #tpu.memory_space<hbm>> -> memref<632x64xf32, #tpu.memory_space<hbm>>
      %dma_start3A_86 = arith.constant 0 : i32
      %dma_start3A_87 = tpu.memref_slice %arg10[%mul3A_2, %dma_start3A_86] : memref<10112x64xf32, #tpu.memory_space<vmem_shared>> -> memref<632x64xf32, #tpu.memory_space<vmem_shared>>
      tpu.enqueue_dma source(%dma_start3A_87 : memref<632x64xf32, #tpu.memory_space<vmem_shared>>) target(%dma_start3A_85 : memref<632x64xf32, #tpu.memory_space<hbm>>) target_semaphore(%run_scoped3A : memref<!tpu.dma_semaphore, #tpu.memory_space<semaphore_mem>>)
      %dma_wait3A_88 = tpu.memref_slice %arg6[%mul3A_2, %mul3A_82] : memref<10112x128xf32, #tpu.memory_space<hbm>> -> memref<632x64xf32, #tpu.memory_space<hbm>>
      %dma_wait3A_89 = arith.constant 0 : i32
      %dma_wait3A_90 = tpu.memref_slice %arg10[%mul3A_2, %dma_wait3A_89] : memref<10112x64xf32, #tpu.memory_space<vmem_shared>> -> memref<632x64xf32, #tpu.memory_space<vmem_shared>>
      tpu.wait_dma2 semaphore(%run_scoped3A : memref<!tpu.dma_semaphore, #tpu.memory_space<semaphore_mem>>) src(%dma_wait3A_90 : memref<632x64xf32, #tpu.memory_space<vmem_shared>>) dst(%dma_wait3A_88 : memref<632x64xf32, #tpu.memory_space<hbm>>)
      tpu.yield
    }) : () -> ()
    %mul3A_83 = arith.constant 16 : i32
    %mul3A_84 = arith.muli %arg0, %mul3A_83 : i32
    "tpu.region"() ({
      %run_scoped3A = tpu.sem_alloc : memref<!tpu.dma_semaphore, #tpu.memory_space<semaphore_mem>>
      %dma_start3A_85 = tpu.memref_slice %arg7[%mul3A_2, %mul3A_84] : memref<10112x128xf32, #tpu.memory_space<hbm>> -> memref<632x16xf32, #tpu.memory_space<hbm>>
      %dma_start3A_86 = arith.constant 0 : i32
      %dma_start3A_87 = tpu.memref_slice %arg30[%mul3A_2, %dma_start3A_86] : memref<10112x16xf32, #tpu.memory_space<vmem_shared>> -> memref<632x16xf32, #tpu.memory_space<vmem_shared>>
      tpu.enqueue_dma source(%dma_start3A_87 : memref<632x16xf32, #tpu.memory_space<vmem_shared>>) target(%dma_start3A_85 : memref<632x16xf32, #tpu.memory_space<hbm>>) target_semaphore(%run_scoped3A : memref<!tpu.dma_semaphore, #tpu.memory_space<semaphore_mem>>)
      %dma_wait3A_88 = tpu.memref_slice %arg7[%mul3A_2, %mul3A_84] : memref<10112x128xf32, #tpu.memory_space<hbm>> -> memref<632x16xf32, #tpu.memory_space<hbm>>
      %dma_wait3A_89 = arith.constant 0 : i32
      %dma_wait3A_90 = tpu.memref_slice %arg30[%mul3A_2, %dma_wait3A_89] : memref<10112x16xf32, #tpu.memory_space<vmem_shared>> -> memref<632x16xf32, #tpu.memory_space<vmem_shared>>
      tpu.wait_dma2 semaphore(%run_scoped3A : memref<!tpu.dma_semaphore, #tpu.memory_space<semaphore_mem>>) src(%dma_wait3A_90 : memref<632x16xf32, #tpu.memory_space<vmem_shared>>) dst(%dma_wait3A_88 : memref<632x16xf32, #tpu.memory_space<hbm>>)
      tpu.yield
    }) : () -> ()
    return
  }
}

module attributes {stable_mosaic.version = 14 : i64} {
  func.func @_tc_matmul(%arg0: i32, %arg1: memref<2000x128xf32, #tpu.memory_space<vmem>>, %arg2: memref<128x64xf32, #tpu.memory_space<vmem>>, %arg3: memref<2000x64xf32, #tpu.memory_space<vmem>>) attributes {dimension_semantics = [#tpu.dimension_semantics<arbitrary>], iteration_bounds = array<i64: 5>, scalar_prefetch = 0 : i64, scratch_operands = 0 : i64, tpu.core_type = #tpu.core_type<tc>, window_params = [{transform_indices = @transform_0, window_bounds = array<i64: 2000, 128>}, {pipeline_mode = #tpu.pipeline_mode<synchronous>, transform_indices = @transform_1, window_bounds = array<i64: 128, 64>}, {transform_indices = @transform_2, window_bounds = array<i64: 2000, 64>}]} {
    %get3A = arith.constant 0 : index
    %get3A_0 = arith.constant 0 : index
    %get3A_1 = vector.load %arg1[%get3A, %get3A_0] : memref<2000x128xf32, #tpu.memory_space<vmem>>, vector<2000x128xf32>
    %get3A_2 = arith.constant 0 : index
    %get3A_3 = arith.constant 0 : index
    %get3A_4 = vector.load %arg2[%get3A_2, %get3A_3] : memref<128x64xf32, #tpu.memory_space<vmem>>, vector<128x64xf32>
    %dot_general3A = arith.constant dense<0.000000e+00> : vector<2000x64xf32>
    %dot_general3A_5 = tpu.matmul %get3A_1, %get3A_4, %dot_general3A {dimension_numbers = #tpu.dot_dimension_numbers<[1], [0], [0], [1], [0, 0, 1, 1], [], []>, transpose_lhs_hint = false} : vector<2000x128xf32>, vector<128x64xf32>, vector<2000x64xf32> -> vector<2000x64xf32>
    %swap3A = arith.constant 0 : index
    %swap3A_6 = arith.constant 0 : index
    %swap3A_7 = vector.load %arg3[%swap3A, %swap3A_6] : memref<2000x64xf32, #tpu.memory_space<vmem>>, vector<2000x64xf32>
    tpu.vector_store %arg3[%swap3A, %swap3A_6], %dot_general3A_5 {strides = array<i32>} : memref<2000x64xf32, #tpu.memory_space<vmem>>, vector<2000x64xf32>,
    return
  }
  func.func @transform_0(%arg0: i32) -> (i32, i32) {
    %c0_i32 = arith.constant 0 : i32
    %c0_i32_0 = arith.constant 0 : i32
    return %arg0, %c0_i32 : i32, i32
  }
  func.func @transform_1(%arg0: i32) -> (i32, i32) {
    %c0_i32 = arith.constant 0 : i32
    %c0_i32_0 = arith.constant 0 : i32
    %c0_i32_1 = arith.constant 0 : i32
    return %c0_i32, %c0_i32_0 : i32, i32
  }
  func.func @transform_2(%arg0: i32) -> (i32, i32) {
    %c0_i32 = arith.constant 0 : i32
    %c0_i32_0 = arith.constant 0 : i32
    return %arg0, %c0_i32 : i32, i32
  }
}

module attributes {stable_mosaic.version = 14 : i64} {
  func.func @_tc_mid(%arg0: i32, %arg1: memref<2000x128xf32, #tpu.memory_space<vmem>>, %arg2: memref<2000x128xf32, #tpu.memory_space<vmem>>, %arg3: memref<2000x64xf32, #tpu.memory_space<vmem>>, %arg4: memref<1x64xf32, #tpu.memory_space<vmem>>, %arg5: memref<64x64xf32, #tpu.memory_space<vmem>>, %arg6: memref<2000x64xf32, #tpu.memory_space<vmem>>, %arg7: memref<2000x64xf32, #tpu.memory_space<vmem>>, %arg8: memref<2000x16xf32, #tpu.memory_space<vmem>>) attributes {dimension_semantics = [#tpu.dimension_semantics<arbitrary>], iteration_bounds = array<i64: 5>, scalar_prefetch = 0 : i64, scratch_operands = 0 : i64, tpu.core_type = #tpu.core_type<tc>, window_params = [{transform_indices = @transform_0, window_bounds = array<i64: 2000, 128>}, {transform_indices = @transform_1, window_bounds = array<i64: 2000, 128>}, {transform_indices = @transform_2, window_bounds = array<i64: 2000, 64>}, {pipeline_mode = #tpu.pipeline_mode<synchronous>, transform_indices = @transform_3, window_bounds = array<i64: 1, 64>}, {pipeline_mode = #tpu.pipeline_mode<synchronous>, transform_indices = @transform_4, window_bounds = array<i64: 64, 64>}, {transform_indices = @transform_5, window_bounds = array<i64: 2000, 64>}, {transform_indices = @transform_6, window_bounds = array<i64: 2000, 64>}, {transform_indices = @transform_7, window_bounds = array<i64: 2000, 16>}]} {
    %get3A = arith.constant 0 : index
    %get3A_0 = arith.constant 0 : index
    %get3A_1 = vector.load %arg2[%get3A, %get3A_0] : memref<2000x128xf32, #tpu.memory_space<vmem>>, vector<2000x16xf32>
    %get3A_2 = arith.constant 0 : index
    %get3A_3 = arith.constant 16 : index
    %get3A_4 = vector.load %arg2[%get3A_2, %get3A_3] : memref<2000x128xf32, #tpu.memory_space<vmem>>, vector<2000x16xf32>
    %add3A = arith.addf %get3A_1, %get3A_4 : vector<2000x16xf32>
    %max3A = arith.constant 1.000000e+00 : f32
    %max3A_5 = vector.broadcast %max3A : f32 to vector<2000x16xf32>
    %max3A_6 = arith.maximumf %add3A, %max3A_5 : vector<2000x16xf32>
    %div3A = arith.constant 1.000000e+00 : f32
    %div3A_7 = vector.broadcast %div3A : f32 to vector<2000x16xf32>
    %div3A_8 = arith.divf %div3A_7, %max3A_6 : vector<2000x16xf32>
    %swap3A = arith.constant 0 : index
    %swap3A_9 = arith.constant 0 : index
    %swap3A_10 = vector.load %arg8[%swap3A, %swap3A_9] : memref<2000x16xf32, #tpu.memory_space<vmem>>, vector<2000x16xf32>
    tpu.vector_store %arg8[%swap3A, %swap3A_9], %div3A_8 {strides = array<i32>} : memref<2000x16xf32, #tpu.memory_space<vmem>>, vector<2000x16xf32>,
    %get3A_11 = arith.constant 0 : index
    %get3A_12 = arith.constant 0 : index
    %get3A_13 = vector.load %arg1[%get3A_11, %get3A_12] : memref<2000x128xf32, #tpu.memory_space<vmem>>, vector<2000x64xf32>
    %get3A_14 = arith.constant 0 : index
    %get3A_15 = arith.constant 64 : index
    %get3A_16 = vector.load %arg1[%get3A_14, %get3A_15] : memref<2000x128xf32, #tpu.memory_space<vmem>>, vector<2000x64xf32>
    %add3A_17 = arith.addf %get3A_13, %get3A_16 : vector<2000x64xf32>
    %slice3A = vector.extract_strided_slice %div3A_8 {offsets = [0, 0], sizes = [2000, 1], strides = [1, 1]} : vector<2000x16xf32> to vector<2000x1xf32>
    %mul3A = vector.broadcast %slice3A : vector<2000x1xf32> to vector<2000x64xf32>
    %mul3A_18 = arith.mulf %add3A_17, %mul3A : vector<2000x64xf32>
    %get3A_19 = arith.constant 0 : index
    %get3A_20 = arith.constant 0 : index
    %get3A_21 = vector.load %arg4[%get3A_19, %get3A_20] : memref<1x64xf32, #tpu.memory_space<vmem>>, vector<1x64xf32>
    %add3A_22 = vector.broadcast %get3A_21 : vector<1x64xf32> to vector<2000x64xf32>
    %add3A_23 = arith.addf %mul3A_18, %add3A_22 : vector<2000x64xf32>
    %get3A_24 = arith.constant 0 : index
    %get3A_25 = arith.constant 0 : index
    %get3A_26 = vector.load %arg3[%get3A_24, %get3A_25] : memref<2000x64xf32, #tpu.memory_space<vmem>>, vector<2000x64xf32>
    %add3A_27 = arith.addf %add3A_23, %get3A_26 : vector<2000x64xf32>
    %max3A_28 = arith.constant 0.000000e+00 : f32
    %max3A_29 = vector.broadcast %max3A_28 : f32 to vector<2000x64xf32>
    %max3A_30 = arith.maximumf %add3A_27, %max3A_29 : vector<2000x64xf32>
    %swap3A_31 = arith.constant 0 : index
    %swap3A_32 = arith.constant 0 : index
    %swap3A_33 = vector.load %arg7[%swap3A_31, %swap3A_32] : memref<2000x64xf32, #tpu.memory_space<vmem>>, vector<2000x64xf32>
    tpu.vector_store %arg7[%swap3A_31, %swap3A_32], %max3A_30 {strides = array<i32>} : memref<2000x64xf32, #tpu.memory_space<vmem>>, vector<2000x64xf32>,
    %get3A_34 = arith.constant 0 : index
    %get3A_35 = arith.constant 0 : index
    %get3A_36 = vector.load %arg5[%get3A_34, %get3A_35] : memref<64x64xf32, #tpu.memory_space<vmem>>, vector<64x64xf32>
    %dot_general3A = arith.constant dense<0.000000e+00> : vector<2000x64xf32>
    %dot_general3A_37 = tpu.matmul %max3A_30, %get3A_36, %dot_general3A {dimension_numbers = #tpu.dot_dimension_numbers<[1], [0], [0], [1], [0, 0, 1, 1], [], []>, transpose_lhs_hint = false} : vector<2000x64xf32>, vector<64x64xf32>, vector<2000x64xf32> -> vector<2000x64xf32>
    %swap3A_38 = arith.constant 0 : index
    %swap3A_39 = arith.constant 0 : index
    %swap3A_40 = vector.load %arg6[%swap3A_38, %swap3A_39] : memref<2000x64xf32, #tpu.memory_space<vmem>>, vector<2000x64xf32>
    tpu.vector_store %arg6[%swap3A_38, %swap3A_39], %dot_general3A_37 {strides = array<i32>} : memref<2000x64xf32, #tpu.memory_space<vmem>>, vector<2000x64xf32>,
    return
  }
  func.func @transform_0(%arg0: i32) -> (i32, i32) {
    %c0_i32 = arith.constant 0 : i32
    %c0_i32_0 = arith.constant 0 : i32
    return %arg0, %c0_i32 : i32, i32
  }
  func.func @transform_1(%arg0: i32) -> (i32, i32) {
    %c0_i32 = arith.constant 0 : i32
    %c0_i32_0 = arith.constant 0 : i32
    return %arg0, %c0_i32 : i32, i32
  }
  func.func @transform_2(%arg0: i32) -> (i32, i32) {
    %c0_i32 = arith.constant 0 : i32
    %c0_i32_0 = arith.constant 0 : i32
    return %arg0, %c0_i32 : i32, i32
  }
  func.func @transform_3(%arg0: i32) -> (i32, i32) {
    %c0_i32 = arith.constant 0 : i32
    %c0_i32_0 = arith.constant 0 : i32
    %c0_i32_1 = arith.constant 0 : i32
    return %c0_i32, %c0_i32_0 : i32, i32
  }
  func.func @transform_4(%arg0: i32) -> (i32, i32) {
    %c0_i32 = arith.constant 0 : i32
    %c0_i32_0 = arith.constant 0 : i32
    %c0_i32_1 = arith.constant 0 : i32
    return %c0_i32, %c0_i32_0 : i32, i32
  }
  func.func @transform_5(%arg0: i32) -> (i32, i32) {
    %c0_i32 = arith.constant 0 : i32
    %c0_i32_0 = arith.constant 0 : i32
    return %arg0, %c0_i32 : i32, i32
  }
  func.func @transform_6(%arg0: i32) -> (i32, i32) {
    %c0_i32 = arith.constant 0 : i32
    %c0_i32_0 = arith.constant 0 : i32
    return %arg0, %c0_i32 : i32, i32
  }
  func.func @transform_7(%arg0: i32) -> (i32, i32) {
    %c0_i32 = arith.constant 0 : i32
    %c0_i32_0 = arith.constant 0 : i32
    return %arg0, %c0_i32 : i32, i32
  }
}

module attributes {stable_mosaic.version = 14 : i64} {
  func.func @_tc_matmul(%arg0: i32, %arg1: memref<2000x64xf32, #tpu.memory_space<vmem>>, %arg2: memref<64x64xf32, #tpu.memory_space<vmem>>, %arg3: memref<2000x64xf32, #tpu.memory_space<vmem>>) attributes {dimension_semantics = [#tpu.dimension_semantics<arbitrary>], iteration_bounds = array<i64: 5>, scalar_prefetch = 0 : i64, scratch_operands = 0 : i64, tpu.core_type = #tpu.core_type<tc>, window_params = [{transform_indices = @transform_0, window_bounds = array<i64: 2000, 64>}, {pipeline_mode = #tpu.pipeline_mode<synchronous>, transform_indices = @transform_1, window_bounds = array<i64: 64, 64>}, {transform_indices = @transform_2, window_bounds = array<i64: 2000, 64>}]} {
    %get3A = arith.constant 0 : index
    %get3A_0 = arith.constant 0 : index
    %get3A_1 = vector.load %arg1[%get3A, %get3A_0] : memref<2000x64xf32, #tpu.memory_space<vmem>>, vector<2000x64xf32>
    %get3A_2 = arith.constant 0 : index
    %get3A_3 = arith.constant 0 : index
    %get3A_4 = vector.load %arg2[%get3A_2, %get3A_3] : memref<64x64xf32, #tpu.memory_space<vmem>>, vector<64x64xf32>
    %dot_general3A = arith.constant dense<0.000000e+00> : vector<2000x64xf32>
    %dot_general3A_5 = tpu.matmul %get3A_1, %get3A_4, %dot_general3A {dimension_numbers = #tpu.dot_dimension_numbers<[1], [0], [0], [1], [0, 0, 1, 1], [], []>, transpose_lhs_hint = false} : vector<2000x64xf32>, vector<64x64xf32>, vector<2000x64xf32> -> vector<2000x64xf32>
    %swap3A = arith.constant 0 : index
    %swap3A_6 = arith.constant 0 : index
    %swap3A_7 = vector.load %arg3[%swap3A, %swap3A_6] : memref<2000x64xf32, #tpu.memory_space<vmem>>, vector<2000x64xf32>
    tpu.vector_store %arg3[%swap3A, %swap3A_6], %dot_general3A_5 {strides = array<i32>} : memref<2000x64xf32, #tpu.memory_space<vmem>>, vector<2000x64xf32>,
    return
  }
  func.func @transform_0(%arg0: i32) -> (i32, i32) {
    %c0_i32 = arith.constant 0 : i32
    %c0_i32_0 = arith.constant 0 : i32
    return %arg0, %c0_i32 : i32, i32
  }
  func.func @transform_1(%arg0: i32) -> (i32, i32) {
    %c0_i32 = arith.constant 0 : i32
    %c0_i32_0 = arith.constant 0 : i32
    %c0_i32_1 = arith.constant 0 : i32
    return %c0_i32, %c0_i32_0 : i32, i32
  }
  func.func @transform_2(%arg0: i32) -> (i32, i32) {
    %c0_i32 = arith.constant 0 : i32
    %c0_i32_0 = arith.constant 0 : i32
    return %arg0, %c0_i32 : i32, i32
  }
}

module attributes {stable_mosaic.version = 14 : i64} {
  func.func @_tc_final(%arg0: i32, %arg1: memref<2000x128xf32, #tpu.memory_space<vmem>>, %arg2: memref<2000x16xf32, #tpu.memory_space<vmem>>, %arg3: memref<2000x64xf32, #tpu.memory_space<vmem>>, %arg4: memref<1x64xf32, #tpu.memory_space<vmem>>, %arg5: memref<2000x64xf32, #tpu.memory_space<vmem>>) attributes {dimension_semantics = [#tpu.dimension_semantics<arbitrary>], iteration_bounds = array<i64: 5>, scalar_prefetch = 0 : i64, scratch_operands = 0 : i64, tpu.core_type = #tpu.core_type<tc>, window_params = [{transform_indices = @transform_0, window_bounds = array<i64: 2000, 128>}, {transform_indices = @transform_1, window_bounds = array<i64: 2000, 16>}, {transform_indices = @transform_2, window_bounds = array<i64: 2000, 64>}, {pipeline_mode = #tpu.pipeline_mode<synchronous>, transform_indices = @transform_3, window_bounds = array<i64: 1, 64>}, {transform_indices = @transform_4, window_bounds = array<i64: 2000, 64>}]} {
    %get3A = arith.constant 0 : index
    %get3A_0 = arith.constant 0 : index
    %get3A_1 = vector.load %arg1[%get3A, %get3A_0] : memref<2000x128xf32, #tpu.memory_space<vmem>>, vector<2000x64xf32>
    %get3A_2 = arith.constant 0 : index
    %get3A_3 = arith.constant 64 : index
    %get3A_4 = vector.load %arg1[%get3A_2, %get3A_3] : memref<2000x128xf32, #tpu.memory_space<vmem>>, vector<2000x64xf32>
    %add3A = arith.addf %get3A_1, %get3A_4 : vector<2000x64xf32>
    %get3A_5 = arith.constant 0 : index
    %get3A_6 = arith.constant 0 : index
    %get3A_7 = vector.load %arg2[%get3A_5, %get3A_6] : memref<2000x16xf32, #tpu.memory_space<vmem>>, vector<2000x1xf32>
    %mul3A = vector.broadcast %get3A_7 : vector<2000x1xf32> to vector<2000x64xf32>
    %mul3A_8 = arith.mulf %add3A, %mul3A : vector<2000x64xf32>
    %get3A_9 = arith.constant 0 : index
    %get3A_10 = arith.constant 0 : index
    %get3A_11 = vector.load %arg4[%get3A_9, %get3A_10] : memref<1x64xf32, #tpu.memory_space<vmem>>, vector<1x64xf32>
    %add3A_12 = vector.broadcast %get3A_11 : vector<1x64xf32> to vector<2000x64xf32>
    %add3A_13 = arith.addf %mul3A_8, %add3A_12 : vector<2000x64xf32>
    %get3A_14 = arith.constant 0 : index
    %get3A_15 = arith.constant 0 : index
    %get3A_16 = vector.load %arg3[%get3A_14, %get3A_15] : memref<2000x64xf32, #tpu.memory_space<vmem>>, vector<2000x64xf32>
    %add3A_17 = arith.addf %add3A_13, %get3A_16 : vector<2000x64xf32>
    %swap3A = arith.constant 0 : index
    %swap3A_18 = arith.constant 0 : index
    %swap3A_19 = vector.load %arg5[%swap3A, %swap3A_18] : memref<2000x64xf32, #tpu.memory_space<vmem>>, vector<2000x64xf32>
    tpu.vector_store %arg5[%swap3A, %swap3A_18], %add3A_17 {strides = array<i32>} : memref<2000x64xf32, #tpu.memory_space<vmem>>, vector<2000x64xf32>,
    return
  }
  func.func @transform_0(%arg0: i32) -> (i32, i32) {
    %c0_i32 = arith.constant 0 : i32
    %c0_i32_0 = arith.constant 0 : i32
    return %arg0, %c0_i32 : i32, i32
  }
  func.func @transform_1(%arg0: i32) -> (i32, i32) {
    %c0_i32 = arith.constant 0 : i32
    %c0_i32_0 = arith.constant 0 : i32
    return %arg0, %c0_i32 : i32, i32
  }
  func.func @transform_2(%arg0: i32) -> (i32, i32) {
    %c0_i32 = arith.constant 0 : i32
    %c0_i32_0 = arith.constant 0 : i32
    return %arg0, %c0_i32 : i32, i32
  }
  func.func @transform_3(%arg0: i32) -> (i32, i32) {
    %c0_i32 = arith.constant 0 : i32
    %c0_i32_0 = arith.constant 0 : i32
    %c0_i32_1 = arith.constant 0 : i32
    return %c0_i32, %c0_i32_0 : i32, i32
  }
  func.func @transform_4(%arg0: i32) -> (i32, i32) {
    %c0_i32 = arith.constant 0 : i32
    %c0_i32_0 = arith.constant 0 : i32
    return %arg0, %c0_i32 : i32, i32
  }
}

</mosaic_0001>

<sc_bundles>
// kernel: kernel.12.cloned.1.call-start
scs
__scs_entry_jumppad:
0x0: {  	(pc) =	sbr.rel $0x88, $3  }
0x1: {  	(tag) =	ssettag $0x0;
	lr =	simm.s32 $0x1  }
0x2: {  	[smem:$0x3F99] =	sst lr;
	_ =	strace $0xD0000000  }
0x3: {  	_ = 	snop  }
0x4: {  	_ = 	snop  }
0x5: {  	_ = 	snop  }
0x6: {  	_ = 	snop  }
0x7: {  	_ = 	snop  }
__scs_overlays_trampoline_lowered:
0x8: {  	[smem:$0x3FA8] =	sst s0  }
0x9: {  	[smem:$0x3FA9] =	sst s1  }
0xa: {  	[smem:$0x3FAA] =	sst s2  }
0xb: {  	[smem:$0x3FAB] =	sst s3  }
0xc: {  	[smem:$0x3FAC] =	sst s4  }
0xd: {  	[smem:$0x3FAD] =	sst s5  }
0xe: {  	[smem:$0x3FAE] =	sst s6  }
0xf: {  	[smem:$0x3FAF] =	sst s7  }
0x10: {  	[smem:$0x3FB0] =	sst s8  }
0x11: {  	[smem:$0x3FB1] =	sst s9;
	s0 =	simm.s32 @!p0 $0x0  }
0x12: {  	s1 =	sld [smem:$0x3F97];
	s0 =	simm.s32 @p0 $0x1  }
0x13: {  	[smem:$0x3FB2] =	sst s0;
	s0 =	simm.s32 @!p1 $0x0  }
0x14: {  	s2 =	sld [smem:$0x3F96];
	s0 =	simm.s32 @p1 $0x1  }
0x15: {  	[smem:$0x3FB3] =	sst s0;
	s0 =	simm.s32 @!p2 $0x0  }
0x16: {  	s3 =	sld [smem:$0x3FDB];
	s0 =	simm.s32 @p2 $0x1  }
0x17: {  	s4 =	simm.s32 $0x1BF5;
	[smem:$0x3FB5] =	sst s0  }
0x18: {  	s0 =	sld [smem:$0x3F98];
	_ =	swait.ge [sflag:s4], $0x0  }
0x19: {  	s7 =	sld [smem:$0x3F99]  }
0x1a: {  	s8 =	sadd.s32 $0xFFFFE003, lr  }
0x1b: {  	s9 =	sadd.s32 $0xFFFFFEF7, lr;
	s5 =	simm.s32 $0xFFFFFFFF;
	p2 =	slt.u32 s8, $0xFFFFF086  }
0x1c: {  	p1 =	slt.u32 s9, $0xF7A;
	s5 =	simm.s32 @!p2 $0x0  }
0x1d: {  	s5 =	simm.s32 @p1 $0x1;
	p0 =	seq.s32 s7, s2  }
0x1e: {  	s7 =	smul.u32 @!p0 $0xF7A, s2;
	p2 =	seq.s32 @!p0 s5, $0x0  }
0x1f: {  	s9 =	smul.u32 $0xF7A, s1;
	s8 =	simm.s32 @!p0 $0x1BF5;
	p2 =	por !p2, p0  }
0x20: {  	[sflag:s8] =	ssyncset.s32 @!p0 $0xFFFFF086;
	s6 =	sadd.s32 @!p0 s3, s7;
	s7 =	simm.s32 @!p0 $0x108  }
0x21: {  	s3 =	sadd.s32 s3, s9;
	s6 =	sadd.s32 @!p0 $0x88, s6;
	s7 =	simm.s32 @p2 $0x1082  }
0x22: {  	[simem:s7], [sflag:s8] =	dma.local @!p0 [hbm:s6], $0xF7A  }
0x23: {  	s9 =	sor.u32 $0xD0000000, s2;
	s6 =	simm.s32 $0x108;
	_ =	swait.ge @!p0 [sflag:s8], $0x0  }
0x24: {  	s3 =	sadd.s32 $0x88, s3;
	s6 =	simm.s32 @!p1 $0x1082;
	[sflag:s4] =	ssyncset.s32 $0xFFFFF086  }
0x25: {  	[simem:s6], [sflag:s4] =	dma.local [hbm:s3], $0xF7A  }
0x26: {  	[smem:$0x3F99] =	sst s1;
	(tag) =	ssettag s2;
	_ =	strace s9  }
0x27: {  	s1 =	sld [smem:$0x3FA9]  }
0x28: {  	s2 =	sld [smem:$0x3FAA]  }
0x29: {  	s4 =	sld [smem:$0x3FAC]  }
0x2a: {  	p0 =	seq.s32 s5, $0x0;
	s5 =	sld [smem:$0x3FAD]  }
0x2b: {  	s6 =	sld [smem:$0x3FAE]  }
0x2c: {  	s7 =	sld [smem:$0x3FAF]  }
0x2d: {  	s3 =	simm.s32 $0x108;
	s8 =	sld [smem:$0x3FB0]  }
0x2e: {  	s3 =	simm.s32 @!p0 $0x1082;
	s9 =	sld [smem:$0x3FB1]  }
0x2f: {  	lr =	sadd.s32 s0, s3;
	s0 =	sld [smem:$0x3FA8]  }
0x30: {  	s3 =	sld [smem:$0x3FAB]  }
0x31: {  	[smem:$0x3FB4] =	sst s10  }
0x32: {  	s10 =	sld [smem:$0x3FB2];
	_ =	sdelay $0x3  }
0x33: {  	p0 =	seq.s32 s10, $0x1;
	s10 =	sld [smem:$0x3FB4];
	_ =	sdelay $0x3  }
0x34: {  	[smem:$0x3FB4] =	sst s10  }
0x35: {  	s10 =	sld [smem:$0x3FB3];
	_ =	sdelay $0x3  }
0x36: {  	p1 =	seq.s32 s10, $0x1;
	s10 =	sld [smem:$0x3FB4];
	_ =	sdelay $0x3  }
0x37: {  	[smem:$0x3FB4] =	sst s10  }
0x38: {  	s10 =	sld [smem:$0x3FB5]  }
0x39: {  	_ = 	snop;
	(pc) =	sbr.ind lr, $3  }
0x3a: {  	_ = 	snop  }
0x3b: {  	_ = 	snop  }
0x3c: {  	p2 =	seq.s32 s10, $0x1;
	s10 =	sld [smem:$0x3FB4]  }
0x3d: {  	_ =	shalt  }
0x3e: {  	_ =	shalt  }
0x3f: {  	_ =	shalt  }
0x40: {  	_ =	shalt  }
0x41: {  	_ =	shalt  }
0x42: {  	_ =	shalt  }
0x43: {  	_ =	shalt  }
0x44: {  	_ =	shalt  }
0x45: {  	_ =	shalt  }
0x46: {  	_ =	shalt  }
0x47: {  	_ =	shalt  }
0x48: {  	_ =	shalt  }
0x49: {  	_ =	shalt  }
0x4a: {  	_ =	shalt  }
0x4b: {  	_ =	shalt  }
0x4c: {  	_ =	shalt  }
0x4d: {  	_ =	shalt  }
0x4e: {  	_ =	shalt  }
0x4f: {  	_ =	shalt  }
0x50: {  	_ =	shalt  }
0x51: {  	_ =	shalt  }
0x52: {  	_ =	shalt  }
0x53: {  	_ =	shalt  }
0x54: {  	_ =	shalt  }
0x55: {  	_ =	shalt  }
0x56: {  	_ =	shalt  }
0x57: {  	_ =	shalt  }
0x58: {  	_ =	shalt  }
0x59: {  	_ =	shalt  }
0x5a: {  	_ =	shalt  }
0x5b: {  	_ =	shalt  }
0x5c: {  	_ =	shalt  }
0x5d: {  	_ =	shalt  }
0x5e: {  	_ =	shalt  }
0x5f: {  	_ =	shalt  }
0x60: {  	_ =	shalt  }
0x61: {  	_ =	shalt  }
0x62: {  	_ =	shalt  }
0x63: {  	_ =	shalt  }
0x64: {  	_ =	shalt  }
0x65: {  	_ =	shalt  }
0x66: {  	_ =	shalt  }
0x67: {  	_ =	shalt  }
0x68: {  	_ =	shalt  }
0x69: {  	_ =	shalt  }
0x6a: {  	_ =	shalt  }
0x6b: {  	_ =	shalt  }
0x6c: {  	_ =	shalt  }
0x6d: {  	_ =	shalt  }
0x6e: {  	_ =	shalt  }
0x6f: {  	_ =	shalt  }
0x70: {  	_ =	shalt  }
0x71: {  	_ =	shalt  }
0x72: {  	_ =	shalt  }
0x73: {  	_ =	shalt  }
0x74: {  	_ =	shalt  }
0x75: {  	_ =	shalt  }
0x76: {  	_ =	shalt  }
0x77: {  	_ =	shalt  }
0x78: {  	_ =	shalt  }
0x79: {  	_ =	shalt  }
0x7a: {  	_ =	shalt  }
0x7b: {  	_ =	shalt  }
0x7c: {  	_ =	shalt  }
0x7d: {  	_ =	shalt  }
0x7e: {  	_ =	shalt  }
0x7f: {  	_ =	shalt  }
0x80: {  	_ =	shalt  }
0x81: {  	_ =	shalt  }
0x82: {  	_ =	shalt  }
0x83: {  	_ =	shalt  }
0x84: {  	_ =	shalt  }
0x85: {  	_ =	shalt  }
0x86: {  	_ =	shalt  }
0x87: {  	_ =	shalt  }
.Lfunc_end0:
.L_simem_size_0:
called_computation.1_lowered:
.L_overlay_start_0:
0x88: {  	s2 =	sld [smem:$0x3FD9]  }
0x89: {  	s3 =	sld [smem:$0x3FFE];
	_ =	sdelay $0x1  }
0x8a: {  	s1 =	srdreg.scid  }
0x8b: {  	s0 =	sand.u32 $0x1, s1  }
0x8c: {  	s17 =	sshll.u32 s0, $0xA;
	s2 =	sadd.s32 s3, s2  }
0x8d: {  	s2 =	sadd.s32 s2, s17  }
0x8e: {  	[smem:$0x3FC0] =	sst s2  }
0x8f: {  	_ = 	snop  }
0x90: {  	s2 =	sld [smem:$0x3FD0];
	(tm) =	ssettm $0x1  }
0x91: {  	s18 =	sld [smem:$0x3FFB];
	_ =	sdelay $0x3  }
0x92: {  	_ =	strace s18  }
0x93: {  	s3 =	sld [smem:$0x3FFC];
	_ =	sdelay $0x3  }
0x94: {  	_ =	strace s3  }
0x95: {  	s3 =	sld [smem:$0x3FFD];
	_ =	sdelay $0x3  }
0x96: {  	_ =	strace s3  }
0x97: {  	_ =	strace $0x8FFFFFFF  }
0x98: {  	s19 =	sld [smem:$0x3FDB];
	_ =	sdelay $0x1  }
0x99: {  	s4 =	simm.s32 $_scs_section_size  }
0x9a: {  	s5 =	simm.s32 $_size__tile_overlayer_lowered;
	s6 =	simm.s32 $_tile_overlayer_lowered  }
0x9b: {  	s22 =	simm.s32 $0x1BFF;
	s21 =	sshll.u32 s6, $0x1;
	s3 =	sadd.s32 s4, s19  }
0x9c: {  	s7 =	simm.s32 $0x0;
	s20 =	sshll.u32 s5, $0x1;
	s5 =	sadd.s32 s21, s3  }
0x9d: {  	[timem:s7], [sflag:s22] =	dma.local [hbm:s5], s20  }
0x9e: {  	_ =	swait.ge [sflag:s22], s20  }
0x9f: {  	s4 =	ssub.s32 $0x0, s20;
	[sflag:s22] =	ssyncset.done $0x0  }
0xa0: {  	[sflag:s22] =	ssyncadd.s32 s4;
	_ =	sdelay $0x1  }
0xa1: {  	s23 =	simm.s32 $0x1B8B  }
0xa2: {  	_ =	swait.ge [sflag:s23], $0x1  }
0xa3: {  	[sflag:s23] =	ssyncset.done $0x0  }
0xa4: {  	s25 =	simm.s32 $0x1B8E;
	s24 =	sld [smem:$0x3FFE];
	[sflag:s23] =	ssyncadd.s32 $0xFFFFFFFF  }
0xa5: {  	s26 =	simm.s32 $execute0_lowered;
	[smem:$0x3FD2] =	sst s25  }
0xa6: {  	s5 =	sshll.u32 s26, $0x1;
	_ =	strace $0x80000049;
	[dreg:$0x1] =	wrdreg $0xFFFFFFFF  }
0xa7: {  	s28 =	simm.s32 $_size_execute0_lowered;
	s3 =	sadd.s32 s3, s5;
	[dreg:$0x0] =	wrdreg $0x0  }
0xa8: {  	s5 =	sshll.u32 s28, $0x1;
	[dreg:$0x2] =	wrdreg s3  }
0xa9: {  	[dreg:$0x3] =	wrdreg s5  }
0xaa: {  	[dreg:$0x4] =	wrdreg $0xC0  }
0xab: {  	_ =	task [dreg:s7], $0x5FFFF  }
0xac: {  	[dreg:$0x1] =	wrdreg $0xFFFFFFFF  }
0xad: {  	[dreg:$0x0] =	wrdreg $0x60  }
0xae: {  	[dreg:$0x2] =	wrdreg s24  }
0xaf: {  	[dreg:$0x3] =	wrdreg s2  }
0xb0: {  	[dreg:$0x4] =	wrdreg $0x4F000  }
0xb1: {  	[dreg:$0x5] =	wrdreg $0x9  }
0xb2: {  	_ =	task.clear_ibuf [dreg:s7], $0x6FFFF;
	_ =	strace $0x90000049  }
0xb3: {  	s29 =	simm.s32 $0x9;
	_ =	strace $0x8000004B  }
0xb4: {  	_ =	swait.ge [sflag:s29], $0x1  }
0xb5: {  	[sflag:s29] =	ssyncadd.s32 $0xFFFFFFFF  }
0xb6: {  	_ =	strace $0x9000004B  }
0xb7: {  	_ =	sfence  }
0xb8: {  	s30 =	sld [smem:$0x0];
	_ =	sdelay $0x2  }
0xb9: {  	s31 =	sshll.u32 s1, $0xD;
	s1 =	sshrl.u32 s1, $0x2  }
0xba: {  	s3 =	sand.u32 $0x4000, s31;
	s1 =	sadd.s32 s1, s30  }
0xbb: {  	s0 =	sor.u32 s3, s0;
	s1 =	sshll.u32 s1, $0x11  }
0xbc: {  	s0 =	sor.u32 s1, s0  }
0xbd: {  	s0 =	sadd.s32 $0x8F2B, s0  }
0xbe: {  	[sflag:s0] =	ssyncadd.remote.s32 $0x1  }
0xbf: {  	_ =	sfence.sel $0xFFFF  }
0xc0: {  	[dreg:$0x0] =	wrdreg $0xFFFFFFFF;
	(pc) =	sbr.abs _section_cstart, $3  }
0xc1: {  	[dreg:$0x1] =	wrdreg $0xFFFFFFFF  }
0xc2: {  	_ =	task.clear_ibuf [dreg:s7], $0x2FFFF;
	_ =	strace $0x9FFFFFFF  }
0xc3: {  	(tm) =	ssettm $0x7FFFFFFF  }
tec
execute0_lowered:
.L_overlay_start_1:
0x0: {  	(tag) =	ssettag $0x1  }
0x1: {  	s0 =	rddreg [dreg:$0x0]  }
0x2: {  	s5 =	rddreg [dreg:$0x1]  }
0x3: {  	s1 =	srdreg.scid;
	s2 =	rddreg [dreg:$0x2]  }
0x4: {  	s3 =	stileid.u32;
	s6 =	simm.s32 $0x0;
	s14 =	simm.s32 $0xD  }
0x5: {  	s30 =	simm.s32 $0x18D00;
	s31 =	simm.s32 $0x3;
	s12 =	simm.s32 $0x8  }
0x6: {  	s29 =	simm.s32 $0xA;
	s1 =	sand.u32 $0x1, s1;
	s9 =	smul.u32 $0x13C00, s3  }
0x7: {  	[smem:$0x7FF] =	sst s6;
	s10 =	smul.u32 $0x9E00, s3;
	s21 =	sshll.u32 s3, $0x6  }
0x8: {  	s4 =	sshll.u32 s1, $0x4;
	_ =	strace $0x8000004A;
	s17 =	sshll.u32 s1, $0x6  }
0x9: {  	s1 =	ssub.s32 $0x2, s1;
	s7 =	sor.u32 s3, s4;
	s4 =	sadd.s32 $0x1400, s0  }
0xa: {  	s18 =	sshrl.u32 s1, $0x1;
	s19 =	sadd.s32 s10, s2;
	s20 =	sshrl.u32 s10, $0x3  }
0xb: {  	s16 =	smul.u32 $0x4E, s7;
	s8 =	smin.u32 s7, $0x4;
	s1 =	ssub.s32 s1, s18  }
0xc: {  	s22 =	sadd.s32 s5, s20;
	p0 =	sgt.u32 s7, $0x3;
	s18 =	simm.s32 $0x10D00  }
0xd: {  	s20 =	simm.s32 $0x12D00;
	s5 =	simm.s32 $0xB;
	s7 =	simm.s32 $0xC  }
0xe: {  	[dreg:$0x4] =	wrdreg s22;
	s28 =	smax.u32 s1, $0x1;
	s22 =	simm.s32 $0x14D00  }
0xf: {  	s1 =	simm.s32 $0x7;
	s6 =	sadd.s32 s8, s16;
	s8 =	sor.u32 s17, s9  }
0x10: {  	[dreg:$0xa] =	wrdreg s28;
	s9 =	sshrl.u32 s19, $0x3;
	s6 =	sshll.u32 s6, $0x4  }
0x11: {  	s16 =	simm.s32 $0x80;
	s17 =	simm.s32 $0xED00;
	s11 =	sadd.s32 s6, s0  }
0x12: {  	s19 =	simm.s32 $0x6;
	[dreg:$0xb] =	wrdreg s9;
	s23 =	sadd.s32 $0x14E00, s11  }
0x13: {  	s8 =	sshrl.u32 s8, $0x3;
	s24 =	sadd.s32 $0x1EA40, s11;
	[dreg:$0x5] =	wrdreg s23  }
0x14: {  	s0 =	sadd.s32 s8, s0;
	s25 =	sadd.s32 $0x152E0, s11;
	[dreg:$0x6] =	wrdreg s24  }
0x15: {  	s6 =	sor.u32 $0x1C0D, s21;
	s26 =	sadd.s32 $0x1EF20, s11;
	[dreg:$0x7] =	wrdreg s25  }
0x16: {  	s8 =	simm.s32 $0x0;
	s0 =	sadd.s32 $0x28800, s0;
	[dreg:$0x8] =	wrdreg s26  }
0x17: {  	[dreg:$0x9] =	wrdreg s0;
	s23 =	simm.s32 $0x1;
	s25 =	simm.s32 $0x16D00  }
0x18: {  	s26 =	simm.s32 $0x2;
	s0 =	simm.s32 $0x5;
	s24 =	simm.s32 $0x9  }
.LBB2_1:
0x19: {  	s3 =	rddreg [dreg:$0x4]  }
0x1a: {  	[spmem:s9], [sflag:s6] =	dma.local [hbm:s3], $0x13C0  }
0x1b: {  	_ =	swait.ge [sflag:s14], $0x13C0  }
0x1c: {  	[sflag:s14] =	ssyncset.done $0x0  }
0x1d: {  	s13 =	simm.s32 $0x0;
	s15 =	rddreg [dreg:$0x5];
	[sflag:s14] =	ssyncadd.s32 $0xFFFFEC40  }
0x1e: {  	[tilespmem:s13], [sflag:$0xD] =	stream.linear.gather [hbm4b:s15+s13], $0x2700, $0x38;
	[tilespmem:$0x1AD00] =	vst v63  }
0x1f: {  	_ =	swait.ge [sflag:s14], $0x2700  }
0x20: {  	[sflag:s14] =	ssyncset.done $0x0  }
0x21: {  	s11 =	simm.s32 $0x2780;
	s21 =	rddreg [dreg:$0x6];
	[sflag:s14] =	ssyncadd.s32 $0xFFFFD900  }
0x22: {  	[tilespmem:s11], [sflag:$0xD] =	stream.linear.gather [hbm4b:s21+s13], $0x2700, $0x38;
	[tilespmem:$0x1AD00] =	vst v63  }
0x23: {  	_ =	swait.ge [sflag:s14], $0x2700  }
0x24: {  	s28 =	smov.u32 s6;
	s10 =	simm.s32 @!p0 $0x2700;
	[sflag:s14] =	ssyncset.done $0x0  }
0x25: {  	s9 =	simm.s32 @!p0 $0x0;
	s6 =	rddreg [dreg:$0x7];
	[sflag:s14] =	ssyncadd.s32 $0xFFFFD900  }
0x26: {  	[tilespmem:s10], [sflag:$0xD] =	stream.linear.gather @!p0 [hbm4b:s6+s9], $0x80, $0x38;
	[tilespmem:$0x1AD00] =	vst v63  }
0x27: {  	s10 =	simm.s32 @!p0 $0xD  }
0x28: {  	_ =	swait.ge @!p0 [sflag:s10], $0x80  }
0x29: {  	[sflag:s10] =	ssyncset.done @!p0 $0x0  }
0x2a: {  	s15 =	simm.s32 @!p0 $0x4E80;
	s6 =	rddreg [dreg:$0x8];
	[sflag:s10] =	ssyncadd.s32 @!p0 $0xFFFFFF80  }
0x2b: {  	[tilespmem:s15], [sflag:$0xD] =	stream.linear.gather @!p0 [hbm4b:s6+s9], $0x80, $0x38;
	[tilespmem:$0x1AD00] =	vst v63  }
0x2c: {  	_ =	swait.ge @!p0 [sflag:s10], $0x80  }
0x2d: {  	[sflag:s10] =	ssyncset.done @!p0 $0x0  }
0x2e: {  	[sflag:s10] =	ssyncadd.s32 @!p0 $0xFFFFFF80  }
0x2f: {  	[bflag:$0x0] =	sbarrier.arrive $0xFFFF  }
0x30: {  	[tilespmem:s17], [sflag:$0x1] =	stream.indirect.gather [hbm4b:s4+s16], $0x40, s13, s16, $0xb8;
	[tilespmem:$0x1AD00] =	vst v63  }
0x31: {  	_ = 	snop  }
0x32: {  	[tilespmem:s18], [sflag:$0x2] =	stream.indirect.gather [hbm4b:s4+s16], $0x40, s16, s16, $0xb8;
	[tilespmem:$0x1AD00] =	vst v63  }
0x33: {  	s9 =	simm.s32 $0x100  }
0x34: {  	[tilespmem:s20], [sflag:$0x3] =	stream.indirect.gather [hbm4b:s4+s16], $0x40, s9, s16, $0xb8;
	[tilespmem:$0x1AD00] =	vst v63  }
0x35: {  	s10 =	simm.s32 $0x180  }
0x36: {  	[tilespmem:s22], [sflag:$0x4] =	stream.indirect.gather [hbm4b:s4+s16], $0x40, s10, s16, $0xb8;
	[tilespmem:$0x1AD00] =	vst v63  }
0x37: {  	_ =	swait.ge [sflag:s23], $0x2000  }
0x38: {  	[sflag:s23] =	ssyncset.done $0x0  }
0x39: {  	[sflag:s23] =	ssyncadd.s32 $0xFFFFE000  }
0x3a: {  	[spmem:s2] =	stream.indirect.scatter.add.f32 [tilespmem:s17], [sflag:$0x7], $0x40, s11, s16, $0xb8;
	[tilespmem:$0x1AD00] =	vst v63  }
0x3b: {  	s13 =	simm.s32 $0x200  }
0x3c: {  	[tilespmem:s25], [sflag:$0x5] =	stream.indirect.gather [hbm4b:s4+s16], $0x40, s13, s16, $0xb8;
	[tilespmem:$0x1AD00] =	vst v63  }
0x3d: {  	_ =	swait.ge [sflag:s26], $0x2000  }
0x3e: {  	[sflag:s26] =	ssyncset.done $0x0  }
0x3f: {  	s15 =	simm.s32 $0x2800;
	[sflag:s26] =	ssyncadd.s32 $0xFFFFE000  }
0x40: {  	[spmem:s2] =	stream.indirect.scatter.add.f32 [tilespmem:s18], [sflag:$0x8], $0x40, s15, s16, $0xb8;
	[tilespmem:$0x1AD00] =	vst v63  }
0x41: {  	s21 =	simm.s32 $0x280  }
0x42: {  	[tilespmem:s30], [sflag:$0x6] =	stream.indirect.gather [hbm4b:s4+s16], $0x40, s21, s16, $0xb8;
	[tilespmem:$0x1AD00] =	vst v63  }
0x43: {  	_ =	swait.ge [sflag:s31], $0x2000  }
0x44: {  	[sflag:s31] =	ssyncset.done $0x0  }
0x45: {  	s6 =	simm.s32 $0x2880;
	[sflag:s31] =	ssyncadd.s32 $0xFFFFE000  }
0x46: {  	[spmem:s2] =	stream.indirect.scatter.add.f32 [tilespmem:s20], [sflag:$0x9], $0x40, s6, s16, $0xb8;
	[tilespmem:$0x1AD00] =	vst v63  }
0x47: {  	_ =	swait.ge [sflag:s1], $0x2000  }
0x48: {  	[sflag:s1] =	ssyncset.done $0x0  }
0x49: {  	s9 =	simm.s32 $0x300;
	s10 =	simm.s32 $0x4;
	[sflag:s1] =	ssyncadd.s32 $0xFFFFE000  }
0x4a: {  	[tilespmem:s17], [sflag:$0x1] =	stream.indirect.gather [hbm4b:s4+s16], $0x40, s9, s16, $0xb8;
	[tilespmem:$0x1AD00] =	vst v63  }
0x4b: {  	_ =	swait.ge [sflag:s10], $0x2000  }
0x4c: {  	[sflag:s10] =	ssyncset.done $0x0  }
0x4d: {  	s11 =	simm.s32 $0x2900;
	[sflag:s10] =	ssyncadd.s32 $0xFFFFE000  }
0x4e: {  	[spmem:s2] =	stream.indirect.scatter.add.f32 [tilespmem:s22], [sflag:$0xA], $0x40, s11, s16, $0xb8;
	[tilespmem:$0x1AD00] =	vst v63  }
0x4f: {  	_ =	swait.ge [sflag:s12], $0x2000  }
0x50: {  	[sflag:s12] =	ssyncset.done $0x0  }
0x51: {  	[sflag:s12] =	ssyncadd.s32 $0xFFFFE000;
	s12 =	simm.s32 $0x380  }
0x52: {  	[tilespmem:s18], [sflag:$0x2] =	stream.indirect.gather [hbm4b:s4+s16], $0x40, s12, s16, $0xb8;
	[tilespmem:$0x1AD00] =	vst v63  }
0x53: {  	_ =	swait.ge [sflag:s0], $0x2000  }
0x54: {  	[sflag:s0] =	ssyncset.done $0x0  }
0x55: {  	s13 =	simm.s32 $0x2980;
	[sflag:s0] =	ssyncadd.s32 $0xFFFFE000  }
0x56: {  	[spmem:s2] =	stream.indirect.scatter.add.f32 [tilespmem:s25], [sflag:$0xB], $0x40, s13, s16, $0xb8;
	[tilespmem:$0x1AD00] =	vst v63  }
0x57: {  	_ =	swait.ge [sflag:s24], $0x2000  }
0x58: {  	[sflag:s24] =	ssyncset.done $0x0  }
0x59: {  	s15 =	simm.s32 $0x400;
	[sflag:s24] =	ssyncadd.s32 $0xFFFFE000  }
0x5a: {  	[tilespmem:s20], [sflag:$0x3] =	stream.indirect.gather [hbm4b:s4+s16], $0x40, s15, s16, $0xb8;
	[tilespmem:$0x1AD00] =	vst v63  }
0x5b: {  	_ =	swait.ge [sflag:s19], $0x2000  }
0x5c: {  	[sflag:s19] =	ssyncset.done $0x0  }
0x5d: {  	s21 =	simm.s32 $0x2A00;
	[sflag:s19] =	ssyncadd.s32 $0xFFFFE000  }
0x5e: {  	[spmem:s2] =	stream.indirect.scatter.add.f32 [tilespmem:s30], [sflag:$0xC], $0x40, s21, s16, $0xb8;
	[tilespmem:$0x1AD00] =	vst v63  }
0x5f: {  	_ =	swait.ge [sflag:s29], $0x2000  }
0x60: {  	[sflag:s29] =	ssyncset.done $0x0  }
0x61: {  	s6 =	simm.s32 $0x480;
	[sflag:s29] =	ssyncadd.s32 $0xFFFFE000  }
0x62: {  	[tilespmem:s22], [sflag:$0x4] =	stream.indirect.gather [hbm4b:s4+s16], $0x40, s6, s16, $0xb8;
	[tilespmem:$0x1AD00] =	vst v63  }
0x63: {  	_ =	swait.ge [sflag:s23], $0x2000  }
0x64: {  	[sflag:s23] =	ssyncset.done $0x0  }
0x65: {  	s10 =	simm.s32 $0x2A80;
	[sflag:s23] =	ssyncadd.s32 $0xFFFFE000  }
0x66: {  	[spmem:s2] =	stream.indirect.scatter.add.f32 [tilespmem:s17], [sflag:$0x7], $0x40, s10, s16, $0xb8;
	[tilespmem:$0x1AD00] =	vst v63  }
0x67: {  	_ =	swait.ge [sflag:s5], $0x2000  }
0x68: {  	[sflag:s5] =	ssyncset.done $0x0  }
0x69: {  	s11 =	simm.s32 $0x500;
	[sflag:s5] =	ssyncadd.s32 $0xFFFFE000  }
0x6a: {  	[tilespmem:s25], [sflag:$0x5] =	stream.indirect.gather [hbm4b:s4+s16], $0x40, s11, s16, $0xb8;
	[tilespmem:$0x1AD00] =	vst v63  }
0x6b: {  	_ =	swait.ge [sflag:s26], $0x2000  }
0x6c: {  	[sflag:s26] =	ssyncset.done $0x0  }
0x6d: {  	s12 =	simm.s32 $0x2B00;
	[sflag:s26] =	ssyncadd.s32 $0xFFFFE000  }
0x6e: {  	[spmem:s2] =	stream.indirect.scatter.add.f32 [tilespmem:s18], [sflag:$0x8], $0x40, s12, s16, $0xb8;
	[tilespmem:$0x1AD00] =	vst v63  }
0x6f: {  	_ =	swait.ge [sflag:s7], $0x2000  }
0x70: {  	[sflag:s7] =	ssyncset.done $0x0  }
0x71: {  	s13 =	simm.s32 $0x580;
	[sflag:s7] =	ssyncadd.s32 $0xFFFFE000  }
0x72: {  	[tilespmem:s30], [sflag:$0x6] =	stream.indirect.gather [hbm4b:s4+s16], $0x40, s13, s16, $0xb8;
	[tilespmem:$0x1AD00] =	vst v63  }
0x73: {  	_ =	swait.ge [sflag:s31], $0x2000  }
0x74: {  	[sflag:s31] =	ssyncset.done $0x0  }
0x75: {  	s15 =	simm.s32 $0x2B80;
	[sflag:s31] =	ssyncadd.s32 $0xFFFFE000  }
0x76: {  	[spmem:s2] =	stream.indirect.scatter.add.f32 [tilespmem:s20], [sflag:$0x9], $0x40, s15, s16, $0xb8;
	[tilespmem:$0x1AD00] =	vst v63  }
0x77: {  	_ =	swait.ge [sflag:s1], $0x2000  }
0x78: {  	p1 =	por $0x0, $0x0;
	[sflag:s1] =	ssyncset.done $0x0  }
0x79: {  	s9 =	simm.s32 @p1 $0x4;
	[sflag:s1] =	ssyncadd.s32 $0xFFFFE000  }
0x7a: {  	_ =	swait.ge @p1 [sflag:s9], $0x2000  }
0x7b: {  	s10 =	simm.s32 @p1 $0x2C00;
	[sflag:s9] =	ssyncset.done @p1 $0x0  }
0x7c: {  	s15 =	simm.s32 @p1 $0x14D00;
	[sflag:s9] =	ssyncadd.s32 @p1 $0xFFFFE000;
	s9 =	simm.s32 @p1 $0x80  }
0x7d: {  	[spmem:s2] =	stream.indirect.scatter.add.f32 @p1 [tilespmem:s15], [sflag:$0xA], $0x40, s10, s9, $0xb8;
	[tilespmem:$0x1AD00] =	vst v63  }
0x7e: {  	s9 =	simm.s32 @p1 $0x8  }
0x7f: {  	_ =	swait.ge @p1 [sflag:s9], $0x2000  }
0x80: {  	s10 =	simm.s32 @!p1 $0x600;
	[sflag:s9] =	ssyncset.done @p1 $0x0  }
0x81: {  	s15 =	simm.s32 @!p1 $0xED00;
	[sflag:s9] =	ssyncadd.s32 @p1 $0xFFFFE000;
	s9 =	simm.s32 @!p1 $0x80  }
0x82: {  	[tilespmem:s15], [sflag:$0x1] =	stream.indirect.gather @!p1 [hbm4b:s4+s9], $0x40, s10, s9, $0xb8;
	[tilespmem:$0x1AD00] =	vst v63  }
0x83: {  	s10 =	simm.s32 @!p1 $0x4  }
0x84: {  	_ =	swait.ge @!p1 [sflag:s10], $0x2000  }
0x85: {  	[sflag:s10] =	ssyncset.done @!p1 $0x0  }
0x86: {  	s15 =	simm.s32 @!p1 $0x2C00;
	[sflag:s10] =	ssyncadd.s32 @!p1 $0xFFFFE000;
	s10 =	simm.s32 @!p1 $0x14D00  }
0x87: {  	[spmem:s2] =	stream.indirect.scatter.add.f32 @!p1 [tilespmem:s10], [sflag:$0xA], $0x40, s15, s9, $0xb8;
	[tilespmem:$0x1AD00] =	vst v63  }
0x88: {  	s10 =	simm.s32 @!p1 $0x8  }
0x89: {  	_ =	swait.ge @!p1 [sflag:s10], $0x2000  }
0x8a: {  	[sflag:s10] =	ssyncset.done @!p1 $0x0  }
0x8b: {  	s15 =	simm.s32 @!p1 $0x680;
	[sflag:s10] =	ssyncadd.s32 @!p1 $0xFFFFE000;
	s10 =	simm.s32 @!p1 $0x10D00  }
0x8c: {  	[tilespmem:s10], [sflag:$0x2] =	stream.indirect.gather @!p1 [hbm4b:s4+s9], $0x40, s15, s9, $0xb8;
	[tilespmem:$0x1AD00] =	vst v63  }
0x8d: {  	_ =	swait.ge [sflag:s0], $0x2000  }
0x8e: {  	[sflag:s0] =	ssyncset.done $0x0  }
0x8f: {  	s21 =	simm.s32 $0x2C80;
	[sflag:s0] =	ssyncadd.s32 $0xFFFFE000  }
0x90: {  	[spmem:s2] =	stream.indirect.scatter.add.f32 [tilespmem:s25], [sflag:$0xB], $0x40, s21, s16, $0xb8;
	[tilespmem:$0x1AD00] =	vst v63  }
0x91: {  	_ =	swait.ge [sflag:s24], $0x2000  }
0x92: {  	[sflag:s24] =	ssyncset.done $0x0  }
0x93: {  	s10 =	simm.s32 @!p1 $0x700;
	s15 =	simm.s32 @!p1 $0x12D00;
	[sflag:s24] =	ssyncadd.s32 $0xFFFFE000  }
0x94: {  	[tilespmem:s15], [sflag:$0x3] =	stream.indirect.gather @!p1 [hbm4b:s4+s9], $0x40, s10, s9, $0xb8;
	[tilespmem:$0x1AD00] =	vst v63  }
0x95: {  	_ =	swait.ge [sflag:s19], $0x2000  }
0x96: {  	[sflag:s19] =	ssyncset.done $0x0  }
0x97: {  	s9 =	simm.s32 $0xC00;
	s10 =	simm.s32 $0x2D00;
	[sflag:s19] =	ssyncadd.s32 $0xFFFFE000  }
.LBB2_2:
0x98: {  	[spmem:s2] =	stream.indirect.scatter.add.f32 [tilespmem:s30], [sflag:$0xC], $0x40, s10, s16, $0xb8;
	[tilespmem:$0x1AD00] =	vst v63  }
0x99: {  	s15 =	smov.u32 s9;
	s9 =	sadd.s32 $0xC00, s9;
	_ =	swait.ge [sflag:s29], $0x2000  }
0x9a: {  	s10 =	sshra.s32 s15, $0x2;
	p1 =	sne.s32 s9, $0x9000;
	[sflag:s29] =	ssyncset.done $0x0  }
0x9b: {  	s11 =	sadd.s32 $0x480, s10;
	[sflag:s29] =	ssyncadd.s32 $0xFFFFE000  }
0x9c: {  	[tilespmem:s22], [sflag:$0x4] =	stream.indirect.gather [hbm4b:s4+s16], $0x40, s11, s16, $0xb8;
	[tilespmem:$0x1AD00] =	vst v63  }
0x9d: {  	_ =	swait.ge [sflag:s23], $0x2000  }
0x9e: {  	[sflag:s23] =	ssyncset.done $0x0  }
0x9f: {  	s11 =	sadd.s32 $0x2A80, s10;
	[sflag:s23] =	ssyncadd.s32 $0xFFFFE000  }
0xa0: {  	[spmem:s2] =	stream.indirect.scatter.add.f32 [tilespmem:s17], [sflag:$0x7], $0x40, s11, s16, $0xb8;
	[tilespmem:$0x1AD00] =	vst v63  }
0xa1: {  	_ =	swait.ge [sflag:s5], $0x2000  }
0xa2: {  	[sflag:s5] =	ssyncset.done $0x0  }
0xa3: {  	s11 =	sadd.s32 $0x500, s10;
	[sflag:s5] =	ssyncadd.s32 $0xFFFFE000  }
0xa4: {  	[tilespmem:s25], [sflag:$0x5] =	stream.indirect.gather [hbm4b:s4+s16], $0x40, s11, s16, $0xb8;
	[tilespmem:$0x1AD00] =	vst v63  }
0xa5: {  	_ =	swait.ge [sflag:s26], $0x2000  }
0xa6: {  	[sflag:s26] =	ssyncset.done $0x0  }
0xa7: {  	s11 =	sadd.s32 $0x2B00, s10;
	[sflag:s26] =	ssyncadd.s32 $0xFFFFE000  }
0xa8: {  	[spmem:s2] =	stream.indirect.scatter.add.f32 [tilespmem:s18], [sflag:$0x8], $0x40, s11, s16, $0xb8;
	[tilespmem:$0x1AD00] =	vst v63  }
0xa9: {  	_ =	swait.ge [sflag:s7], $0x2000  }
0xaa: {  	[sflag:s7] =	ssyncset.done $0x0  }
0xab: {  	s11 =	sadd.s32 $0x580, s10;
	[sflag:s7] =	ssyncadd.s32 $0xFFFFE000  }
0xac: {  	[tilespmem:s30], [sflag:$0x6] =	stream.indirect.gather [hbm4b:s4+s16], $0x40, s11, s16, $0xb8;
	[tilespmem:$0x1AD00] =	vst v63  }
0xad: {  	_ =	swait.ge [sflag:s31], $0x2000  }
0xae: {  	[sflag:s31] =	ssyncset.done $0x0  }
0xaf: {  	s11 =	sadd.s32 $0x2B80, s10;
	[sflag:s31] =	ssyncadd.s32 $0xFFFFE000  }
0xb0: {  	[spmem:s2] =	stream.indirect.scatter.add.f32 [tilespmem:s20], [sflag:$0x9], $0x40, s11, s16, $0xb8;
	[tilespmem:$0x1AD00] =	vst v63  }
0xb1: {  	_ =	swait.ge [sflag:s1], $0x2000  }
0xb2: {  	p2 =	seq.s32 s15, $0x8400;
	[sflag:s1] =	ssyncset.done $0x0  }
0xb3: {  	s12 =	sshra.s32 @p2 s15, $0x2;
	s11 =	simm.s32 @p2 $0x4;
	[sflag:s1] =	ssyncadd.s32 $0xFFFFE000  }
0xb4: {  	s15 =	sshra.s32 @!p2 s15, $0x2;
	s12 =	sadd.s32 @p2 $0x2C00, s12;
	_ =	swait.ge @p2 [sflag:s11], $0x2000  }
0xb5: {  	s3 =	simm.s32 @p2 $0x8;
	s21 =	sadd.s32 @!p2 $0x600, s15;
	[sflag:s11] =	ssyncset.done @p2 $0x0  }
0xb6: {  	s6 =	simm.s32 @p2 $0x14D00;
	[sflag:s11] =	ssyncadd.s32 @p2 $0xFFFFE000;
	s11 =	simm.s32 @p2 $0x80  }
0xb7: {  	[spmem:s2] =	stream.indirect.scatter.add.f32 @p2 [tilespmem:s6], [sflag:$0xA], $0x40, s12, s11, $0xb8;
	[tilespmem:$0x1AD00] =	vst v63  }
0xb8: {  	s6 =	sadd.s32 @!p2 $0x2C00, s15;
	s11 =	sadd.s32 @!p2 $0x680, s15;
	_ =	swait.ge @p2 [sflag:s3], $0x2000  }
0xb9: {  	s12 =	simm.s32 @!p2 $0x4;
	s15 =	sadd.s32 @!p2 $0x700, s15;
	[sflag:s3] =	ssyncset.done @p2 $0x0  }
0xba: {  	s13 =	simm.s32 @!p2 $0xED00;
	[sflag:s3] =	ssyncadd.s32 @p2 $0xFFFFE000;
	s3 =	simm.s32 @!p2 $0x80  }
0xbb: {  	[tilespmem:s13], [sflag:$0x1] =	stream.indirect.gather @!p2 [hbm4b:s4+s3], $0x40, s21, s3, $0xb8;
	[tilespmem:$0x1AD00] =	vst v63  }
0xbc: {  	_ =	swait.ge @!p2 [sflag:s12], $0x2000  }
0xbd: {  	[sflag:s12] =	ssyncset.done @!p2 $0x0  }
0xbe: {  	s13 =	simm.s32 @!p2 $0x8;
	[sflag:s12] =	ssyncadd.s32 @!p2 $0xFFFFE000;
	s12 =	simm.s32 @!p2 $0x14D00  }
0xbf: {  	[spmem:s2] =	stream.indirect.scatter.add.f32 @!p2 [tilespmem:s12], [sflag:$0xA], $0x40, s6, s3, $0xb8;
	[tilespmem:$0x1AD00] =	vst v63  }
0xc0: {  	_ =	swait.ge @!p2 [sflag:s13], $0x2000  }
0xc1: {  	[sflag:s13] =	ssyncset.done @!p2 $0x0  }
0xc2: {  	s6 =	simm.s32 @!p2 $0x10D00;
	[sflag:s13] =	ssyncadd.s32 @!p2 $0xFFFFE000  }
0xc3: {  	[tilespmem:s6], [sflag:$0x2] =	stream.indirect.gather @!p2 [hbm4b:s4+s3], $0x40, s11, s3, $0xb8;
	[tilespmem:$0x1AD00] =	vst v63  }
0xc4: {  	_ =	swait.ge [sflag:s0], $0x2000  }
0xc5: {  	[sflag:s0] =	ssyncset.done $0x0  }
0xc6: {  	s6 =	sadd.s32 $0x2C80, s10;
	[sflag:s0] =	ssyncadd.s32 $0xFFFFE000  }
0xc7: {  	[spmem:s2] =	stream.indirect.scatter.add.f32 [tilespmem:s25], [sflag:$0xB], $0x40, s6, s16, $0xb8;
	[tilespmem:$0x1AD00] =	vst v63  }
0xc8: {  	_ =	swait.ge [sflag:s24], $0x2000  }
0xc9: {  	[sflag:s24] =	ssyncset.done $0x0  }
.Ltmp0:
0xca: {  	s6 =	simm.s32 @!p2 $0x12D00;
	[sflag:s24] =	ssyncadd.s32 $0xFFFFE000;
	(pc) =	sbr.rel @p1 .LBB2_2-.Ltmp0, $4  }
0xcb: {  	[tilespmem:s6], [sflag:$0x3] =	stream.indirect.gather @!p2 [hbm4b:s4+s3], $0x40, s15, s3, $0xb8;
	[tilespmem:$0x1AD00] =	vst v63  }
0xcc: {  	_ =	swait.ge [sflag:s19], $0x2000  }
0xcd: {  	[sflag:s19] =	ssyncset.done $0x0  }
0xce: {  	s10 =	sadd.s32 $0x2D00, s10;
	[sflag:s19] =	ssyncadd.s32 $0xFFFFE000  }
0xcf: {  	[spmem:s2] =	stream.indirect.scatter.add.f32 [tilespmem:s30], [sflag:$0xC], $0x40, s10, s16, $0xb8;
	[tilespmem:$0x1AD00] =	vst v63  }
0xd0: {  	_ =	swait.ge [sflag:s29], $0x2000  }
0xd1: {  	[sflag:s29] =	ssyncset.done $0x0  }
0xd2: {  	[sflag:s29] =	ssyncadd.s32 $0xFFFFE000  }
0xd3: {  	_ =	swait.ge [sflag:s5], $0x2000  }
0xd4: {  	[sflag:s5] =	ssyncset.done $0x0  }
0xd5: {  	[sflag:s5] =	ssyncadd.s32 $0xFFFFE000  }
0xd6: {  	_ =	swait.ge [sflag:s7], $0x2000  }
0xd7: {  	s3 =	simm.s32 @!p0 $0x80;
	[sflag:s7] =	ssyncset.done $0x0  }
0xd8: {  	s6 =	simm.s32 @!p0 $0x2700;
	s9 =	simm.s32 @!p0 $0xED00;
	[sflag:s7] =	ssyncadd.s32 $0xFFFFE000  }
0xd9: {  	[tilespmem:s9], [sflag:$0x1] =	stream.indirect.gather @!p0 [hbm4b:s4+s3], $0x40, s6, s3, $0xb8;
	[tilespmem:$0x1AD00] =	vst v63  }
0xda: {  	s6 =	simm.s32 @!p0 $0x1  }
0xdb: {  	_ =	swait.ge @!p0 [sflag:s6], $0x2000  }
0xdc: {  	[sflag:s6] =	ssyncset.done @!p0 $0x0  }
0xdd: {  	[sflag:s6] =	ssyncadd.s32 @!p0 $0xFFFFE000;
	s6 =	simm.s32 @!p0 $0x4E80  }
0xde: {  	[spmem:s2] =	stream.indirect.scatter.add.f32 @!p0 [tilespmem:s9], [sflag:$0xD], $0x40, s6, s3, $0xb8;
	[tilespmem:$0x1AD00] =	vst v63  }
0xdf: {  	s3 =	simm.s32 @!p0 $0xD  }
0xe0: {  	_ =	swait.ge @!p0 [sflag:s3], $0x2000  }
0xe1: {  	[sflag:s3] =	ssyncset.done @!p0 $0x0  }
0xe2: {  	[sflag:s3] =	ssyncadd.s32 @!p0 $0xFFFFE000  }
0xe3: {  	[bflag:$0x0] =	sbarrier.arrive $0xFFFF  }
0xe4: {  	s15 =	rddreg [dreg:$0x9]  }
0xe5: {  	s12 =	simm.s32 $0x8;
	s21 =	simm.s32 $0x10;
	s9 =	rddreg [dreg:$0xb]  }
0xe6: {  	[hbm:s15@s21], [sflag:s28] =	dma.strided [spmem:s9@s12], $0x13C0, s23, $0x8   }
0xe7: {  	_ =	swait.ge [sflag:s14], $0x13C0  }
0xe8: {  	s8 =	sadd.s32 $0x1, s8;
	s6 =	smov.u32 s28;
	s28 =	rddreg [dreg:$0xa]  }
0xe9: {  	p1 =	sne.s32 s8, s28  }
.Ltmp1:
0xea: {  	_ = 	snop;
	(pc) =	sbr.rel @p1 .LBB2_1-.Ltmp1, $3  }
0xeb: {  	_ =	sdelay $0x1  }
0xec: {  	[sflag:s14] =	ssyncset.done $0x0  }
0xed: {  	[sflag:s14] =	ssyncadd.s32 $0xFFFFEC40  }
0xee: {  	_ =	sfence.sel $0x180000  }
0xef: {  	[bflag:$0x0] =	sbarrier.arrive $0xFFFF  }
0xf0: {  	_ =	strace $0x9000004A  }
0xf1: {  	s0 =	stileid.u32;
	[bflag:$0x2] =	sbarrier.arrive $0xFFFF  }
0xf2: {  	p0 =	sne.s32 s0, $0x0;
	s0 =	rddreg [dreg:$0x3]  }
0xf3: {  	s0 =	sadd.s32 @!p0 $0x100000, s0  }
0xf4: {  	[sflag:s0] =	ssyncadd.tile.s32 @!p0 $0x1;
	_ =	shalt  }
.Lfunc_end2:
_tile_overlayer_lowered:
.L_overlay_start_2:
0xf5: {  	(tag) =	ssettag $0x2  }
0xf6: {  	s0 =	rddreg [dreg:$0x0];
	s2 =	stileid.u32  }
0xf7: {  	s1 =	rddreg [dreg:$0x1];
	p0 =	sne.s32 s2, $0x0  }
0xf8: {  	s3 =	rddreg [dreg:$0x2];
	[bflag:$0x3] =	sbarrier.arrive $0xFFFF;
	s2 =	simm.s32 @!p0 $0x1C0D  }
0xf9: {  	[timem:s3], [sflag:s2] =	dma.local @!p0 [hbm:s0], s1  }
0xfa: {  	s0 =	simm.s32 @!p0 $0xD  }
0xfb: {  	_ =	swait.ge @!p0 [sflag:s0], s1  }
0xfc: {  	s1 =	ssub.s32 @!p0 $0x0, s1;
	[sflag:s0] =	ssyncset.done @!p0 $0x0  }
0xfd: {  	[sflag:s0] =	ssyncadd.s32 @!p0 s1  }
0xfe: {  	[bflag:$0x3] =	sbarrier.arrive $0xFFFF  }
0xff: {  	_ =	shalt  }

// kernel: kernel.9.cloned.1.call-start
scs
__scs_entry_jumppad:
0x0: {  	(pc) =	sbr.rel $0x88, $3  }
0x1: {  	(tag) =	ssettag $0x0;
	lr =	simm.s32 $0x1  }
0x2: {  	[smem:$0x3F99] =	sst lr;
	_ =	strace $0xD0000000  }
0x3: {  	_ = 	snop  }
0x4: {  	_ = 	snop  }
0x5: {  	_ = 	snop  }
0x6: {  	_ = 	snop  }
0x7: {  	_ = 	snop  }
__scs_overlays_trampoline_lowered:
0x8: {  	[smem:$0x3FA8] =	sst s0  }
0x9: {  	[smem:$0x3FA9] =	sst s1  }
0xa: {  	[smem:$0x3FAA] =	sst s2  }
0xb: {  	[smem:$0x3FAB] =	sst s3  }
0xc: {  	[smem:$0x3FAC] =	sst s4  }
0xd: {  	[smem:$0x3FAD] =	sst s5  }
0xe: {  	[smem:$0x3FAE] =	sst s6  }
0xf: {  	[smem:$0x3FAF] =	sst s7  }
0x10: {  	[smem:$0x3FB0] =	sst s8  }
0x11: {  	[smem:$0x3FB1] =	sst s9;
	s0 =	simm.s32 @!p0 $0x0  }
0x12: {  	s1 =	sld [smem:$0x3F97];
	s0 =	simm.s32 @p0 $0x1  }
0x13: {  	[smem:$0x3FB2] =	sst s0;
	s0 =	simm.s32 @!p1 $0x0  }
0x14: {  	s2 =	sld [smem:$0x3F96];
	s0 =	simm.s32 @p1 $0x1  }
0x15: {  	[smem:$0x3FB3] =	sst s0;
	s0 =	simm.s32 @!p2 $0x0  }
0x16: {  	s3 =	sld [smem:$0x3FDB];
	s0 =	simm.s32 @p2 $0x1  }
0x17: {  	s4 =	simm.s32 $0x1BF5;
	[smem:$0x3FB5] =	sst s0  }
0x18: {  	s0 =	sld [smem:$0x3F98];
	_ =	swait.ge [sflag:s4], $0x0  }
0x19: {  	s7 =	sld [smem:$0x3F99]  }
0x1a: {  	s8 =	sadd.s32 $0xFFFFE003, lr  }
0x1b: {  	s9 =	sadd.s32 $0xFFFFFEF7, lr;
	s5 =	simm.s32 $0xFFFFFFFF;
	p2 =	slt.u32 s8, $0xFFFFF086  }
0x1c: {  	p1 =	slt.u32 s9, $0xF7A;
	s5 =	simm.s32 @!p2 $0x0  }
0x1d: {  	s5 =	simm.s32 @p1 $0x1;
	p0 =	seq.s32 s7, s2  }
0x1e: {  	s7 =	smul.u32 @!p0 $0xF7A, s2;
	p2 =	seq.s32 @!p0 s5, $0x0  }
0x1f: {  	s9 =	smul.u32 $0xF7A, s1;
	s8 =	simm.s32 @!p0 $0x1BF5;
	p2 =	por !p2, p0  }
0x20: {  	[sflag:s8] =	ssyncset.s32 @!p0 $0xFFFFF086;
	s6 =	sadd.s32 @!p0 s3, s7;
	s7 =	simm.s32 @!p0 $0x108  }
0x21: {  	s3 =	sadd.s32 s3, s9;
	s6 =	sadd.s32 @!p0 $0x88, s6;
	s7 =	simm.s32 @p2 $0x1082  }
0x22: {  	[simem:s7], [sflag:s8] =	dma.local @!p0 [hbm:s6], $0xF7A  }
0x23: {  	s9 =	sor.u32 $0xD0000000, s2;
	s6 =	simm.s32 $0x108;
	_ =	swait.ge @!p0 [sflag:s8], $0x0  }
0x24: {  	s3 =	sadd.s32 $0x88, s3;
	s6 =	simm.s32 @!p1 $0x1082;
	[sflag:s4] =	ssyncset.s32 $0xFFFFF086  }
0x25: {  	[simem:s6], [sflag:s4] =	dma.local [hbm:s3], $0xF7A  }
0x26: {  	[smem:$0x3F99] =	sst s1;
	(tag) =	ssettag s2;
	_ =	strace s9  }
0x27: {  	s1 =	sld [smem:$0x3FA9]  }
0x28: {  	s2 =	sld [smem:$0x3FAA]  }
0x29: {  	s4 =	sld [smem:$0x3FAC]  }
0x2a: {  	p0 =	seq.s32 s5, $0x0;
	s5 =	sld [smem:$0x3FAD]  }
0x2b: {  	s6 =	sld [smem:$0x3FAE]  }
0x2c: {  	s7 =	sld [smem:$0x3FAF]  }
0x2d: {  	s3 =	simm.s32 $0x108;
	s8 =	sld [smem:$0x3FB0]  }
0x2e: {  	s3 =	simm.s32 @!p0 $0x1082;
	s9 =	sld [smem:$0x3FB1]  }
0x2f: {  	lr =	sadd.s32 s0, s3;
	s0 =	sld [smem:$0x3FA8]  }
0x30: {  	s3 =	sld [smem:$0x3FAB]  }
0x31: {  	[smem:$0x3FB4] =	sst s10  }
0x32: {  	s10 =	sld [smem:$0x3FB2];
	_ =	sdelay $0x3  }
0x33: {  	p0 =	seq.s32 s10, $0x1;
	s10 =	sld [smem:$0x3FB4];
	_ =	sdelay $0x3  }
0x34: {  	[smem:$0x3FB4] =	sst s10  }
0x35: {  	s10 =	sld [smem:$0x3FB3];
	_ =	sdelay $0x3  }
0x36: {  	p1 =	seq.s32 s10, $0x1;
	s10 =	sld [smem:$0x3FB4];
	_ =	sdelay $0x3  }
0x37: {  	[smem:$0x3FB4] =	sst s10  }
0x38: {  	s10 =	sld [smem:$0x3FB5]  }
0x39: {  	_ = 	snop;
	(pc) =	sbr.ind lr, $3  }
0x3a: {  	_ = 	snop  }
0x3b: {  	_ = 	snop  }
0x3c: {  	p2 =	seq.s32 s10, $0x1;
	s10 =	sld [smem:$0x3FB4]  }
0x3d: {  	_ =	shalt  }
0x3e: {  	_ =	shalt  }
0x3f: {  	_ =	shalt  }
0x40: {  	_ =	shalt  }
0x41: {  	_ =	shalt  }
0x42: {  	_ =	shalt  }
0x43: {  	_ =	shalt  }
0x44: {  	_ =	shalt  }
0x45: {  	_ =	shalt  }
0x46: {  	_ =	shalt  }
0x47: {  	_ =	shalt  }
0x48: {  	_ =	shalt  }
0x49: {  	_ =	shalt  }
0x4a: {  	_ =	shalt  }
0x4b: {  	_ =	shalt  }
0x4c: {  	_ =	shalt  }
0x4d: {  	_ =	shalt  }
0x4e: {  	_ =	shalt  }
0x4f: {  	_ =	shalt  }
0x50: {  	_ =	shalt  }
0x51: {  	_ =	shalt  }
0x52: {  	_ =	shalt  }
0x53: {  	_ =	shalt  }
0x54: {  	_ =	shalt  }
0x55: {  	_ =	shalt  }
0x56: {  	_ =	shalt  }
0x57: {  	_ =	shalt  }
0x58: {  	_ =	shalt  }
0x59: {  	_ =	shalt  }
0x5a: {  	_ =	shalt  }
0x5b: {  	_ =	shalt  }
0x5c: {  	_ =	shalt  }
0x5d: {  	_ =	shalt  }
0x5e: {  	_ =	shalt  }
0x5f: {  	_ =	shalt  }
0x60: {  	_ =	shalt  }
0x61: {  	_ =	shalt  }
0x62: {  	_ =	shalt  }
0x63: {  	_ =	shalt  }
0x64: {  	_ =	shalt  }
0x65: {  	_ =	shalt  }
0x66: {  	_ =	shalt  }
0x67: {  	_ =	shalt  }
0x68: {  	_ =	shalt  }
0x69: {  	_ =	shalt  }
0x6a: {  	_ =	shalt  }
0x6b: {  	_ =	shalt  }
0x6c: {  	_ =	shalt  }
0x6d: {  	_ =	shalt  }
0x6e: {  	_ =	shalt  }
0x6f: {  	_ =	shalt  }
0x70: {  	_ =	shalt  }
0x71: {  	_ =	shalt  }
0x72: {  	_ =	shalt  }
0x73: {  	_ =	shalt  }
0x74: {  	_ =	shalt  }
0x75: {  	_ =	shalt  }
0x76: {  	_ =	shalt  }
0x77: {  	_ =	shalt  }
0x78: {  	_ =	shalt  }
0x79: {  	_ =	shalt  }
0x7a: {  	_ =	shalt  }
0x7b: {  	_ =	shalt  }
0x7c: {  	_ =	shalt  }
0x7d: {  	_ =	shalt  }
0x7e: {  	_ =	shalt  }
0x7f: {  	_ =	shalt  }
0x80: {  	_ =	shalt  }
0x81: {  	_ =	shalt  }
0x82: {  	_ =	shalt  }
0x83: {  	_ =	shalt  }
0x84: {  	_ =	shalt  }
0x85: {  	_ =	shalt  }
0x86: {  	_ =	shalt  }
0x87: {  	_ =	shalt  }
.Lfunc_end0:
.L_simem_size_0:
called_computation_lowered:
.L_overlay_start_0:
0x88: {  	s2 =	sld [smem:$0x3FD9]  }
0x89: {  	s3 =	sld [smem:$0x3FFE];
	_ =	sdelay $0x1  }
0x8a: {  	s1 =	srdreg.scid  }
0x8b: {  	s0 =	sand.u32 $0x1, s1  }
0x8c: {  	s17 =	sshll.u32 s0, $0xA;
	s2 =	sadd.s32 s3, s2  }
0x8d: {  	s2 =	sadd.s32 s2, s17  }
0x8e: {  	[smem:$0x3FC0] =	sst s2  }
0x8f: {  	_ = 	snop  }
0x90: {  	s2 =	sld [smem:$0x3FD0];
	(tm) =	ssettm $0x1  }
0x91: {  	s18 =	sld [smem:$0x3FFB];
	_ =	sdelay $0x3  }
0x92: {  	_ =	strace s18  }
0x93: {  	s3 =	sld [smem:$0x3FFC];
	_ =	sdelay $0x3  }
0x94: {  	_ =	strace s3  }
0x95: {  	s3 =	sld [smem:$0x3FFD];
	_ =	sdelay $0x3  }
0x96: {  	_ =	strace s3  }
0x97: {  	_ =	strace $0x8FFFFFFF  }
0x98: {  	s19 =	sld [smem:$0x3FDB];
	_ =	sdelay $0x1  }
0x99: {  	s4 =	simm.s32 $_scs_section_size  }
0x9a: {  	s5 =	simm.s32 $_size__tile_overlayer_lowered;
	s6 =	simm.s32 $_tile_overlayer_lowered  }
0x9b: {  	s22 =	simm.s32 $0x1BFF;
	s21 =	sshll.u32 s6, $0x1;
	s3 =	sadd.s32 s4, s19  }
0x9c: {  	s7 =	simm.s32 $0x0;
	s20 =	sshll.u32 s5, $0x1;
	s5 =	sadd.s32 s21, s3  }
0x9d: {  	[timem:s7], [sflag:s22] =	dma.local [hbm:s5], s20  }
0x9e: {  	_ =	swait.ge [sflag:s22], s20  }
0x9f: {  	s4 =	ssub.s32 $0x0, s20;
	[sflag:s22] =	ssyncset.done $0x0  }
0xa0: {  	[sflag:s22] =	ssyncadd.s32 s4;
	_ =	sdelay $0x1  }
0xa1: {  	s23 =	simm.s32 $0x1B8B  }
0xa2: {  	_ =	swait.ge [sflag:s23], $0x1  }
0xa3: {  	[sflag:s23] =	ssyncset.done $0x0  }
0xa4: {  	s25 =	simm.s32 $0x1B8E;
	s24 =	sld [smem:$0x3FFE];
	[sflag:s23] =	ssyncadd.s32 $0xFFFFFFFF  }
0xa5: {  	s26 =	simm.s32 $execute0_lowered;
	[smem:$0x3FD2] =	sst s25  }
0xa6: {  	s5 =	sshll.u32 s26, $0x1;
	_ =	strace $0x80000046;
	[dreg:$0x1] =	wrdreg $0xFFFFFFFF  }
0xa7: {  	s28 =	simm.s32 $_size_execute0_lowered;
	s3 =	sadd.s32 s3, s5;
	[dreg:$0x0] =	wrdreg $0x0  }
0xa8: {  	s5 =	sshll.u32 s28, $0x1;
	[dreg:$0x2] =	wrdreg s3  }
0xa9: {  	[dreg:$0x3] =	wrdreg s5  }
0xaa: {  	[dreg:$0x4] =	wrdreg $0xC0  }
0xab: {  	_ =	task [dreg:s7], $0x5FFFF  }
0xac: {  	[dreg:$0x1] =	wrdreg $0xFFFFFFFF  }
0xad: {  	[dreg:$0x0] =	wrdreg $0x60  }
0xae: {  	[dreg:$0x2] =	wrdreg s24  }
0xaf: {  	[dreg:$0x3] =	wrdreg s2  }
0xb0: {  	[dreg:$0x4] =	wrdreg $0x4F000  }
0xb1: {  	[dreg:$0x5] =	wrdreg $0x1B5000  }
0xb2: {  	[dreg:$0x6] =	wrdreg $0x9  }
0xb3: {  	_ =	task.clear_ibuf [dreg:s7], $0x7FFFF;
	_ =	strace $0x90000046  }
0xb4: {  	s29 =	simm.s32 $0x9;
	_ =	strace $0x80000048  }
0xb5: {  	_ =	swait.ge [sflag:s29], $0x1  }
0xb6: {  	[sflag:s29] =	ssyncadd.s32 $0xFFFFFFFF  }
0xb7: {  	_ =	strace $0x90000048  }
0xb8: {  	_ =	sfence  }
0xb9: {  	s30 =	sld [smem:$0x0];
	_ =	sdelay $0x2  }
0xba: {  	s31 =	sshll.u32 s1, $0xD;
	s1 =	sshrl.u32 s1, $0x2  }
0xbb: {  	s3 =	sand.u32 $0x4000, s31;
	s1 =	sadd.s32 s1, s30  }
0xbc: {  	s0 =	sor.u32 s3, s0;
	s1 =	sshll.u32 s1, $0x11  }
0xbd: {  	s0 =	sor.u32 s1, s0  }
0xbe: {  	s0 =	sadd.s32 $0x8F2B, s0  }
0xbf: {  	[sflag:s0] =	ssyncadd.remote.s32 $0x1  }
0xc0: {  	_ =	sfence.sel $0xFFFF  }
0xc1: {  	[dreg:$0x0] =	wrdreg $0xFFFFFFFF;
	(pc) =	sbr.abs _section_cstart, $3  }
0xc2: {  	[dreg:$0x1] =	wrdreg $0xFFFFFFFF  }
0xc3: {  	_ =	task.clear_ibuf [dreg:s7], $0x2FFFF;
	_ =	strace $0x9FFFFFFF  }
0xc4: {  	(tm) =	ssettm $0x7FFFFFFF  }
0xc5: {  	_ =	shalt  }
tec
execute0_lowered:
.L_overlay_start_1:
0x0: {  	(tag) =	ssettag $0x1  }
0x1: {  	s1 =	rddreg [dreg:$0x0]  }
0x2: {  	s4 =	rddreg [dreg:$0x1]  }
0x3: {  	s0 =	srdreg.scid;
	s2 =	rddreg [dreg:$0x2]  }
0x4: {  	s12 =	stileid.u32;
	s3 =	rddreg [dreg:$0x3];
	s9 =	simm.s32 $0x0  }
0x5: {  	s29 =	simm.s32 $0x12D00;
	s30 =	simm.s32 $0x14D00;
	s31 =	simm.s32 $0x16D00  }
0x6: {  	s28 =	simm.s32 $0xD;
	s13 =	simm.s32 $0x6;
	s0 =	sand.u32 $0x1, s0  }
0x7: {  	[smem:$0x7FF] =	sst s9;
	s14 =	smul.u32 $0x13C00, s12;
	s11 =	sadd.s32 $0x28800, s1  }
0x8: {  	s16 =	smul.u32 $0x9E00, s12;
	s20 =	sshll.u32 s12, $0x6;
	s6 =	sshll.u32 s0, $0x4  }
0x9: {  	_ =	strace $0x80000047;
	s10 =	sshll.u32 s0, $0x6;
	[dreg:$0x5] =	wrdreg s11  }
0xa: {  	s0 =	ssub.s32 $0x2, s0;
	s11 =	simm.s32 $0x9;
	s7 =	sor.u32 s12, s6  }
0xb: {  	s10 =	sor.u32 s10, s14;
	s6 =	sor.u32 s6, s14;
	s17 =	sshrl.u32 s0, $0x1  }
0xc: {  	s18 =	sadd.s32 s16, s2;
	s19 =	sshrl.u32 s16, $0x3;
	s21 =	sshrl.u32 s16, $0x2  }
0xd: {  	s12 =	simm.s32 $0xF;
	s5 =	smul.u32 $0x4E, s7;
	s8 =	smin.u32 s7, $0x4  }
0xe: {  	s10 =	sshrl.u32 s10, $0x3;
	s6 =	sshrl.u32 s6, $0x3;
	s0 =	ssub.s32 s0, s17  }
0xf: {  	s4 =	sadd.s32 s4, s19;
	s22 =	sadd.s32 s21, s3;
	p0 =	sgt.u32 s7, $0x3  }
0x10: {  	s7 =	sshrl.u32 s18, $0x3;
	s17 =	simm.s32 $0x13;
	s19 =	simm.s32 $0x1  }
0x11: {  	s21 =	simm.s32 $0x8;
	s10 =	sadd.s32 s10, s1;
	[dreg:$0x6] =	wrdreg s4  }
0x12: {  	s0 =	smax.u32 s0, $0x1;
	s14 =	sshrl.u32 s22, $0x3;
	s22 =	simm.s32 $0x1AD00  }
0x13: {  	[dreg:$0xf] =	wrdreg s7;
	s5 =	sadd.s32 s8, s5;
	s8 =	sor.u32 $0x1C13, s20  }
0x14: {  	s26 =	sadd.s32 $0x28A00, s10;
	[dreg:$0xe] =	wrdreg s0;
	s20 =	simm.s32 $0x2  }
0x15: {  	s0 =	simm.s32 $0x3;
	[dreg:$0x10] =	wrdreg s14;
	s15 =	sshll.u32 s5, $0x4  }
0x16: {  	s10 =	simm.s32 $0x5;
	[dreg:$0xc] =	wrdreg s26;
	s9 =	sadd.s32 s15, s1  }
0x17: {  	s5 =	sadd.s32 $0x1400, s1;
	[dreg:$0x7] =	wrdreg s8;
	s23 =	sadd.s32 $0x14E00, s9  }
0x18: {  	s26 =	simm.s32 $0x10D00;
	s24 =	sadd.s32 $0x1EA40, s9;
	[dreg:$0x8] =	wrdreg s23  }
0x19: {  	s1 =	sadd.s32 s6, s1;
	s25 =	sadd.s32 $0x152E0, s9;
	[dreg:$0x9] =	wrdreg s24  }
0x1a: {  	s6 =	simm.s32 $0x4;
	s9 =	sadd.s32 $0x1EF20, s9;
	[dreg:$0xa] =	wrdreg s25  }
0x1b: {  	s15 =	simm.s32 $0x0;
	s1 =	sadd.s32 $0x50200, s1;
	[dreg:$0xb] =	wrdreg s9  }
0x1c: {  	[dreg:$0xd] =	wrdreg s1;
	s24 =	simm.s32 $0x80;
	s25 =	simm.s32 $0xED00  }
0x1d: {  	s1 =	simm.s32 $0x18D00;
	s23 =	simm.s32 $0x7;
	s9 =	simm.s32 $0xE  }
.LBB2_1:
0x1e: {  	[dreg:$0x11] =	wrdreg s15  }
0x1f: {  	s4 =	rddreg [dreg:$0x6]  }
0x20: {  	[spmem:s7], [sflag:s8] =	dma.local [hbm:s4], $0x13C0  }
0x21: {  	_ =	swait.ge [sflag:s17], $0x13C0  }
0x22: {  	[sflag:s17] =	ssyncset.done $0x0  }
0x23: {  	[sflag:s17] =	ssyncadd.s32 $0xFFFFEC40  }
0x24: {  	[spmem:s14@s20], [sflag:s8] =	dma.strided [hbm:s4@s21], $0x4F0, s19, $0x2   }
0x25: {  	_ =	swait.ge [sflag:s17], $0x4F0  }
0x26: {  	[sflag:s17] =	ssyncset.done $0x0  }
0x27: {  	s8 =	simm.s32 $0x0;
	s14 =	rddreg [dreg:$0x5];
	[sflag:s17] =	ssyncadd.s32 $0xFFFFFB10  }
0x28: {  	[tilespmem:s22], [sflag:$0x13] =	stream.linear.gather [hbm4b:s14+s8], $0x800, $0x38;
	[tilespmem:$0x1DC80] =	vst v63  }
0x29: {  	_ =	swait.ge [sflag:s17], $0x800  }
0x2a: {  	[sflag:s17] =	ssyncset.done $0x0  }
0x2b: {  	s15 =	rddreg [dreg:$0x8];
	[sflag:s17] =	ssyncadd.s32 $0xFFFFF800  }
0x2c: {  	[tilespmem:s8], [sflag:$0x13] =	stream.linear.gather [hbm4b:s15+s8], $0x2700, $0x38;
	[tilespmem:$0x1DC80] =	vst v63  }
0x2d: {  	_ =	swait.ge [sflag:s17], $0x2700  }
0x2e: {  	[sflag:s17] =	ssyncset.done $0x0  }
0x2f: {  	s18 =	simm.s32 $0x2780;
	s16 =	rddreg [dreg:$0x9];
	[sflag:s17] =	ssyncadd.s32 $0xFFFFD900  }
0x30: {  	[tilespmem:s18], [sflag:$0x13] =	stream.linear.gather [hbm4b:s16+s8], $0x2700, $0x38;
	[tilespmem:$0x1DC80] =	vst v63  }
0x31: {  	_ =	swait.ge [sflag:s17], $0x2700  }
0x32: {  	s7 =	simm.s32 @!p0 $0x2700;
	[sflag:s17] =	ssyncset.done $0x0  }
0x33: {  	s4 =	simm.s32 @!p0 $0x0;
	s14 =	rddreg [dreg:$0xa];
	[sflag:s17] =	ssyncadd.s32 $0xFFFFD900  }
0x34: {  	[tilespmem:s7], [sflag:$0x13] =	stream.linear.gather @!p0 [hbm4b:s14+s4], $0x80, $0x38;
	[tilespmem:$0x1DC80] =	vst v63  }
0x35: {  	s7 =	simm.s32 @!p0 $0x13  }
0x36: {  	_ =	swait.ge @!p0 [sflag:s7], $0x80  }
0x37: {  	[sflag:s7] =	ssyncset.done @!p0 $0x0  }
0x38: {  	s16 =	simm.s32 @!p0 $0x4E80;
	s14 =	rddreg [dreg:$0xb];
	[sflag:s7] =	ssyncadd.s32 @!p0 $0xFFFFFF80  }
0x39: {  	[tilespmem:s16], [sflag:$0x13] =	stream.linear.gather @!p0 [hbm4b:s14+s4], $0x80, $0x38;
	[tilespmem:$0x1DC80] =	vst v63  }
0x3a: {  	_ =	swait.ge @!p0 [sflag:s7], $0x80  }
0x3b: {  	[sflag:s7] =	ssyncset.done @!p0 $0x0  }
0x3c: {  	[sflag:s7] =	ssyncadd.s32 @!p0 $0xFFFFFF80  }
0x3d: {  	p1 =	por $0x1, $0x1;
	[bflag:$0x0] =	sbarrier.arrive $0xFFFF  }
0x3e: {  	[tilespmem:s25], [sflag:$0x1] =	stream.indirect.gather [hbm4b:s5+s24], $0x40, s8, s24, $0xb8;
	[tilespmem:$0x1DC80] =	vst v63  }
0x3f: {  	p1 =	por p1, p1  }
0x40: {  	[tilespmem:s26], [sflag:$0x2] =	stream.indirect.gather [hbm4b:s5+s24], $0x40, s24, s24, $0xb8;
	[tilespmem:$0x1DC80] =	vst v63  }
0x41: {  	s4 =	simm.s32 @!p1 $0xA;
	s8 =	simm.s32 $0x100  }
0x42: {  	[tilespmem:s29], [sflag:$0x3] =	stream.indirect.gather [hbm4b:s5+s24], $0x40, s8, s24, $0xb8;
	[tilespmem:$0x1DC80] =	vst v63  }
0x43: {  	_ =	swait.ge @!p1 [sflag:s4], $0x2000  }
0x44: {  	[sflag:s4] =	ssyncset.done @!p1 $0x0  }
0x45: {  	[sflag:s4] =	ssyncadd.s32 @!p1 $0xFFFFE000;
	s4 =	simm.s32 @!p1 $0x10  }
0x46: {  	_ =	swait.ge @!p1 [sflag:s4], $0x800  }
0x47: {  	[sflag:s4] =	ssyncset.done @!p1 $0x0  }
0x48: {  	s14 =	simm.s32 $0x180;
	[sflag:s4] =	ssyncadd.s32 @!p1 $0xFFFFF800  }
0x49: {  	[tilespmem:s30], [sflag:$0x4] =	stream.indirect.gather [hbm4b:s5+s24], $0x40, s14, s24, $0xb8;
	[tilespmem:$0x1DC80] =	vst v63  }
0x4a: {  	_ =	swait.ge [sflag:s19], $0x2000  }
0x4b: {  	[sflag:s19] =	ssyncset.done $0x0  }
0x4c: {  	s15 =	simm.s32 $0x2780;
	[sflag:s19] =	ssyncadd.s32 $0xFFFFE000  }
0x4d: {  	[spmem:s2] =	stream.indirect.scatter.add.f32 [tilespmem:s25], [sflag:$0x7], $0x40, s15, s24, $0xb8;
	[tilespmem:$0x1DC80] =	vst v63  }
0x4e: {  	s7 =	simm.s32 @!p1 $0xB  }
0x4f: {  	[spmem:s3] =	stream.indirect.scatter.add.f32 [tilespmem:s22], [sflag:$0xD], $0x10, s15, s24, $0xb8;
	[tilespmem:$0x1DC80] =	vst v63  }
0x50: {  	_ =	swait.ge @!p1 [sflag:s7], $0x2000  }
0x51: {  	[sflag:s7] =	ssyncset.done @!p1 $0x0  }
0x52: {  	s4 =	simm.s32 @!p1 $0x11;
	[sflag:s7] =	ssyncadd.s32 @!p1 $0xFFFFE000  }
0x53: {  	_ =	swait.ge @!p1 [sflag:s4], $0x800  }
0x54: {  	[sflag:s4] =	ssyncset.done @!p1 $0x0  }
0x55: {  	s16 =	simm.s32 $0x200;
	[sflag:s4] =	ssyncadd.s32 @!p1 $0xFFFFF800  }
0x56: {  	[tilespmem:s31], [sflag:$0x5] =	stream.indirect.gather [hbm4b:s5+s24], $0x40, s16, s24, $0xb8;
	[tilespmem:$0x1DC80] =	vst v63  }
0x57: {  	_ =	swait.ge [sflag:s20], $0x2000  }
0x58: {  	[sflag:s20] =	ssyncset.done $0x0  }
0x59: {  	s18 =	simm.s32 $0x2800;
	[sflag:s20] =	ssyncadd.s32 $0xFFFFE000  }
0x5a: {  	[spmem:s2] =	stream.indirect.scatter.add.f32 [tilespmem:s26], [sflag:$0x8], $0x40, s18, s24, $0xb8;
	[tilespmem:$0x1DC80] =	vst v63  }
0x5b: {  	s7 =	simm.s32 @!p1 $0xC  }
0x5c: {  	[spmem:s3] =	stream.indirect.scatter.add.f32 [tilespmem:s22], [sflag:$0xE], $0x10, s18, s24, $0xb8;
	[tilespmem:$0x1DC80] =	vst v63  }
0x5d: {  	_ =	swait.ge @!p1 [sflag:s7], $0x2000  }
0x5e: {  	[sflag:s7] =	ssyncset.done @!p1 $0x0  }
0x5f: {  	s4 =	simm.s32 @!p1 $0x12;
	[sflag:s7] =	ssyncadd.s32 @!p1 $0xFFFFE000  }
0x60: {  	_ =	swait.ge @!p1 [sflag:s4], $0x800  }
0x61: {  	[sflag:s4] =	ssyncset.done @!p1 $0x0  }
0x62: {  	s8 =	simm.s32 $0x280;
	[sflag:s4] =	ssyncadd.s32 @!p1 $0xFFFFF800  }
0x63: {  	[tilespmem:s1], [sflag:$0x6] =	stream.indirect.gather [hbm4b:s5+s24], $0x40, s8, s24, $0xb8;
	[tilespmem:$0x1DC80] =	vst v63  }
0x64: {  	_ =	swait.ge [sflag:s0], $0x2000  }
0x65: {  	[sflag:s0] =	ssyncset.done $0x0  }
0x66: {  	s14 =	simm.s32 $0x2880;
	[sflag:s0] =	ssyncadd.s32 $0xFFFFE000  }
0x67: {  	[spmem:s2] =	stream.indirect.scatter.add.f32 [tilespmem:s29], [sflag:$0x9], $0x40, s14, s24, $0xb8;
	[tilespmem:$0x1DC80] =	vst v63  }
0x68: {  	_ = 	snop  }
0x69: {  	[spmem:s3] =	stream.indirect.scatter.add.f32 [tilespmem:s22], [sflag:$0xF], $0x10, s14, s24, $0xb8;
	[tilespmem:$0x1DC80] =	vst v63  }
0x6a: {  	_ =	swait.ge [sflag:s23], $0x2000  }
0x6b: {  	[sflag:s23] =	ssyncset.done $0x0  }
0x6c: {  	[sflag:s23] =	ssyncadd.s32 $0xFFFFE000  }
0x6d: {  	p1 =	por $0x0, $0x0;
	_ =	swait.ge [sflag:s28], $0x800  }
0x6e: {  	s4 =	simm.s32 @!p1 $0xED00;
	[sflag:s28] =	ssyncset.done $0x0  }
0x6f: {  	s7 =	simm.s32 @!p1 $0x300;
	s16 =	simm.s32 @!p1 $0x80;
	[sflag:s28] =	ssyncadd.s32 $0xFFFFF800  }
0x70: {  	[tilespmem:s4], [sflag:$0x1] =	stream.indirect.gather @!p1 [hbm4b:s5+s16], $0x40, s7, s16, $0xb8;
	[tilespmem:$0x1DC80] =	vst v63  }
0x71: {  	_ =	swait.ge [sflag:s6], $0x2000  }
0x72: {  	[sflag:s6] =	ssyncset.done $0x0  }
0x73: {  	s15 =	simm.s32 $0x2900;
	[sflag:s6] =	ssyncadd.s32 $0xFFFFE000  }
0x74: {  	[spmem:s2] =	stream.indirect.scatter.add.f32 [tilespmem:s30], [sflag:$0xA], $0x40, s15, s24, $0xb8;
	[tilespmem:$0x1DC80] =	vst v63  }
0x75: {  	_ = 	snop  }
0x76: {  	[spmem:s3] =	stream.indirect.scatter.add.f32 [tilespmem:s22], [sflag:$0x10], $0x10, s15, s24, $0xb8;
	[tilespmem:$0x1DC80] =	vst v63  }
0x77: {  	_ =	swait.ge [sflag:s21], $0x2000  }
0x78: {  	[sflag:s21] =	ssyncset.done $0x0  }
0x79: {  	[sflag:s21] =	ssyncadd.s32 $0xFFFFE000  }
0x7a: {  	_ =	swait.ge [sflag:s9], $0x800  }
0x7b: {  	[sflag:s9] =	ssyncset.done $0x0  }
0x7c: {  	s4 =	simm.s32 @!p1 $0x380;
	s7 =	simm.s32 @!p1 $0x10D00;
	[sflag:s9] =	ssyncadd.s32 $0xFFFFF800  }
0x7d: {  	[tilespmem:s7], [sflag:$0x2] =	stream.indirect.gather @!p1 [hbm4b:s5+s16], $0x40, s4, s16, $0xb8;
	[tilespmem:$0x1DC80] =	vst v63  }
0x7e: {  	_ =	swait.ge [sflag:s10], $0x2000  }
0x7f: {  	[sflag:s10] =	ssyncset.done $0x0  }
0x80: {  	s18 =	simm.s32 $0x2980;
	[sflag:s10] =	ssyncadd.s32 $0xFFFFE000  }
0x81: {  	[spmem:s2] =	stream.indirect.scatter.add.f32 [tilespmem:s31], [sflag:$0xB], $0x40, s18, s24, $0xb8;
	[tilespmem:$0x1DC80] =	vst v63  }
0x82: {  	_ = 	snop  }
0x83: {  	[spmem:s3] =	stream.indirect.scatter.add.f32 [tilespmem:s22], [sflag:$0x11], $0x10, s18, s24, $0xb8;
	[tilespmem:$0x1DC80] =	vst v63  }
0x84: {  	_ =	swait.ge [sflag:s11], $0x2000  }
0x85: {  	[sflag:s11] =	ssyncset.done $0x0  }
0x86: {  	[sflag:s11] =	ssyncadd.s32 $0xFFFFE000  }
0x87: {  	_ =	swait.ge [sflag:s12], $0x800  }
0x88: {  	[sflag:s12] =	ssyncset.done $0x0  }
0x89: {  	s4 =	simm.s32 @!p1 $0x400;
	s7 =	simm.s32 @!p1 $0x12D00;
	[sflag:s12] =	ssyncadd.s32 $0xFFFFF800  }
0x8a: {  	[tilespmem:s7], [sflag:$0x3] =	stream.indirect.gather @!p1 [hbm4b:s5+s16], $0x40, s4, s16, $0xb8;
	[tilespmem:$0x1DC80] =	vst v63  }
0x8b: {  	p6 =	por $0x0, $0x0;
	_ =	swait.ge [sflag:s13], $0x2000  }
0x8c: {  	s16 =	simm.s32 $0x2A00;
	s4 =	simm.s32 $0xC00;
	[sflag:s13] =	ssyncset.done $0x0  }
0x8d: {  	s7 =	simm.s32 $0x1800;
	p1 =	por p6, p6;
	[sflag:s13] =	ssyncadd.s32 $0xFFFFE000  }
0x8e: {  	[spmem:s2] =	stream.indirect.scatter.add.f32 [tilespmem:s1], [sflag:$0xC], $0x40, s16, s24, $0xb8;
	[tilespmem:$0x1DC80] =	vst v63  }
.LBB2_2:
0x8f: {  	[spmem:s3] =	stream.indirect.scatter.add.f32 [tilespmem:s22], [sflag:$0x12], $0x10, s16, s24, $0xb8;
	[tilespmem:$0x1DC80] =	vst v63  }
0x90: {  	s18 =	smov.u32 s7  }
0x91: {  	s7 =	sadd.s32 $0xC00, s7;
	s16 =	simm.s32 @!p1 $0xA;
	p3 =	seq.s32 s18, $0x0  }
0x92: {  	p2 =	sne.s32 s7, $0x9C00;
	_ =	swait.ge @!p1 [sflag:s16], $0x2000  }
0x93: {  	[sflag:s16] =	ssyncset.done @!p1 $0x0  }
0x94: {  	s15 =	simm.s32 @!p1 $0x10;
	[sflag:s16] =	ssyncadd.s32 @!p1 $0xFFFFE000  }
0x95: {  	_ =	swait.ge @!p1 [sflag:s15], $0x800  }
0x96: {  	s16 =	sshra.s32 s4, $0x2;
	[sflag:s15] =	ssyncset.done @!p1 $0x0  }
0x97: {  	[sflag:s15] =	ssyncadd.s32 @!p1 $0xFFFFF800;
	s15 =	sadd.s32 $0x180, s16  }
0x98: {  	[tilespmem:s30], [sflag:$0x4] =	stream.indirect.gather [hbm4b:s5+s24], $0x40, s15, s24, $0xb8;
	[tilespmem:$0x1DC80] =	vst v63  }
0x99: {  	_ =	swait.ge [sflag:s19], $0x2000  }
0x9a: {  	[sflag:s19] =	ssyncset.done $0x0  }
0x9b: {  	s15 =	sadd.s32 $0x2780, s16;
	[sflag:s19] =	ssyncadd.s32 $0xFFFFE000  }
0x9c: {  	[spmem:s2] =	stream.indirect.scatter.add.f32 [tilespmem:s25], [sflag:$0x7], $0x40, s15, s24, $0xb8;
	[tilespmem:$0x1DC80] =	vst v63  }
0x9d: {  	s8 =	simm.s32 @!p1 $0xB  }
0x9e: {  	[spmem:s3] =	stream.indirect.scatter.add.f32 [tilespmem:s22], [sflag:$0xD], $0x10, s15, s24, $0xb8;
	[tilespmem:$0x1DC80] =	vst v63  }
0x9f: {  	_ =	swait.ge @!p1 [sflag:s8], $0x2000  }
0xa0: {  	[sflag:s8] =	ssyncset.done @!p1 $0x0  }
0xa1: {  	[sflag:s8] =	ssyncadd.s32 @!p1 $0xFFFFE000;
	s8 =	simm.s32 @!p1 $0x11  }
0xa2: {  	_ =	swait.ge @!p1 [sflag:s8], $0x800  }
0xa3: {  	[sflag:s8] =	ssyncset.done @!p1 $0x0  }
0xa4: {  	[sflag:s8] =	ssyncadd.s32 @!p1 $0xFFFFF800;
	s8 =	sadd.s32 $0x200, s16  }
0xa5: {  	[tilespmem:s31], [sflag:$0x5] =	stream.indirect.gather [hbm4b:s5+s24], $0x40, s8, s24, $0xb8;
	[tilespmem:$0x1DC80] =	vst v63  }
0xa6: {  	_ =	swait.ge [sflag:s20], $0x2000  }
0xa7: {  	[sflag:s20] =	ssyncset.done $0x0  }
0xa8: {  	s8 =	sadd.s32 $0x2800, s16;
	[sflag:s20] =	ssyncadd.s32 $0xFFFFE000  }
0xa9: {  	[spmem:s2] =	stream.indirect.scatter.add.f32 [tilespmem:s26], [sflag:$0x8], $0x40, s8, s24, $0xb8;
	[tilespmem:$0x1DC80] =	vst v63  }
0xaa: {  	s15 =	simm.s32 @!p1 $0xC  }
0xab: {  	[spmem:s3] =	stream.indirect.scatter.add.f32 [tilespmem:s22], [sflag:$0xE], $0x10, s8, s24, $0xb8;
	[tilespmem:$0x1DC80] =	vst v63  }
0xac: {  	_ =	swait.ge @!p1 [sflag:s15], $0x2000  }
0xad: {  	[sflag:s15] =	ssyncset.done @!p1 $0x0  }
0xae: {  	s8 =	simm.s32 @!p1 $0x12;
	[sflag:s15] =	ssyncadd.s32 @!p1 $0xFFFFE000  }
0xaf: {  	_ =	swait.ge @!p1 [sflag:s8], $0x800  }
0xb0: {  	[sflag:s8] =	ssyncset.done @!p1 $0x0  }
0xb1: {  	[sflag:s8] =	ssyncadd.s32 @!p1 $0xFFFFF800;
	s8 =	sadd.s32 $0x280, s16;
	p1 =	por p3, p3  }
0xb2: {  	[tilespmem:s1], [sflag:$0x6] =	stream.indirect.gather [hbm4b:s5+s24], $0x40, s8, s24, $0xb8;
	[tilespmem:$0x1DC80] =	vst v63  }
0xb3: {  	_ =	swait.ge [sflag:s0], $0x2000  }
0xb4: {  	[sflag:s0] =	ssyncset.done $0x0  }
0xb5: {  	s8 =	sadd.s32 $0x2880, s16;
	[sflag:s0] =	ssyncadd.s32 $0xFFFFE000  }
0xb6: {  	[spmem:s2] =	stream.indirect.scatter.add.f32 [tilespmem:s29], [sflag:$0x9], $0x40, s8, s24, $0xb8;
	[tilespmem:$0x1DC80] =	vst v63  }
0xb7: {  	_ = 	snop  }
0xb8: {  	[spmem:s3] =	stream.indirect.scatter.add.f32 [tilespmem:s22], [sflag:$0xF], $0x10, s8, s24, $0xb8;
	[tilespmem:$0x1DC80] =	vst v63  }
0xb9: {  	_ =	swait.ge [sflag:s23], $0x2000  }
0xba: {  	[sflag:s23] =	ssyncset.done $0x0  }
0xbb: {  	[sflag:s23] =	ssyncadd.s32 $0xFFFFE000  }
0xbc: {  	p3 =	seq.s32 s4, $0x9000;
	_ =	swait.ge [sflag:s28], $0x800  }
0xbd: {  	s4 =	sshra.s32 @!p3 s4, $0x2;
	s8 =	simm.s32 @!p3 $0xED00;
	[sflag:s28] =	ssyncset.done $0x0  }
0xbe: {  	s14 =	simm.s32 @!p3 $0x80;
	s15 =	sadd.s32 @!p3 $0x300, s4;
	[sflag:s28] =	ssyncadd.s32 $0xFFFFF800  }
0xbf: {  	[tilespmem:s8], [sflag:$0x1] =	stream.indirect.gather @!p3 [hbm4b:s5+s14], $0x40, s15, s14, $0xb8;
	[tilespmem:$0x1DC80] =	vst v63  }
0xc0: {  	s8 =	sadd.s32 @!p3 $0x380, s4;
	s15 =	sadd.s32 @!p3 $0x400, s4;
	_ =	swait.ge [sflag:s6], $0x2000  }
0xc1: {  	s4 =	smov.u32 s18;
	[sflag:s6] =	ssyncset.done $0x0  }
0xc2: {  	s18 =	sadd.s32 $0x2900, s16;
	[sflag:s6] =	ssyncadd.s32 $0xFFFFE000  }
0xc3: {  	[spmem:s2] =	stream.indirect.scatter.add.f32 [tilespmem:s30], [sflag:$0xA], $0x40, s18, s24, $0xb8;
	[tilespmem:$0x1DC80] =	vst v63  }
0xc4: {  	_ = 	snop  }
0xc5: {  	[spmem:s3] =	stream.indirect.scatter.add.f32 [tilespmem:s22], [sflag:$0x10], $0x10, s18, s24, $0xb8;
	[tilespmem:$0x1DC80] =	vst v63  }
0xc6: {  	_ =	swait.ge [sflag:s21], $0x2000  }
0xc7: {  	[sflag:s21] =	ssyncset.done $0x0  }
0xc8: {  	[sflag:s21] =	ssyncadd.s32 $0xFFFFE000  }
0xc9: {  	_ =	swait.ge [sflag:s9], $0x800  }
0xca: {  	[sflag:s9] =	ssyncset.done $0x0  }
0xcb: {  	s18 =	simm.s32 @!p3 $0x10D00;
	[sflag:s9] =	ssyncadd.s32 $0xFFFFF800  }
0xcc: {  	[tilespmem:s18], [sflag:$0x2] =	stream.indirect.gather @!p3 [hbm4b:s5+s14], $0x40, s8, s14, $0xb8;
	[tilespmem:$0x1DC80] =	vst v63  }
0xcd: {  	_ =	swait.ge [sflag:s10], $0x2000  }
0xce: {  	[sflag:s10] =	ssyncset.done $0x0  }
0xcf: {  	s8 =	sadd.s32 $0x2980, s16;
	[sflag:s10] =	ssyncadd.s32 $0xFFFFE000  }
0xd0: {  	[spmem:s2] =	stream.indirect.scatter.add.f32 [tilespmem:s31], [sflag:$0xB], $0x40, s8, s24, $0xb8;
	[tilespmem:$0x1DC80] =	vst v63  }
0xd1: {  	_ = 	snop  }
0xd2: {  	[spmem:s3] =	stream.indirect.scatter.add.f32 [tilespmem:s22], [sflag:$0x11], $0x10, s8, s24, $0xb8;
	[tilespmem:$0x1DC80] =	vst v63  }
0xd3: {  	_ =	swait.ge [sflag:s11], $0x2000  }
0xd4: {  	[sflag:s11] =	ssyncset.done $0x0  }
0xd5: {  	[sflag:s11] =	ssyncadd.s32 $0xFFFFE000  }
0xd6: {  	_ =	swait.ge [sflag:s12], $0x800  }
0xd7: {  	[sflag:s12] =	ssyncset.done $0x0  }
0xd8: {  	s8 =	simm.s32 @!p3 $0x12D00;
	[sflag:s12] =	ssyncadd.s32 $0xFFFFF800  }
0xd9: {  	[tilespmem:s8], [sflag:$0x3] =	stream.indirect.gather @!p3 [hbm4b:s5+s14], $0x40, s15, s14, $0xb8;
	[tilespmem:$0x1DC80] =	vst v63  }
.Ltmp0:
0xda: {  	_ = 	snop;
	(pc) =	sbr.rel @p2 .LBB2_2-.Ltmp0, $4  }
0xdb: {  	_ =	swait.ge [sflag:s13], $0x2000  }
0xdc: {  	[sflag:s13] =	ssyncset.done $0x0  }
0xdd: {  	s16 =	sadd.s32 $0x2A00, s16;
	[sflag:s13] =	ssyncadd.s32 $0xFFFFE000  }
0xde: {  	[spmem:s2] =	stream.indirect.scatter.add.f32 [tilespmem:s1], [sflag:$0xC], $0x40, s16, s24, $0xb8;
	[tilespmem:$0x1DC80] =	vst v63  }
0xdf: {  	[spmem:s3] =	stream.indirect.scatter.add.f32 [tilespmem:s22], [sflag:$0x12], $0x10, s16, s24, $0xb8;
	[tilespmem:$0x1DC80] =	vst v63  }
0xe0: {  	s7 =	simm.s32 @!p1 $0xA  }
0xe1: {  	_ =	swait.ge @!p1 [sflag:s7], $0x2000  }
0xe2: {  	[sflag:s7] =	ssyncset.done @!p1 $0x0  }
0xe3: {  	s8 =	simm.s32 @!p1 $0x10;
	[sflag:s7] =	ssyncadd.s32 @!p1 $0xFFFFE000  }
0xe4: {  	_ =	swait.ge @!p1 [sflag:s8], $0x800  }
0xe5: {  	s7 =	sshra.s32 s4, $0x2;
	[sflag:s8] =	ssyncset.done @!p1 $0x0  }
0xe6: {  	s14 =	sadd.s32 $0x180, s7;
	[sflag:s8] =	ssyncadd.s32 @!p1 $0xFFFFF800  }
0xe7: {  	[tilespmem:s30], [sflag:$0x4] =	stream.indirect.gather [hbm4b:s5+s24], $0x40, s14, s24, $0xb8;
	[tilespmem:$0x1DC80] =	vst v63  }
0xe8: {  	_ =	swait.ge [sflag:s19], $0x2000  }
0xe9: {  	[sflag:s19] =	ssyncset.done $0x0  }
0xea: {  	s15 =	sadd.s32 $0x2780, s7;
	[sflag:s19] =	ssyncadd.s32 $0xFFFFE000  }
0xeb: {  	[spmem:s2] =	stream.indirect.scatter.add.f32 [tilespmem:s25], [sflag:$0x7], $0x40, s15, s24, $0xb8;
	[tilespmem:$0x1DC80] =	vst v63  }
0xec: {  	s14 =	simm.s32 @!p1 $0xB  }
0xed: {  	[spmem:s3] =	stream.indirect.scatter.add.f32 [tilespmem:s22], [sflag:$0xD], $0x10, s15, s24, $0xb8;
	[tilespmem:$0x1DC80] =	vst v63  }
0xee: {  	_ =	swait.ge @!p1 [sflag:s14], $0x2000  }
0xef: {  	[sflag:s14] =	ssyncset.done @!p1 $0x0  }
0xf0: {  	s8 =	simm.s32 @!p1 $0x11;
	[sflag:s14] =	ssyncadd.s32 @!p1 $0xFFFFE000  }
0xf1: {  	_ =	swait.ge @!p1 [sflag:s8], $0x800  }
0xf2: {  	[sflag:s8] =	ssyncset.done @!p1 $0x0  }
0xf3: {  	s16 =	sadd.s32 $0x200, s7;
	[sflag:s8] =	ssyncadd.s32 @!p1 $0xFFFFF800  }
0xf4: {  	[tilespmem:s31], [sflag:$0x5] =	stream.indirect.gather [hbm4b:s5+s24], $0x40, s16, s24, $0xb8;
	[tilespmem:$0x1DC80] =	vst v63  }
0xf5: {  	_ =	swait.ge [sflag:s20], $0x2000  }
0xf6: {  	[sflag:s20] =	ssyncset.done $0x0  }
0xf7: {  	s18 =	sadd.s32 $0x2800, s7;
	[sflag:s20] =	ssyncadd.s32 $0xFFFFE000  }
0xf8: {  	[spmem:s2] =	stream.indirect.scatter.add.f32 [tilespmem:s26], [sflag:$0x8], $0x40, s18, s24, $0xb8;
	[tilespmem:$0x1DC80] =	vst v63  }
0xf9: {  	s14 =	simm.s32 @!p1 $0xC  }
0xfa: {  	[spmem:s3] =	stream.indirect.scatter.add.f32 [tilespmem:s22], [sflag:$0xE], $0x10, s18, s24, $0xb8;
	[tilespmem:$0x1DC80] =	vst v63  }
0xfb: {  	_ =	swait.ge @!p1 [sflag:s14], $0x2000  }
0xfc: {  	[sflag:s14] =	ssyncset.done @!p1 $0x0  }
0xfd: {  	s8 =	simm.s32 @!p1 $0x12;
	[sflag:s14] =	ssyncadd.s32 @!p1 $0xFFFFE000  }
0xfe: {  	_ =	swait.ge @!p1 [sflag:s8], $0x800  }
0xff: {  	[sflag:s8] =	ssyncset.done @!p1 $0x0  }
0x100: {  	s15 =	sadd.s32 $0x280, s7;
	[sflag:s8] =	ssyncadd.s32 @!p1 $0xFFFFF800  }
0x101: {  	[tilespmem:s1], [sflag:$0x6] =	stream.indirect.gather [hbm4b:s5+s24], $0x40, s15, s24, $0xb8;
	[tilespmem:$0x1DC80] =	vst v63  }
0x102: {  	_ =	swait.ge [sflag:s0], $0x2000  }
0x103: {  	[sflag:s0] =	ssyncset.done $0x0  }
0x104: {  	s16 =	sadd.s32 $0x2880, s7;
	[sflag:s0] =	ssyncadd.s32 $0xFFFFE000  }
0x105: {  	[spmem:s2] =	stream.indirect.scatter.add.f32 [tilespmem:s29], [sflag:$0x9], $0x40, s16, s24, $0xb8;
	[tilespmem:$0x1DC80] =	vst v63  }
0x106: {  	_ = 	snop  }
0x107: {  	[spmem:s3] =	stream.indirect.scatter.add.f32 [tilespmem:s22], [sflag:$0xF], $0x10, s16, s24, $0xb8;
	[tilespmem:$0x1DC80] =	vst v63  }
0x108: {  	_ =	swait.ge [sflag:s23], $0x2000  }
0x109: {  	[sflag:s23] =	ssyncset.done $0x0  }
0x10a: {  	[sflag:s23] =	ssyncadd.s32 $0xFFFFE000  }
0x10b: {  	p1 =	seq.s32 s4, $0x9000;
	_ =	swait.ge [sflag:s28], $0x800  }
0x10c: {  	s4 =	sshra.s32 @!p1 s4, $0x2;
	s8 =	simm.s32 @!p1 $0xED00;
	[sflag:s28] =	ssyncset.done $0x0  }
0x10d: {  	s15 =	simm.s32 @!p1 $0x80;
	s14 =	sadd.s32 @!p1 $0x300, s4;
	[sflag:s28] =	ssyncadd.s32 $0xFFFFF800  }
0x10e: {  	[tilespmem:s8], [sflag:$0x1] =	stream.indirect.gather @!p1 [hbm4b:s5+s15], $0x40, s14, s15, $0xb8;
	[tilespmem:$0x1DC80] =	vst v63  }
0x10f: {  	_ =	swait.ge [sflag:s6], $0x2000  }
0x110: {  	[sflag:s6] =	ssyncset.done $0x0  }
0x111: {  	s18 =	sadd.s32 $0x2900, s7;
	[sflag:s6] =	ssyncadd.s32 $0xFFFFE000  }
0x112: {  	[spmem:s2] =	stream.indirect.scatter.add.f32 [tilespmem:s30], [sflag:$0xA], $0x40, s18, s24, $0xb8;
	[tilespmem:$0x1DC80] =	vst v63  }
0x113: {  	_ = 	snop  }
0x114: {  	[spmem:s3] =	stream.indirect.scatter.add.f32 [tilespmem:s22], [sflag:$0x10], $0x10, s18, s24, $0xb8;
	[tilespmem:$0x1DC80] =	vst v63  }
0x115: {  	_ =	swait.ge [sflag:s21], $0x2000  }
0x116: {  	[sflag:s21] =	ssyncset.done $0x0  }
0x117: {  	[sflag:s21] =	ssyncadd.s32 $0xFFFFE000  }
0x118: {  	_ =	swait.ge [sflag:s9], $0x800  }
0x119: {  	[sflag:s9] =	ssyncset.done $0x0  }
0x11a: {  	s8 =	sadd.s32 @!p1 $0x380, s4;
	s14 =	simm.s32 @!p1 $0x10D00;
	[sflag:s9] =	ssyncadd.s32 $0xFFFFF800  }
0x11b: {  	[tilespmem:s14], [sflag:$0x2] =	stream.indirect.gather @!p1 [hbm4b:s5+s15], $0x40, s8, s15, $0xb8;
	[tilespmem:$0x1DC80] =	vst v63  }
0x11c: {  	_ =	swait.ge [sflag:s10], $0x2000  }
0x11d: {  	[sflag:s10] =	ssyncset.done $0x0  }
0x11e: {  	s14 =	sadd.s32 $0x2980, s7;
	[sflag:s10] =	ssyncadd.s32 $0xFFFFE000  }
0x11f: {  	[spmem:s2] =	stream.indirect.scatter.add.f32 [tilespmem:s31], [sflag:$0xB], $0x40, s14, s24, $0xb8;
	[tilespmem:$0x1DC80] =	vst v63  }
0x120: {  	_ = 	snop  }
0x121: {  	[spmem:s3] =	stream.indirect.scatter.add.f32 [tilespmem:s22], [sflag:$0x11], $0x10, s14, s24, $0xb8;
	[tilespmem:$0x1DC80] =	vst v63  }
0x122: {  	_ =	swait.ge [sflag:s11], $0x2000  }
0x123: {  	[sflag:s11] =	ssyncset.done $0x0  }
0x124: {  	[sflag:s11] =	ssyncadd.s32 $0xFFFFE000  }
0x125: {  	_ =	swait.ge [sflag:s12], $0x800  }
0x126: {  	[sflag:s12] =	ssyncset.done $0x0  }
0x127: {  	s4 =	sadd.s32 @!p1 $0x400, s4;
	s8 =	simm.s32 @!p1 $0x12D00;
	[sflag:s12] =	ssyncadd.s32 $0xFFFFF800  }
0x128: {  	[tilespmem:s8], [sflag:$0x3] =	stream.indirect.gather @!p1 [hbm4b:s5+s15], $0x40, s4, s15, $0xb8;
	[tilespmem:$0x1DC80] =	vst v63  }
0x129: {  	_ =	swait.ge [sflag:s13], $0x2000  }
0x12a: {  	[sflag:s13] =	ssyncset.done $0x0  }
0x12b: {  	s15 =	sadd.s32 $0x2A00, s7;
	[sflag:s13] =	ssyncadd.s32 $0xFFFFE000  }
0x12c: {  	[spmem:s2] =	stream.indirect.scatter.add.f32 [tilespmem:s1], [sflag:$0xC], $0x40, s15, s24, $0xb8;
	[tilespmem:$0x1DC80] =	vst v63  }
0x12d: {  	s16 =	simm.s32 $0xA  }
0x12e: {  	[spmem:s3] =	stream.indirect.scatter.add.f32 [tilespmem:s22], [sflag:$0x12], $0x10, s15, s24, $0xb8;
	[tilespmem:$0x1DC80] =	vst v63  }
0x12f: {  	_ =	swait.ge [sflag:s16], $0x2000  }
0x130: {  	[sflag:s16] =	ssyncset.done $0x0  }
0x131: {  	s15 =	simm.s32 $0x10;
	[sflag:s16] =	ssyncadd.s32 $0xFFFFE000  }
0x132: {  	_ =	swait.ge [sflag:s15], $0x800  }
0x133: {  	[sflag:s15] =	ssyncset.done $0x0  }
0x134: {  	s18 =	simm.s32 $0xB;
	[sflag:s15] =	ssyncadd.s32 $0xFFFFF800  }
0x135: {  	_ =	swait.ge [sflag:s18], $0x2000  }
0x136: {  	[sflag:s18] =	ssyncset.done $0x0  }
0x137: {  	s7 =	simm.s32 $0x11;
	[sflag:s18] =	ssyncadd.s32 $0xFFFFE000  }
0x138: {  	_ =	swait.ge [sflag:s7], $0x800  }
0x139: {  	[sflag:s7] =	ssyncset.done $0x0  }
0x13a: {  	s8 =	simm.s32 $0xC;
	[sflag:s7] =	ssyncadd.s32 $0xFFFFF800  }
0x13b: {  	_ =	swait.ge [sflag:s8], $0x2000  }
0x13c: {  	[sflag:s8] =	ssyncset.done $0x0  }
0x13d: {  	s14 =	simm.s32 $0x12;
	[sflag:s8] =	ssyncadd.s32 $0xFFFFE000  }
0x13e: {  	_ =	swait.ge [sflag:s14], $0x800  }
0x13f: {  	s4 =	simm.s32 @!p0 $0x80;
	[sflag:s14] =	ssyncset.done $0x0  }
0x140: {  	s7 =	simm.s32 @!p0 $0x2700;
	s8 =	simm.s32 @!p0 $0xED00;
	[sflag:s14] =	ssyncadd.s32 $0xFFFFF800  }
0x141: {  	[tilespmem:s8], [sflag:$0x1] =	stream.indirect.gather @!p0 [hbm4b:s5+s4], $0x40, s7, s4, $0xb8;
	[tilespmem:$0x1DC80] =	vst v63  }
0x142: {  	s7 =	simm.s32 @!p0 $0x1  }
0x143: {  	_ =	swait.ge @!p0 [sflag:s7], $0x2000  }
0x144: {  	[sflag:s7] =	ssyncset.done @!p0 $0x0  }
0x145: {  	[sflag:s7] =	ssyncadd.s32 @!p0 $0xFFFFE000;
	s7 =	simm.s32 @!p0 $0x4E80  }
0x146: {  	[spmem:s2] =	stream.indirect.scatter.add.f32 @!p0 [tilespmem:s8], [sflag:$0x13], $0x40, s7, s4, $0xb8;
	[tilespmem:$0x1DC80] =	vst v63  }
0x147: {  	s8 =	simm.s32 @!p0 $0x13  }
0x148: {  	_ =	swait.ge @!p0 [sflag:s8], $0x2000  }
0x149: {  	[sflag:s8] =	ssyncset.done @!p0 $0x0  }
0x14a: {  	s14 =	simm.s32 @!p0 $0x1AD00;
	[sflag:s8] =	ssyncadd.s32 @!p0 $0xFFFFE000  }
0x14b: {  	[spmem:s3] =	stream.indirect.scatter.add.f32 @!p0 [tilespmem:s14], [sflag:$0x13], $0x10, s7, s4, $0xb8;
	[tilespmem:$0x1DC80] =	vst v63  }
0x14c: {  	_ =	swait.ge @!p0 [sflag:s8], $0x800  }
0x14d: {  	[sflag:s8] =	ssyncset.done @!p0 $0x0  }
0x14e: {  	[sflag:s8] =	ssyncadd.s32 @!p0 $0xFFFFF800  }
0x14f: {  	[bflag:$0x0] =	sbarrier.arrive $0xFFFF  }
0x150: {  	s8 =	rddreg [dreg:$0x7]  }
0x151: {  	s16 =	rddreg [dreg:$0xc]  }
0x152: {  	s7 =	rddreg [dreg:$0xf]  }
0x153: {  	[hbm:s16@s15], [sflag:s8] =	dma.strided [spmem:s7@s21], $0x13C0, s19, $0x8   }
0x154: {  	_ =	swait.ge [sflag:s17], $0x13C0  }
0x155: {  	[sflag:s17] =	ssyncset.done $0x0;
	s18 =	rddreg [dreg:$0xd]  }
0x156: {  	s14 =	rddreg [dreg:$0x10];
	[sflag:s17] =	ssyncadd.s32 $0xFFFFEC40  }
0x157: {  	[hbm:s18@s15], [sflag:s8] =	dma.strided [spmem:s14@s20], $0x4F0, s19, $0x2   }
0x158: {  	_ =	swait.ge [sflag:s17], $0x4F0  }
0x159: {  	s16 =	rddreg [dreg:$0x11]  }
0x15a: {  	s18 =	rddreg [dreg:$0xe];
	s15 =	sadd.s32 $0x1, s16  }
0x15b: {  	p1 =	sne.s32 s15, s18  }
.Ltmp1:
0x15c: {  	_ = 	snop;
	(pc) =	sbr.rel @p1 .LBB2_1-.Ltmp1, $3  }
0x15d: {  	_ =	sdelay $0x1  }
0x15e: {  	[sflag:s17] =	ssyncset.done $0x0  }
0x15f: {  	[sflag:s17] =	ssyncadd.s32 $0xFFFFFB10  }
0x160: {  	_ =	sfence.sel $0x180000  }
0x161: {  	[bflag:$0x0] =	sbarrier.arrive $0xFFFF  }
0x162: {  	_ =	strace $0x90000047  }
0x163: {  	s0 =	stileid.u32;
	[bflag:$0x2] =	sbarrier.arrive $0xFFFF  }
0x164: {  	p0 =	sne.s32 s0, $0x0;
	s0 =	rddreg [dreg:$0x4]  }
0x165: {  	s0 =	sadd.s32 @!p0 $0x100000, s0  }
0x166: {  	[sflag:s0] =	ssyncadd.tile.s32 @!p0 $0x1;
	_ =	shalt  }
.Lfunc_end2:
_tile_overlayer_lowered:
.L_overlay_start_2:
0x167: {  	(tag) =	ssettag $0x2  }
0x168: {  	s0 =	rddreg [dreg:$0x0];
	s2 =	stileid.u32  }
0x169: {  	s1 =	rddreg [dreg:$0x1];
	p0 =	sne.s32 s2, $0x0  }
0x16a: {  	s3 =	rddreg [dreg:$0x2];
	[bflag:$0x3] =	sbarrier.arrive $0xFFFF;
	s2 =	simm.s32 @!p0 $0x1C13  }
0x16b: {  	[timem:s3], [sflag:s2] =	dma.local @!p0 [hbm:s0], s1  }
0x16c: {  	s0 =	simm.s32 @!p0 $0x13  }
0x16d: {  	_ =	swait.ge @!p0 [sflag:s0], s1  }
0x16e: {  	s1 =	ssub.s32 @!p0 $0x0, s1;
	[sflag:s0] =	ssyncset.done @!p0 $0x0  }
0x16f: {  	[sflag:s0] =	ssyncadd.s32 @!p0 s1  }
0x170: {  	[bflag:$0x3] =	sbarrier.arrive $0xFFFF  }
0x171: {  	_ =	shalt  }

</sc_bundles>
